<compile_context>
chip_gen: v7x
topology: tpu7x:2x2x1
jax: 0.10.2.dev20260603
libtpu: 0.0.44.dev20260713+nightly
codegen_flags: <defaults>
</compile_context>

<pallas_src>
import functools

import jax
import jax.numpy as jnp
from jax import lax
from jax.experimental import pallas as pl
from jax.experimental.pallas import tpu as pltpu
from jax.experimental.pallas import tpu_sc as plsc

N_NODES = 10000
N_EDGES = 40000
D = 128
H = 32
ED = 16

NW = 32
CH = 128
NCH_H = 5
E_PER_W_H = NCH_H * CH
E_HALF = NW * E_PER_W_H
H1_BASE = N_EDGES - E_HALF
N_PAD = 10240
ZROWS = N_PAD // 16
OROWS = N_NODES // 16

BE = 320
BN = 1000


def _gather_body(x_hbm, col_hbm, out_hbm, idx_v, rows_v, sem0, sem1):
    c = lax.axis_index("c")
    s = lax.axis_index("s")
    wid = s * 2 + c
    base = wid * E_PER_W_H
    sems = (sem0, sem1)

    pltpu.sync_copy(col_hbm.at[pl.ds(base, E_PER_W_H)], idx_v)

    def idx(j):
        return idx_v.at[pl.ds(j * CH, CH)]

    cps = [pltpu.async_copy(x_hbm.at[idx(0)], rows_v.at[0], sem0), None]
    for j in range(NCH_H):
        b = j % 2
        if j + 1 < NCH_H:
            nb = (j + 1) % 2
            cps[nb] = pltpu.async_copy(
                x_hbm.at[idx(j + 1)], rows_v.at[nb], sems[nb])
        cps[b].wait()
        pltpu.sync_copy(rows_v.at[b], out_hbm.at[pl.ds(base + j * CH, CH)])


@functools.cache
def _gather():
    mesh = plsc.VectorSubcoreMesh(core_axis_name="c", subcore_axis_name="s")
    return pl.kernel(
        _gather_body,
        mesh=mesh,
        out_type=jax.ShapeDtypeStruct((E_HALF, D), jnp.float32),
        scratch_types=[
            pltpu.VMEM((E_PER_W_H,), jnp.int32),
            pltpu.VMEM((2, CH, D), jnp.float32),
            pltpu.SemaphoreType.DMA,
            pltpu.SemaphoreType.DMA,
        ],
    )


def _edge_body(ea_ref, hj_ref, w1_ref, b1_ref, w2v_ref, rsel_ref, b2m_ref,
               out_ref, *, e_base, keep_lo):
    ea = ea_ref[...]
    hj = hj_ref[...]
    h = jnp.dot(ea, w1_ref[...], preferred_element_type=jnp.float32)
    h = h + b1_ref[...]
    h = h * jax.nn.sigmoid(h)
    c = jnp.dot(hj.astype(jnp.bfloat16), w2v_ref[...],
                preferred_element_type=jnp.float32)
    h_rep = jnp.dot(h.astype(jnp.bfloat16), rsel_ref[...],
                    preferred_element_type=jnp.float32)
    p = c * h_rep
    w = D * H
    while w > H:
        w //= 2
        p = p[:, :w] + p[:, w:]
    m = p + jnp.dot(hj, b2m_ref[...], preferred_element_type=jnp.float32)
    e0 = e_base + pl.program_id(0) * BE
    eids = e0 + lax.broadcasted_iota(jnp.int32, (BE, H), 0)
    out_ref[...] = jnp.where(eids >= keep_lo, m, 0.0)


def _edge_messages(ea, hj, W1, b1, W2v, Rsel, B2, e_base, keep_lo):
    grid = (E_HALF // BE,)
    blk_ofs = e_base // BE
    return pl.pallas_call(
        functools.partial(_edge_body, e_base=e_base, keep_lo=keep_lo),
        grid=grid,
        in_specs=[
            pl.BlockSpec((BE, ED), lambda i: (i + blk_ofs, 0)),
            pl.BlockSpec((BE, D), lambda i: (i, 0)),
            pl.BlockSpec((ED, D), lambda i: (0, 0)),
            pl.BlockSpec((1, D), lambda i: (0, 0)),
            pl.BlockSpec((D, H * D), lambda i: (0, 0)),
            pl.BlockSpec((D, H * D), lambda i: (0, 0)),
            pl.BlockSpec((D, H), lambda i: (0, 0)),
        ],
        out_specs=pl.BlockSpec((BE, H), lambda i: (i, 0)),
        out_shape=jax.ShapeDtypeStruct((E_HALF, H), jnp.float32),
    )(ea, hj, W1, b1, W2v, Rsel, B2)


def _scatter_body(msg0_hbm, msg1_hbm, row_hbm, zeros_hbm, out_hbm,
                  idx_v, msg_v, shared):
    c = lax.axis_index("c")
    s = lax.axis_index("s")
    wid = s * 2 + c
    pltpu.sync_copy(zeros_hbm.at[pl.ds(s * ZROWS, ZROWS)],
                    shared.at[pl.ds(s * ZROWS, ZROWS)])
    pltpu.sync_copy(row_hbm.at[wid], idx_v)
    plsc.subcore_barrier()

    for j in range(2 * NCH_H):
        src = msg0_hbm if j < NCH_H else msg1_hbm
        off = wid * E_PER_W_H + (j % NCH_H) * CH
        pltpu.sync_copy(src.at[pl.ds(off, CH)], msg_v)
        pltpu.sync_copy(msg_v, shared.at[idx_v.at[j]], add=True)

    plsc.subcore_barrier()
    pltpu.sync_copy(shared.at[pl.ds(s * OROWS, OROWS)],
                    out_hbm.at[c, pl.ds(s * OROWS, OROWS)])


@functools.cache
def _scatter():
    mesh = plsc.VectorSubcoreMesh(core_axis_name="c", subcore_axis_name="s")
    return pl.kernel(
        _scatter_body,
        mesh=mesh,
        out_type=jax.ShapeDtypeStruct((2, N_NODES, H), jnp.float32),
        scratch_types=[
            pltpu.VMEM((2 * NCH_H, CH), jnp.int32),
            pltpu.VMEM((CH, H), jnp.float32),
            pltpu.VMEM_SHARED((N_PAD, H), jnp.float32),
        ],
        compiler_params=pltpu.CompilerParams(use_tc_tiling_on_sc=False),
    )


def _gru_body(x_ref, agg_ref, wih_ref, whh_ref, bih_ref, bhh_ref,
              lnw_ref, lnb_ref, out_ref):
    x = x_ref[...]
    agg = agg_ref[0] + agg_ref[1]
    gi = jnp.dot(agg, wih_ref[...], preferred_element_type=jnp.float32)
    gi = gi + bih_ref[...]
    gh = jnp.dot(x, whh_ref[...], preferred_element_type=jnp.float32)
    gh = gh + bhh_ref[...]
    r = jax.nn.sigmoid(gi[:, :D] + gh[:, :D])
    z = jax.nn.sigmoid(gi[:, D:2 * D] + gh[:, D:2 * D])
    n = jnp.tanh(gi[:, 2 * D:] + r * gh[:, 2 * D:])
    xn = (1.0 - z) * n + z * x
    mu = jnp.mean(xn, axis=-1, keepdims=True)
    d = xn - mu
    var = jnp.mean(d * d, axis=-1, keepdims=True)
    out_ref[...] = d * lax.rsqrt(var + 1e-5) * lnw_ref[...] + lnb_ref[...]


def _gru_ln(x, agg2, WihT, WhhT, b_ih, b_hh, ln_w, ln_b):
    grid = (N_NODES // BN,)
    return pl.pallas_call(
        _gru_body,
        grid=grid,
        in_specs=[
            pl.BlockSpec((BN, D), lambda i: (i, 0)),
            pl.BlockSpec((2, BN, H), lambda i: (0, i, 0)),
            pl.BlockSpec((H, 3 * D), lambda i: (0, 0)),
            pl.BlockSpec((D, 3 * D), lambda i: (0, 0)),
            pl.BlockSpec((1, 3 * D), lambda i: (0, 0)),
            pl.BlockSpec((1, 3 * D), lambda i: (0, 0)),
            pl.BlockSpec((1, D), lambda i: (0, 0)),
            pl.BlockSpec((1, D), lambda i: (0, 0)),
        ],
        out_specs=pl.BlockSpec((BN, D), lambda i: (i, 0)),
        out_shape=jax.ShapeDtypeStruct((N_NODES, D), jnp.float32),
    )(x, agg2, WihT, WhhT, b_ih, b_hh, ln_w, ln_b)


def kernel(x, edge_index, edge_attr, W1, b1, W2, b2, W_ih, W_hh, b_ih, b_hh,
           ln_w, ln_b):
    row = edge_index[0]
    col = edge_index[1]

    W2v = W2.reshape(D, D, H).transpose(1, 0, 2).reshape(D, H * D)
    W2v = W2v.astype(jnp.bfloat16)
    lane = jnp.arange(H * D, dtype=jnp.int32) // H
    Rsel = (jnp.arange(D, dtype=jnp.int32)[:, None] == lane[None, :])
    Rsel = Rsel.astype(jnp.bfloat16)
    WihT = W_ih.T
    WhhT = W_hh.T

    col0 = col[:E_HALF]
    col1 = col[H1_BASE:]
    row_all = jnp.concatenate([row[:E_HALF].reshape(NW, NCH_H, CH),
                               row[H1_BASE:].reshape(NW, NCH_H, CH)],
                              axis=1)
    zeros = jnp.zeros((N_PAD, H), jnp.float32)

    hj0 = _gather()(x, col0)
    hj1 = _gather()(x, col1)
    b1r = b1.reshape(1, D)
    B2 = b2.reshape(D, H)
    m0 = _edge_messages(edge_attr, hj0, W1, b1r, W2v, Rsel, B2, 0, 0)
    m1 = _edge_messages(edge_attr, hj1, W1, b1r, W2v, Rsel, B2, H1_BASE,
                        E_HALF)
    agg2 = _scatter()(m0, m1, row_all, zeros)
    return _gru_ln(x, agg2, WihT, WhhT, b_ih.reshape(1, 3 * D),
                   b_hh.reshape(1, 3 * D), ln_w.reshape(1, D),
                   ln_b.reshape(1, D))

# --- scband reference (transcript-rebuilt; emitter-appended) ---
"""Pipeline reference for scband-mpnnlayer-46720654246225 (READ-ONLY COPY).

The authoritative reference and input builder live on the scoring server;
editing this copy changes nothing except your own understanding.
"""

import jax, jax.numpy as jnp
import numpy as np

NODE_DIM = 128
EDGE_DIM = 16
HIDDEN_DIM = 32
N_NODES = 10000
N_EDGES = 40000


def setup_inputs(seed: int = 0) -> dict:
    key = jax.random.key(seed)
    ks = jax.random.split(key, 12)
    x = jax.random.normal(ks[0], (N_NODES, NODE_DIM), dtype=jnp.float32)
    edge_index = jax.random.randint(ks[1], (2, N_EDGES), 0, N_NODES, dtype=jnp.int32)
    edge_attr = jax.random.normal(ks[2], (N_EDGES, EDGE_DIM), dtype=jnp.float32)
    # EdgeNetwork params: Linear(EDGE_DIM, 128) -> SiLU -> Linear(128, NODE_DIM*HIDDEN_DIM)
    W1 = jax.random.normal(ks[3], (EDGE_DIM, 128), dtype=jnp.float32) * 0.1
    b1 = jnp.zeros((128,), dtype=jnp.float32)
    W2 = jax.random.normal(ks[4], (128, NODE_DIM * HIDDEN_DIM), dtype=jnp.float32) * 0.05
    b2 = jnp.zeros((NODE_DIM * HIDDEN_DIM,), dtype=jnp.float32)
    # GRUCell(input=HIDDEN_DIM, hidden=NODE_DIM) params (torch layout: [3*H, in])
    W_ih = jax.random.normal(ks[5], (3 * NODE_DIM, HIDDEN_DIM), dtype=jnp.float32) * 0.1
    W_hh = jax.random.normal(ks[6], (3 * NODE_DIM, NODE_DIM), dtype=jnp.float32) * 0.1
    b_ih = jnp.zeros((3 * NODE_DIM,), dtype=jnp.float32)
    b_hh = jnp.zeros((3 * NODE_DIM,), dtype=jnp.float32)
    # LayerNorm params
    ln_w = jnp.ones((NODE_DIM,), dtype=jnp.float32)
    ln_b = jnp.zeros((NODE_DIM,), dtype=jnp.float32)
    return {"x": x, "edge_index": edge_index, "edge_attr": edge_attr,
            "W1": W1, "b1": b1, "W2": W2, "b2": b2,
            "W_ih": W_ih, "W_hh": W_hh, "b_ih": b_ih, "b_hh": b_hh,
            "ln_w": ln_w, "ln_b": ln_b}


def reference(x, edge_index, edge_attr, W1, b1, W2, b2, W_ih, W_hh, b_ih, b_hh, ln_w, ln_b):
    row = edge_index[0]
    col = edge_index[1]
    # EdgeNetwork: edge_attr -> A[E, NODE_DIM, HIDDEN_DIM]
    h = edge_attr @ W1 + b1
    h = h * jax.nn.sigmoid(h)  # SiLU
    A = (h @ W2 + b2).reshape(-1, NODE_DIM, HIDDEN_DIM)
    # Messages: m_ij = h_j @ A_ij  (bmm of [E,1,NODE_DIM] x [E,NODE_DIM,HIDDEN_DIM])
    h_j = x[col]
    messages = jnp.einsum('ei,eio->eo', h_j, A)
    # scatter_add over destination nodes
    agg = jax.ops.segment_sum(messages, row, num_segments=x.shape[0])
    # GRUCell(agg, x)  (torch semantics)
    gi = agg @ W_ih.T + b_ih
    gh = x @ W_hh.T + b_hh
    i_r, i_z, i_n = jnp.split(gi, 3, axis=-1)
    h_r, h_z, h_n = jnp.split(gh, 3, axis=-1)
    r = jax.nn.sigmoid(i_r + h_r)
    z = jax.nn.sigmoid(i_z + h_z)
    n = jnp.tanh(i_n + r * h_n)
    x_new = (1.0 - z) * n + z * x
    # LayerNorm
    mu = jnp.mean(x_new, axis=-1, keepdims=True)
    var = jnp.var(x_new, axis=-1, keepdims=True)
    out = (x_new - mu) / jnp.sqrt(var + 1e-5) * ln_w + ln_b
    return out

if __name__ == "__main__":
    import jax
    _d = setup_inputs()
    print(jax.jit(kernel)(*tuple(_d.values())))

</pallas_src>

<mosaic_0001>
#map = affine_map<(d0, d1) -> (0, 0)>
#map1 = affine_map<(d0, d1) -> (0)>
module attributes {stable_mosaic.version = 14 : i64} {
  func.func @_gather_body(%arg0: i32, %arg1: i32, %arg2: memref<10000x128xf32, #tpu.memory_space<hbm>>, %arg3: memref<20480xi32, #tpu.memory_space<hbm>>, %arg4: memref<20480x128xf32, #tpu.memory_space<hbm>>, %arg5: memref<640xi32, #tpu.memory_space<vmem>>, %arg6: memref<2x128x128xf32, #tpu.memory_space<vmem>>, %arg7: memref<!tpu.dma_semaphore, #tpu.memory_space<semaphore_mem>>, %arg8: memref<!tpu.dma_semaphore, #tpu.memory_space<semaphore_mem>>) attributes {dimension_semantics = [#tpu.dimension_semantics<core_parallel>, #tpu.dimension_semantics<subcore_parallel>], iteration_bounds = array<i64: 2, 16>, scalar_prefetch = 0 : i64, scratch_operands = 4 : i64, tpu.core_type = #tpu.core_type<sc_vector_subcore>, window_params = [{transform_indices = #map}, {transform_indices = #map1}, {transform_indices = #map}]} {
    %mul3A = arith.constant 2 : i32
    %mul3A_0 = arith.muli %arg1, %mul3A : i32
    %add3A = arith.addi %mul3A_0, %arg0 : i32
    %mul3A_1 = arith.constant 640 : i32
    %mul3A_2 = arith.muli %add3A, %mul3A_1 : i32
    "tpu.region"() ({
      %run_scoped3A_115 = tpu.sem_alloc : memref<!tpu.dma_semaphore, #tpu.memory_space<semaphore_mem>>
      %dma_start3A_116 = tpu.memref_slice %arg3[%mul3A_2] : memref<20480xi32, #tpu.memory_space<hbm>> -> memref<640xi32, #tpu.memory_space<hbm>>
      %dma_start3A_117 = tpu.memref_slice %arg3[%mul3A_2] : memref<20480xi32, #tpu.memory_space<hbm>> -> memref<640xi32, #tpu.memory_space<hbm>>
      tpu.enqueue_dma source(%dma_start3A_117 : memref<640xi32, #tpu.memory_space<hbm>>) target(%arg5 : memref<640xi32, #tpu.memory_space<vmem>>) target_semaphore(%run_scoped3A_115 : memref<!tpu.dma_semaphore, #tpu.memory_space<semaphore_mem>>)
      %dma_wait3A_118 = tpu.memref_slice %arg3[%mul3A_2] : memref<20480xi32, #tpu.memory_space<hbm>> -> memref<640xi32, #tpu.memory_space<hbm>>
      %dma_wait3A_119 = tpu.memref_slice %arg3[%mul3A_2] : memref<20480xi32, #tpu.memory_space<hbm>> -> memref<640xi32, #tpu.memory_space<hbm>>
      tpu.wait_dma2 semaphore(%run_scoped3A_115 : memref<!tpu.dma_semaphore, #tpu.memory_space<semaphore_mem>>) src(%dma_wait3A_119 : memref<640xi32, #tpu.memory_space<hbm>>) dst(%arg5 : memref<640xi32, #tpu.memory_space<vmem>>)
      tpu.yield
    }) : () -> ()
    %dma_start3A = arith.constant 0 : i32
    %dma_start3A_3 = arith.constant 0 : i32
    %dma_start3A_4 = arith.constant 0 : i32
    %dma_start3A_5 = tpu.memref_slice %arg6[%dma_start3A, %dma_start3A_3, %dma_start3A_4] : memref<2x128x128xf32, #tpu.memory_space<vmem>> -> memref<1x128x128xf32, #tpu.memory_space<vmem>>
    %dma_start3A_6 = tpu.memref_squeeze %dma_start3A_5 : memref<1x128x128xf32, #tpu.memory_space<vmem>> -> memref<128x128xf32, #tpu.memory_space<vmem>>
    %dma_start3A_7 = arith.constant 0 : i32
    %dma_start3A_8 = tpu.memref_slice %arg5[%dma_start3A_7] : memref<640xi32, #tpu.memory_space<vmem>> -> memref<128xi32, #tpu.memory_space<vmem>>
    %dma_start3A_9 = arith.constant 0 : i32
    %dma_start3A_10 = arith.constant 0 : i32
    %dma_start3A_11 = tpu.memref_slice %arg2[%dma_start3A_9, %dma_start3A_10] : memref<10000x128xf32, #tpu.memory_space<hbm>> -> memref<10000x128xf32, #tpu.memory_space<hbm>>
    tpu.enqueue_indirect_dma source(%dma_start3A_11 : memref<10000x128xf32, #tpu.memory_space<hbm>>) target(%dma_start3A_6 : memref<128x128xf32, #tpu.memory_space<vmem>>) offsets(%dma_start3A_8 : memref<128xi32, #tpu.memory_space<vmem>>) semaphore(%arg7 : memref<!tpu.dma_semaphore, #tpu.memory_space<semaphore_mem>>)
    %dma_start3A_12 = arith.constant 1 : i32
    %dma_start3A_13 = arith.constant 0 : i32
    %dma_start3A_14 = arith.constant 0 : i32
    %dma_start3A_15 = tpu.memref_slice %arg6[%dma_start3A_12, %dma_start3A_13, %dma_start3A_14] : memref<2x128x128xf32, #tpu.memory_space<vmem>> -> memref<1x128x128xf32, #tpu.memory_space<vmem>>
    %dma_start3A_16 = tpu.memref_squeeze %dma_start3A_15 : memref<1x128x128xf32, #tpu.memory_space<vmem>> -> memref<128x128xf32, #tpu.memory_space<vmem>>
    %dma_start3A_17 = arith.constant 128 : i32
    %dma_start3A_18 = tpu.memref_slice %arg5[%dma_start3A_17] : memref<640xi32, #tpu.memory_space<vmem>> -> memref<128xi32, #tpu.memory_space<vmem>>
    %dma_start3A_19 = arith.constant 0 : i32
    %dma_start3A_20 = arith.constant 0 : i32
    %dma_start3A_21 = tpu.memref_slice %arg2[%dma_start3A_19, %dma_start3A_20] : memref<10000x128xf32, #tpu.memory_space<hbm>> -> memref<10000x128xf32, #tpu.memory_space<hbm>>
    tpu.enqueue_indirect_dma source(%dma_start3A_21 : memref<10000x128xf32, #tpu.memory_space<hbm>>) target(%dma_start3A_16 : memref<128x128xf32, #tpu.memory_space<vmem>>) offsets(%dma_start3A_18 : memref<128xi32, #tpu.memory_space<vmem>>) semaphore(%arg8 : memref<!tpu.dma_semaphore, #tpu.memory_space<semaphore_mem>>)
    %dma_wait3A = arith.constant 0 : i32
    %dma_wait3A_22 = arith.constant 0 : i32
    %dma_wait3A_23 = arith.constant 0 : i32
    %dma_wait3A_24 = tpu.memref_slice %arg6[%dma_wait3A, %dma_wait3A_22, %dma_wait3A_23] : memref<2x128x128xf32, #tpu.memory_space<vmem>> -> memref<1x128x128xf32, #tpu.memory_space<vmem>>
    %dma_wait3A_25 = tpu.memref_squeeze %dma_wait3A_24 : memref<1x128x128xf32, #tpu.memory_space<vmem>> -> memref<128x128xf32, #tpu.memory_space<vmem>>
    %dma_wait3A_26 = arith.constant 0 : i32
    %dma_wait3A_27 = tpu.memref_slice %arg5[%dma_wait3A_26] : memref<640xi32, #tpu.memory_space<vmem>> -> memref<128xi32, #tpu.memory_space<vmem>>
    %dma_wait3A_28 = arith.constant 0 : i32
    %dma_wait3A_29 = arith.constant 0 : i32
    %dma_wait3A_30 = tpu.memref_slice %arg2[%dma_wait3A_28, %dma_wait3A_29] : memref<10000x128xf32, #tpu.memory_space<hbm>> -> memref<10000x128xf32, #tpu.memory_space<hbm>>
    tpu.wait_indirect_dma semaphore(%arg7 : memref<!tpu.dma_semaphore, #tpu.memory_space<semaphore_mem>>) src(%dma_wait3A_30 : memref<10000x128xf32, #tpu.memory_space<hbm>>) dst(%dma_wait3A_25 : memref<128x128xf32, #tpu.memory_space<vmem>>)
    %add3A_31 = arith.constant 0 : i32
    %add3A_32 = arith.addi %mul3A_2, %add3A_31 : i32
    %run_scoped3A = arith.constant 0 : i32
    "tpu.region"() ({
      %run_scoped3A_115 = tpu.sem_alloc : memref<!tpu.dma_semaphore, #tpu.memory_space<semaphore_mem>>
      %dma_start3A_116 = arith.constant 0 : i32
      %dma_start3A_117 = arith.constant 0 : i32
      %dma_start3A_118 = tpu.memref_slice %arg6[%run_scoped3A, %dma_start3A_116, %dma_start3A_117] : memref<2x128x128xf32, #tpu.memory_space<vmem>> -> memref<1x128x128xf32, #tpu.memory_space<vmem>>
      %dma_start3A_119 = tpu.memref_squeeze %dma_start3A_118 : memref<1x128x128xf32, #tpu.memory_space<vmem>> -> memref<128x128xf32, #tpu.memory_space<vmem>>
      %dma_start3A_120 = arith.constant 0 : i32
      %dma_start3A_121 = tpu.memref_slice %arg4[%add3A_32, %dma_start3A_120] : memref<20480x128xf32, #tpu.memory_space<hbm>> -> memref<128x128xf32, #tpu.memory_space<hbm>>
      %dma_start3A_122 = arith.constant 0 : i32
      %dma_start3A_123 = tpu.memref_slice %arg4[%add3A_32, %dma_start3A_122] : memref<20480x128xf32, #tpu.memory_space<hbm>> -> memref<128x128xf32, #tpu.memory_space<hbm>>
      %dma_start3A_124 = arith.constant 0 : i32
      %dma_start3A_125 = arith.constant 0 : i32
      %dma_start3A_126 = tpu.memref_slice %arg6[%run_scoped3A, %dma_start3A_124, %dma_start3A_125] : memref<2x128x128xf32, #tpu.memory_space<vmem>> -> memref<1x128x128xf32, #tpu.memory_space<vmem>>
      %dma_start3A_127 = tpu.memref_squeeze %dma_start3A_126 : memref<1x128x128xf32, #tpu.memory_space<vmem>> -> memref<128x128xf32, #tpu.memory_space<vmem>>
      tpu.enqueue_dma source(%dma_start3A_127 : memref<128x128xf32, #tpu.memory_space<vmem>>) target(%dma_start3A_123 : memref<128x128xf32, #tpu.memory_space<hbm>>) target_semaphore(%run_scoped3A_115 : memref<!tpu.dma_semaphore, #tpu.memory_space<semaphore_mem>>)
      %dma_wait3A_128 = arith.constant 0 : i32
      %dma_wait3A_129 = arith.constant 0 : i32
      %dma_wait3A_130 = tpu.memref_slice %arg6[%run_scoped3A, %dma_wait3A_128, %dma_wait3A_129] : memref<2x128x128xf32, #tpu.memory_space<vmem>> -> memref<1x128x128xf32, #tpu.memory_space<vmem>>
      %dma_wait3A_131 = tpu.memref_squeeze %dma_wait3A_130 : memref<1x128x128xf32, #tpu.memory_space<vmem>> -> memref<128x128xf32, #tpu.memory_space<vmem>>
      %dma_wait3A_132 = arith.constant 0 : i32
      %dma_wait3A_133 = tpu.memref_slice %arg4[%add3A_32, %dma_wait3A_132] : memref<20480x128xf32, #tpu.memory_space<hbm>> -> memref<128x128xf32, #tpu.memory_space<hbm>>
      %dma_wait3A_134 = arith.constant 0 : i32
      %dma_wait3A_135 = tpu.memref_slice %arg4[%add3A_32, %dma_wait3A_134] : memref<20480x128xf32, #tpu.memory_space<hbm>> -> memref<128x128xf32, #tpu.memory_space<hbm>>
      %dma_wait3A_136 = arith.constant 0 : i32
      %dma_wait3A_137 = arith.constant 0 : i32
      %dma_wait3A_138 = tpu.memref_slice %arg6[%run_scoped3A, %dma_wait3A_136, %dma_wait3A_137] : memref<2x128x128xf32, #tpu.memory_space<vmem>> -> memref<1x128x128xf32, #tpu.memory_space<vmem>>
      %dma_wait3A_139 = tpu.memref_squeeze %dma_wait3A_138 : memref<1x128x128xf32, #tpu.memory_space<vmem>> -> memref<128x128xf32, #tpu.memory_space<vmem>>
      tpu.wait_dma2 semaphore(%run_scoped3A_115 : memref<!tpu.dma_semaphore, #tpu.memory_space<semaphore_mem>>) src(%dma_wait3A_139 : memref<128x128xf32, #tpu.memory_space<vmem>>) dst(%dma_wait3A_135 : memref<128x128xf32, #tpu.memory_space<hbm>>)
      tpu.yield
    }) : () -> ()
    %dma_start3A_33 = arith.constant 0 : i32
    %dma_start3A_34 = arith.constant 0 : i32
    %dma_start3A_35 = arith.constant 0 : i32
    %dma_start3A_36 = tpu.memref_slice %arg6[%dma_start3A_33, %dma_start3A_34, %dma_start3A_35] : memref<2x128x128xf32, #tpu.memory_space<vmem>> -> memref<1x128x128xf32, #tpu.memory_space<vmem>>
    %dma_start3A_37 = tpu.memref_squeeze %dma_start3A_36 : memref<1x128x128xf32, #tpu.memory_space<vmem>> -> memref<128x128xf32, #tpu.memory_space<vmem>>
    %dma_start3A_38 = arith.constant 256 : i32
    %dma_start3A_39 = tpu.memref_slice %arg5[%dma_start3A_38] : memref<640xi32, #tpu.memory_space<vmem>> -> memref<128xi32, #tpu.memory_space<vmem>>
    %dma_start3A_40 = arith.constant 0 : i32
    %dma_start3A_41 = arith.constant 0 : i32
    %dma_start3A_42 = tpu.memref_slice %arg2[%dma_start3A_40, %dma_start3A_41] : memref<10000x128xf32, #tpu.memory_space<hbm>> -> memref<10000x128xf32, #tpu.memory_space<hbm>>
    tpu.enqueue_indirect_dma source(%dma_start3A_42 : memref<10000x128xf32, #tpu.memory_space<hbm>>) target(%dma_start3A_37 : memref<128x128xf32, #tpu.memory_space<vmem>>) offsets(%dma_start3A_39 : memref<128xi32, #tpu.memory_space<vmem>>) semaphore(%arg7 : memref<!tpu.dma_semaphore, #tpu.memory_space<semaphore_mem>>)
    %dma_wait3A_43 = arith.constant 1 : i32
    %dma_wait3A_44 = arith.constant 0 : i32
    %dma_wait3A_45 = arith.constant 0 : i32
    %dma_wait3A_46 = tpu.memref_slice %arg6[%dma_wait3A_43, %dma_wait3A_44, %dma_wait3A_45] : memref<2x128x128xf32, #tpu.memory_space<vmem>> -> memref<1x128x128xf32, #tpu.memory_space<vmem>>
    %dma_wait3A_47 = tpu.memref_squeeze %dma_wait3A_46 : memref<1x128x128xf32, #tpu.memory_space<vmem>> -> memref<128x128xf32, #tpu.memory_space<vmem>>
    %dma_wait3A_48 = arith.constant 128 : i32
    %dma_wait3A_49 = tpu.memref_slice %arg5[%dma_wait3A_48] : memref<640xi32, #tpu.memory_space<vmem>> -> memref<128xi32, #tpu.memory_space<vmem>>
    %dma_wait3A_50 = arith.constant 0 : i32
    %dma_wait3A_51 = arith.constant 0 : i32
    %dma_wait3A_52 = tpu.memref_slice %arg2[%dma_wait3A_50, %dma_wait3A_51] : memref<10000x128xf32, #tpu.memory_space<hbm>> -> memref<10000x128xf32, #tpu.memory_space<hbm>>
    tpu.wait_indirect_dma semaphore(%arg8 : memref<!tpu.dma_semaphore, #tpu.memory_space<semaphore_mem>>) src(%dma_wait3A_52 : memref<10000x128xf32, #tpu.memory_space<hbm>>) dst(%dma_wait3A_47 : memref<128x128xf32, #tpu.memory_space<vmem>>)
    %add3A_53 = arith.constant 128 : i32
    %add3A_54 = arith.addi %mul3A_2, %add3A_53 : i32
    %run_scoped3A_55 = arith.constant 1 : i32
    "tpu.region"() ({
      %run_scoped3A_115 = tpu.sem_alloc : memref<!tpu.dma_semaphore, #tpu.memory_space<semaphore_mem>>
      %dma_start3A_116 = arith.constant 0 : i32
      %dma_start3A_117 = arith.constant 0 : i32
      %dma_start3A_118 = tpu.memref_slice %arg6[%run_scoped3A_55, %dma_start3A_116, %dma_start3A_117] : memref<2x128x128xf32, #tpu.memory_space<vmem>> -> memref<1x128x128xf32, #tpu.memory_space<vmem>>
      %dma_start3A_119 = tpu.memref_squeeze %dma_start3A_118 : memref<1x128x128xf32, #tpu.memory_space<vmem>> -> memref<128x128xf32, #tpu.memory_space<vmem>>
      %dma_start3A_120 = arith.constant 0 : i32
      %dma_start3A_121 = tpu.memref_slice %arg4[%add3A_54, %dma_start3A_120] : memref<20480x128xf32, #tpu.memory_space<hbm>> -> memref<128x128xf32, #tpu.memory_space<hbm>>
      %dma_start3A_122 = arith.constant 0 : i32
      %dma_start3A_123 = tpu.memref_slice %arg4[%add3A_54, %dma_start3A_122] : memref<20480x128xf32, #tpu.memory_space<hbm>> -> memref<128x128xf32, #tpu.memory_space<hbm>>
      %dma_start3A_124 = arith.constant 0 : i32
      %dma_start3A_125 = arith.constant 0 : i32
      %dma_start3A_126 = tpu.memref_slice %arg6[%run_scoped3A_55, %dma_start3A_124, %dma_start3A_125] : memref<2x128x128xf32, #tpu.memory_space<vmem>> -> memref<1x128x128xf32, #tpu.memory_space<vmem>>
      %dma_start3A_127 = tpu.memref_squeeze %dma_start3A_126 : memref<1x128x128xf32, #tpu.memory_space<vmem>> -> memref<128x128xf32, #tpu.memory_space<vmem>>
      tpu.enqueue_dma source(%dma_start3A_127 : memref<128x128xf32, #tpu.memory_space<vmem>>) target(%dma_start3A_123 : memref<128x128xf32, #tpu.memory_space<hbm>>) target_semaphore(%run_scoped3A_115 : memref<!tpu.dma_semaphore, #tpu.memory_space<semaphore_mem>>)
      %dma_wait3A_128 = arith.constant 0 : i32
      %dma_wait3A_129 = arith.constant 0 : i32
      %dma_wait3A_130 = tpu.memref_slice %arg6[%run_scoped3A_55, %dma_wait3A_128, %dma_wait3A_129] : memref<2x128x128xf32, #tpu.memory_space<vmem>> -> memref<1x128x128xf32, #tpu.memory_space<vmem>>
      %dma_wait3A_131 = tpu.memref_squeeze %dma_wait3A_130 : memref<1x128x128xf32, #tpu.memory_space<vmem>> -> memref<128x128xf32, #tpu.memory_space<vmem>>
      %dma_wait3A_132 = arith.constant 0 : i32
      %dma_wait3A_133 = tpu.memref_slice %arg4[%add3A_54, %dma_wait3A_132] : memref<20480x128xf32, #tpu.memory_space<hbm>> -> memref<128x128xf32, #tpu.memory_space<hbm>>
      %dma_wait3A_134 = arith.constant 0 : i32
      %dma_wait3A_135 = tpu.memref_slice %arg4[%add3A_54, %dma_wait3A_134] : memref<20480x128xf32, #tpu.memory_space<hbm>> -> memref<128x128xf32, #tpu.memory_space<hbm>>
      %dma_wait3A_136 = arith.constant 0 : i32
      %dma_wait3A_137 = arith.constant 0 : i32
      %dma_wait3A_138 = tpu.memref_slice %arg6[%run_scoped3A_55, %dma_wait3A_136, %dma_wait3A_137] : memref<2x128x128xf32, #tpu.memory_space<vmem>> -> memref<1x128x128xf32, #tpu.memory_space<vmem>>
      %dma_wait3A_139 = tpu.memref_squeeze %dma_wait3A_138 : memref<1x128x128xf32, #tpu.memory_space<vmem>> -> memref<128x128xf32, #tpu.memory_space<vmem>>
      tpu.wait_dma2 semaphore(%run_scoped3A_115 : memref<!tpu.dma_semaphore, #tpu.memory_space<semaphore_mem>>) src(%dma_wait3A_139 : memref<128x128xf32, #tpu.memory_space<vmem>>) dst(%dma_wait3A_135 : memref<128x128xf32, #tpu.memory_space<hbm>>)
      tpu.yield
    }) : () -> ()
    %dma_start3A_56 = arith.constant 1 : i32
    %dma_start3A_57 = arith.constant 0 : i32
    %dma_start3A_58 = arith.constant 0 : i32
    %dma_start3A_59 = tpu.memref_slice %arg6[%dma_start3A_56, %dma_start3A_57, %dma_start3A_58] : memref<2x128x128xf32, #tpu.memory_space<vmem>> -> memref<1x128x128xf32, #tpu.memory_space<vmem>>
    %dma_start3A_60 = tpu.memref_squeeze %dma_start3A_59 : memref<1x128x128xf32, #tpu.memory_space<vmem>> -> memref<128x128xf32, #tpu.memory_space<vmem>>
    %dma_start3A_61 = arith.constant 384 : i32
    %dma_start3A_62 = tpu.memref_slice %arg5[%dma_start3A_61] : memref<640xi32, #tpu.memory_space<vmem>> -> memref<128xi32, #tpu.memory_space<vmem>>
    %dma_start3A_63 = arith.constant 0 : i32
    %dma_start3A_64 = arith.constant 0 : i32
    %dma_start3A_65 = tpu.memref_slice %arg2[%dma_start3A_63, %dma_start3A_64] : memref<10000x128xf32, #tpu.memory_space<hbm>> -> memref<10000x128xf32, #tpu.memory_space<hbm>>
    tpu.enqueue_indirect_dma source(%dma_start3A_65 : memref<10000x128xf32, #tpu.memory_space<hbm>>) target(%dma_start3A_60 : memref<128x128xf32, #tpu.memory_space<vmem>>) offsets(%dma_start3A_62 : memref<128xi32, #tpu.memory_space<vmem>>) semaphore(%arg8 : memref<!tpu.dma_semaphore, #tpu.memory_space<semaphore_mem>>)
    %dma_wait3A_66 = arith.constant 0 : i32
    %dma_wait3A_67 = arith.constant 0 : i32
    %dma_wait3A_68 = arith.constant 0 : i32
    %dma_wait3A_69 = tpu.memref_slice %arg6[%dma_wait3A_66, %dma_wait3A_67, %dma_wait3A_68] : memref<2x128x128xf32, #tpu.memory_space<vmem>> -> memref<1x128x128xf32, #tpu.memory_space<vmem>>
    %dma_wait3A_70 = tpu.memref_squeeze %dma_wait3A_69 : memref<1x128x128xf32, #tpu.memory_space<vmem>> -> memref<128x128xf32, #tpu.memory_space<vmem>>
    %dma_wait3A_71 = arith.constant 256 : i32
    %dma_wait3A_72 = tpu.memref_slice %arg5[%dma_wait3A_71] : memref<640xi32, #tpu.memory_space<vmem>> -> memref<128xi32, #tpu.memory_space<vmem>>
    %dma_wait3A_73 = arith.constant 0 : i32
    %dma_wait3A_74 = arith.constant 0 : i32
    %dma_wait3A_75 = tpu.memref_slice %arg2[%dma_wait3A_73, %dma_wait3A_74] : memref<10000x128xf32, #tpu.memory_space<hbm>> -> memref<10000x128xf32, #tpu.memory_space<hbm>>
    tpu.wait_indirect_dma semaphore(%arg7 : memref<!tpu.dma_semaphore, #tpu.memory_space<semaphore_mem>>) src(%dma_wait3A_75 : memref<10000x128xf32, #tpu.memory_space<hbm>>) dst(%dma_wait3A_70 : memref<128x128xf32, #tpu.memory_space<vmem>>)
    %add3A_76 = arith.constant 256 : i32
    %add3A_77 = arith.addi %mul3A_2, %add3A_76 : i32
    %run_scoped3A_78 = arith.constant 0 : i32
    "tpu.region"() ({
      %run_scoped3A_115 = tpu.sem_alloc : memref<!tpu.dma_semaphore, #tpu.memory_space<semaphore_mem>>
      %dma_start3A_116 = arith.constant 0 : i32
      %dma_start3A_117 = arith.constant 0 : i32
      %dma_start3A_118 = tpu.memref_slice %arg6[%run_scoped3A_78, %dma_start3A_116, %dma_start3A_117] : memref<2x128x128xf32, #tpu.memory_space<vmem>> -> memref<1x128x128xf32, #tpu.memory_space<vmem>>
      %dma_start3A_119 = tpu.memref_squeeze %dma_start3A_118 : memref<1x128x128xf32, #tpu.memory_space<vmem>> -> memref<128x128xf32, #tpu.memory_space<vmem>>
      %dma_start3A_120 = arith.constant 0 : i32
      %dma_start3A_121 = tpu.memref_slice %arg4[%add3A_77, %dma_start3A_120] : memref<20480x128xf32, #tpu.memory_space<hbm>> -> memref<128x128xf32, #tpu.memory_space<hbm>>
      %dma_start3A_122 = arith.constant 0 : i32
      %dma_start3A_123 = tpu.memref_slice %arg4[%add3A_77, %dma_start3A_122] : memref<20480x128xf32, #tpu.memory_space<hbm>> -> memref<128x128xf32, #tpu.memory_space<hbm>>
      %dma_start3A_124 = arith.constant 0 : i32
      %dma_start3A_125 = arith.constant 0 : i32
      %dma_start3A_126 = tpu.memref_slice %arg6[%run_scoped3A_78, %dma_start3A_124, %dma_start3A_125] : memref<2x128x128xf32, #tpu.memory_space<vmem>> -> memref<1x128x128xf32, #tpu.memory_space<vmem>>
      %dma_start3A_127 = tpu.memref_squeeze %dma_start3A_126 : memref<1x128x128xf32, #tpu.memory_space<vmem>> -> memref<128x128xf32, #tpu.memory_space<vmem>>
      tpu.enqueue_dma source(%dma_start3A_127 : memref<128x128xf32, #tpu.memory_space<vmem>>) target(%dma_start3A_123 : memref<128x128xf32, #tpu.memory_space<hbm>>) target_semaphore(%run_scoped3A_115 : memref<!tpu.dma_semaphore, #tpu.memory_space<semaphore_mem>>)
      %dma_wait3A_128 = arith.constant 0 : i32
      %dma_wait3A_129 = arith.constant 0 : i32
      %dma_wait3A_130 = tpu.memref_slice %arg6[%run_scoped3A_78, %dma_wait3A_128, %dma_wait3A_129] : memref<2x128x128xf32, #tpu.memory_space<vmem>> -> memref<1x128x128xf32, #tpu.memory_space<vmem>>
      %dma_wait3A_131 = tpu.memref_squeeze %dma_wait3A_130 : memref<1x128x128xf32, #tpu.memory_space<vmem>> -> memref<128x128xf32, #tpu.memory_space<vmem>>
      %dma_wait3A_132 = arith.constant 0 : i32
      %dma_wait3A_133 = tpu.memref_slice %arg4[%add3A_77, %dma_wait3A_132] : memref<20480x128xf32, #tpu.memory_space<hbm>> -> memref<128x128xf32, #tpu.memory_space<hbm>>
      %dma_wait3A_134 = arith.constant 0 : i32
      %dma_wait3A_135 = tpu.memref_slice %arg4[%add3A_77, %dma_wait3A_134] : memref<20480x128xf32, #tpu.memory_space<hbm>> -> memref<128x128xf32, #tpu.memory_space<hbm>>
      %dma_wait3A_136 = arith.constant 0 : i32
      %dma_wait3A_137 = arith.constant 0 : i32
      %dma_wait3A_138 = tpu.memref_slice %arg6[%run_scoped3A_78, %dma_wait3A_136, %dma_wait3A_137] : memref<2x128x128xf32, #tpu.memory_space<vmem>> -> memref<1x128x128xf32, #tpu.memory_space<vmem>>
      %dma_wait3A_139 = tpu.memref_squeeze %dma_wait3A_138 : memref<1x128x128xf32, #tpu.memory_space<vmem>> -> memref<128x128xf32, #tpu.memory_space<vmem>>
      tpu.wait_dma2 semaphore(%run_scoped3A_115 : memref<!tpu.dma_semaphore, #tpu.memory_space<semaphore_mem>>) src(%dma_wait3A_139 : memref<128x128xf32, #tpu.memory_space<vmem>>) dst(%dma_wait3A_135 : memref<128x128xf32, #tpu.memory_space<hbm>>)
      tpu.yield
    }) : () -> ()
    %dma_start3A_79 = arith.constant 0 : i32
    %dma_start3A_80 = arith.constant 0 : i32
    %dma_start3A_81 = arith.constant 0 : i32
    %dma_start3A_82 = tpu.memref_slice %arg6[%dma_start3A_79, %dma_start3A_80, %dma_start3A_81] : memref<2x128x128xf32, #tpu.memory_space<vmem>> -> memref<1x128x128xf32, #tpu.memory_space<vmem>>
    %dma_start3A_83 = tpu.memref_squeeze %dma_start3A_82 : memref<1x128x128xf32, #tpu.memory_space<vmem>> -> memref<128x128xf32, #tpu.memory_space<vmem>>
    %dma_start3A_84 = arith.constant 512 : i32
    %dma_start3A_85 = tpu.memref_slice %arg5[%dma_start3A_84] : memref<640xi32, #tpu.memory_space<vmem>> -> memref<128xi32, #tpu.memory_space<vmem>>
    %dma_start3A_86 = arith.constant 0 : i32
    %dma_start3A_87 = arith.constant 0 : i32
    %dma_start3A_88 = tpu.memref_slice %arg2[%dma_start3A_86, %dma_start3A_87] : memref<10000x128xf32, #tpu.memory_space<hbm>> -> memref<10000x128xf32, #tpu.memory_space<hbm>>
    tpu.enqueue_indirect_dma source(%dma_start3A_88 : memref<10000x128xf32, #tpu.memory_space<hbm>>) target(%dma_start3A_83 : memref<128x128xf32, #tpu.memory_space<vmem>>) offsets(%dma_start3A_85 : memref<128xi32, #tpu.memory_space<vmem>>) semaphore(%arg7 : memref<!tpu.dma_semaphore, #tpu.memory_space<semaphore_mem>>)
    %dma_wait3A_89 = arith.constant 1 : i32
    %dma_wait3A_90 = arith.constant 0 : i32
    %dma_wait3A_91 = arith.constant 0 : i32
    %dma_wait3A_92 = tpu.memref_slice %arg6[%dma_wait3A_89, %dma_wait3A_90, %dma_wait3A_91] : memref<2x128x128xf32, #tpu.memory_space<vmem>> -> memref<1x128x128xf32, #tpu.memory_space<vmem>>
    %dma_wait3A_93 = tpu.memref_squeeze %dma_wait3A_92 : memref<1x128x128xf32, #tpu.memory_space<vmem>> -> memref<128x128xf32, #tpu.memory_space<vmem>>
    %dma_wait3A_94 = arith.constant 384 : i32
    %dma_wait3A_95 = tpu.memref_slice %arg5[%dma_wait3A_94] : memref<640xi32, #tpu.memory_space<vmem>> -> memref<128xi32, #tpu.memory_space<vmem>>
    %dma_wait3A_96 = arith.constant 0 : i32
    %dma_wait3A_97 = arith.constant 0 : i32
    %dma_wait3A_98 = tpu.memref_slice %arg2[%dma_wait3A_96, %dma_wait3A_97] : memref<10000x128xf32, #tpu.memory_space<hbm>> -> memref<10000x128xf32, #tpu.memory_space<hbm>>
    tpu.wait_indirect_dma semaphore(%arg8 : memref<!tpu.dma_semaphore, #tpu.memory_space<semaphore_mem>>) src(%dma_wait3A_98 : memref<10000x128xf32, #tpu.memory_space<hbm>>) dst(%dma_wait3A_93 : memref<128x128xf32, #tpu.memory_space<vmem>>)
    %add3A_99 = arith.constant 384 : i32
    %add3A_100 = arith.addi %mul3A_2, %add3A_99 : i32
    %run_scoped3A_101 = arith.constant 1 : i32
    "tpu.region"() ({
      %run_scoped3A_115 = tpu.sem_alloc : memref<!tpu.dma_semaphore, #tpu.memory_space<semaphore_mem>>
      %dma_start3A_116 = arith.constant 0 : i32
      %dma_start3A_117 = arith.constant 0 : i32
      %dma_start3A_118 = tpu.memref_slice %arg6[%run_scoped3A_101, %dma_start3A_116, %dma_start3A_117] : memref<2x128x128xf32, #tpu.memory_space<vmem>> -> memref<1x128x128xf32, #tpu.memory_space<vmem>>
      %dma_start3A_119 = tpu.memref_squeeze %dma_start3A_118 : memref<1x128x128xf32, #tpu.memory_space<vmem>> -> memref<128x128xf32, #tpu.memory_space<vmem>>
      %dma_start3A_120 = arith.constant 0 : i32
      %dma_start3A_121 = tpu.memref_slice %arg4[%add3A_100, %dma_start3A_120] : memref<20480x128xf32, #tpu.memory_space<hbm>> -> memref<128x128xf32, #tpu.memory_space<hbm>>
      %dma_start3A_122 = arith.constant 0 : i32
      %dma_start3A_123 = tpu.memref_slice %arg4[%add3A_100, %dma_start3A_122] : memref<20480x128xf32, #tpu.memory_space<hbm>> -> memref<128x128xf32, #tpu.memory_space<hbm>>
      %dma_start3A_124 = arith.constant 0 : i32
      %dma_start3A_125 = arith.constant 0 : i32
      %dma_start3A_126 = tpu.memref_slice %arg6[%run_scoped3A_101, %dma_start3A_124, %dma_start3A_125] : memref<2x128x128xf32, #tpu.memory_space<vmem>> -> memref<1x128x128xf32, #tpu.memory_space<vmem>>
      %dma_start3A_127 = tpu.memref_squeeze %dma_start3A_126 : memref<1x128x128xf32, #tpu.memory_space<vmem>> -> memref<128x128xf32, #tpu.memory_space<vmem>>
      tpu.enqueue_dma source(%dma_start3A_127 : memref<128x128xf32, #tpu.memory_space<vmem>>) target(%dma_start3A_123 : memref<128x128xf32, #tpu.memory_space<hbm>>) target_semaphore(%run_scoped3A_115 : memref<!tpu.dma_semaphore, #tpu.memory_space<semaphore_mem>>)
      %dma_wait3A_128 = arith.constant 0 : i32
      %dma_wait3A_129 = arith.constant 0 : i32
      %dma_wait3A_130 = tpu.memref_slice %arg6[%run_scoped3A_101, %dma_wait3A_128, %dma_wait3A_129] : memref<2x128x128xf32, #tpu.memory_space<vmem>> -> memref<1x128x128xf32, #tpu.memory_space<vmem>>
      %dma_wait3A_131 = tpu.memref_squeeze %dma_wait3A_130 : memref<1x128x128xf32, #tpu.memory_space<vmem>> -> memref<128x128xf32, #tpu.memory_space<vmem>>
      %dma_wait3A_132 = arith.constant 0 : i32
      %dma_wait3A_133 = tpu.memref_slice %arg4[%add3A_100, %dma_wait3A_132] : memref<20480x128xf32, #tpu.memory_space<hbm>> -> memref<128x128xf32, #tpu.memory_space<hbm>>
      %dma_wait3A_134 = arith.constant 0 : i32
      %dma_wait3A_135 = tpu.memref_slice %arg4[%add3A_100, %dma_wait3A_134] : memref<20480x128xf32, #tpu.memory_space<hbm>> -> memref<128x128xf32, #tpu.memory_space<hbm>>
      %dma_wait3A_136 = arith.constant 0 : i32
      %dma_wait3A_137 = arith.constant 0 : i32
      %dma_wait3A_138 = tpu.memref_slice %arg6[%run_scoped3A_101, %dma_wait3A_136, %dma_wait3A_137] : memref<2x128x128xf32, #tpu.memory_space<vmem>> -> memref<1x128x128xf32, #tpu.memory_space<vmem>>
      %dma_wait3A_139 = tpu.memref_squeeze %dma_wait3A_138 : memref<1x128x128xf32, #tpu.memory_space<vmem>> -> memref<128x128xf32, #tpu.memory_space<vmem>>
      tpu.wait_dma2 semaphore(%run_scoped3A_115 : memref<!tpu.dma_semaphore, #tpu.memory_space<semaphore_mem>>) src(%dma_wait3A_139 : memref<128x128xf32, #tpu.memory_space<vmem>>) dst(%dma_wait3A_135 : memref<128x128xf32, #tpu.memory_space<hbm>>)
      tpu.yield
    }) : () -> ()
    %dma_wait3A_102 = arith.constant 0 : i32
    %dma_wait3A_103 = arith.constant 0 : i32
    %dma_wait3A_104 = arith.constant 0 : i32
    %dma_wait3A_105 = tpu.memref_slice %arg6[%dma_wait3A_102, %dma_wait3A_103, %dma_wait3A_104] : memref<2x128x128xf32, #tpu.memory_space<vmem>> -> memref<1x128x128xf32, #tpu.memory_space<vmem>>
    %dma_wait3A_106 = tpu.memref_squeeze %dma_wait3A_105 : memref<1x128x128xf32, #tpu.memory_space<vmem>> -> memref<128x128xf32, #tpu.memory_space<vmem>>
    %dma_wait3A_107 = arith.constant 512 : i32
    %dma_wait3A_108 = tpu.memref_slice %arg5[%dma_wait3A_107] : memref<640xi32, #tpu.memory_space<vmem>> -> memref<128xi32, #tpu.memory_space<vmem>>
    %dma_wait3A_109 = arith.constant 0 : i32
    %dma_wait3A_110 = arith.constant 0 : i32
    %dma_wait3A_111 = tpu.memref_slice %arg2[%dma_wait3A_109, %dma_wait3A_110] : memref<10000x128xf32, #tpu.memory_space<hbm>> -> memref<10000x128xf32, #tpu.memory_space<hbm>>
    tpu.wait_indirect_dma semaphore(%arg7 : memref<!tpu.dma_semaphore, #tpu.memory_space<semaphore_mem>>) src(%dma_wait3A_111 : memref<10000x128xf32, #tpu.memory_space<hbm>>) dst(%dma_wait3A_106 : memref<128x128xf32, #tpu.memory_space<vmem>>)
    %add3A_112 = arith.constant 512 : i32
    %add3A_113 = arith.addi %mul3A_2, %add3A_112 : i32
    %run_scoped3A_114 = arith.constant 0 : i32
    "tpu.region"() ({
      %run_scoped3A_115 = tpu.sem_alloc : memref<!tpu.dma_semaphore, #tpu.memory_space<semaphore_mem>>
      %dma_start3A_116 = arith.constant 0 : i32
      %dma_start3A_117 = arith.constant 0 : i32
      %dma_start3A_118 = tpu.memref_slice %arg6[%run_scoped3A_114, %dma_start3A_116, %dma_start3A_117] : memref<2x128x128xf32, #tpu.memory_space<vmem>> -> memref<1x128x128xf32, #tpu.memory_space<vmem>>
      %dma_start3A_119 = tpu.memref_squeeze %dma_start3A_118 : memref<1x128x128xf32, #tpu.memory_space<vmem>> -> memref<128x128xf32, #tpu.memory_space<vmem>>
      %dma_start3A_120 = arith.constant 0 : i32
      %dma_start3A_121 = tpu.memref_slice %arg4[%add3A_113, %dma_start3A_120] : memref<20480x128xf32, #tpu.memory_space<hbm>> -> memref<128x128xf32, #tpu.memory_space<hbm>>
      %dma_start3A_122 = arith.constant 0 : i32
      %dma_start3A_123 = tpu.memref_slice %arg4[%add3A_113, %dma_start3A_122] : memref<20480x128xf32, #tpu.memory_space<hbm>> -> memref<128x128xf32, #tpu.memory_space<hbm>>
      %dma_start3A_124 = arith.constant 0 : i32
      %dma_start3A_125 = arith.constant 0 : i32
      %dma_start3A_126 = tpu.memref_slice %arg6[%run_scoped3A_114, %dma_start3A_124, %dma_start3A_125] : memref<2x128x128xf32, #tpu.memory_space<vmem>> -> memref<1x128x128xf32, #tpu.memory_space<vmem>>
      %dma_start3A_127 = tpu.memref_squeeze %dma_start3A_126 : memref<1x128x128xf32, #tpu.memory_space<vmem>> -> memref<128x128xf32, #tpu.memory_space<vmem>>
      tpu.enqueue_dma source(%dma_start3A_127 : memref<128x128xf32, #tpu.memory_space<vmem>>) target(%dma_start3A_123 : memref<128x128xf32, #tpu.memory_space<hbm>>) target_semaphore(%run_scoped3A_115 : memref<!tpu.dma_semaphore, #tpu.memory_space<semaphore_mem>>)
      %dma_wait3A_128 = arith.constant 0 : i32
      %dma_wait3A_129 = arith.constant 0 : i32
      %dma_wait3A_130 = tpu.memref_slice %arg6[%run_scoped3A_114, %dma_wait3A_128, %dma_wait3A_129] : memref<2x128x128xf32, #tpu.memory_space<vmem>> -> memref<1x128x128xf32, #tpu.memory_space<vmem>>
      %dma_wait3A_131 = tpu.memref_squeeze %dma_wait3A_130 : memref<1x128x128xf32, #tpu.memory_space<vmem>> -> memref<128x128xf32, #tpu.memory_space<vmem>>
      %dma_wait3A_132 = arith.constant 0 : i32
      %dma_wait3A_133 = tpu.memref_slice %arg4[%add3A_113, %dma_wait3A_132] : memref<20480x128xf32, #tpu.memory_space<hbm>> -> memref<128x128xf32, #tpu.memory_space<hbm>>
      %dma_wait3A_134 = arith.constant 0 : i32
      %dma_wait3A_135 = tpu.memref_slice %arg4[%add3A_113, %dma_wait3A_134] : memref<20480x128xf32, #tpu.memory_space<hbm>> -> memref<128x128xf32, #tpu.memory_space<hbm>>
      %dma_wait3A_136 = arith.constant 0 : i32
      %dma_wait3A_137 = arith.constant 0 : i32
      %dma_wait3A_138 = tpu.memref_slice %arg6[%run_scoped3A_114, %dma_wait3A_136, %dma_wait3A_137] : memref<2x128x128xf32, #tpu.memory_space<vmem>> -> memref<1x128x128xf32, #tpu.memory_space<vmem>>
      %dma_wait3A_139 = tpu.memref_squeeze %dma_wait3A_138 : memref<1x128x128xf32, #tpu.memory_space<vmem>> -> memref<128x128xf32, #tpu.memory_space<vmem>>
      tpu.wait_dma2 semaphore(%run_scoped3A_115 : memref<!tpu.dma_semaphore, #tpu.memory_space<semaphore_mem>>) src(%dma_wait3A_139 : memref<128x128xf32, #tpu.memory_space<vmem>>) dst(%dma_wait3A_135 : memref<128x128xf32, #tpu.memory_space<hbm>>)
      tpu.yield
    }) : () -> ()
    return
  }
}

#map = affine_map<(d0, d1) -> (0, 0)>
#map1 = affine_map<(d0, d1) -> (0)>
module attributes {stable_mosaic.version = 14 : i64} {
  func.func @_gather_body(%arg0: i32, %arg1: i32, %arg2: memref<10000x128xf32, #tpu.memory_space<hbm>>, %arg3: memref<20480xi32, #tpu.memory_space<hbm>>, %arg4: memref<20480x128xf32, #tpu.memory_space<hbm>>, %arg5: memref<640xi32, #tpu.memory_space<vmem>>, %arg6: memref<2x128x128xf32, #tpu.memory_space<vmem>>, %arg7: memref<!tpu.dma_semaphore, #tpu.memory_space<semaphore_mem>>, %arg8: memref<!tpu.dma_semaphore, #tpu.memory_space<semaphore_mem>>) attributes {dimension_semantics = [#tpu.dimension_semantics<core_parallel>, #tpu.dimension_semantics<subcore_parallel>], iteration_bounds = array<i64: 2, 16>, scalar_prefetch = 0 : i64, scratch_operands = 4 : i64, tpu.core_type = #tpu.core_type<sc_vector_subcore>, window_params = [{transform_indices = #map}, {transform_indices = #map1}, {transform_indices = #map}]} {
    %mul3A = arith.constant 2 : i32
    %mul3A_0 = arith.muli %arg1, %mul3A : i32
    %add3A = arith.addi %mul3A_0, %arg0 : i32
    %mul3A_1 = arith.constant 640 : i32
    %mul3A_2 = arith.muli %add3A, %mul3A_1 : i32
    "tpu.region"() ({
      %run_scoped3A_115 = tpu.sem_alloc : memref<!tpu.dma_semaphore, #tpu.memory_space<semaphore_mem>>
      %dma_start3A_116 = tpu.memref_slice %arg3[%mul3A_2] : memref<20480xi32, #tpu.memory_space<hbm>> -> memref<640xi32, #tpu.memory_space<hbm>>
      %dma_start3A_117 = tpu.memref_slice %arg3[%mul3A_2] : memref<20480xi32, #tpu.memory_space<hbm>> -> memref<640xi32, #tpu.memory_space<hbm>>
      tpu.enqueue_dma source(%dma_start3A_117 : memref<640xi32, #tpu.memory_space<hbm>>) target(%arg5 : memref<640xi32, #tpu.memory_space<vmem>>) target_semaphore(%run_scoped3A_115 : memref<!tpu.dma_semaphore, #tpu.memory_space<semaphore_mem>>)
      %dma_wait3A_118 = tpu.memref_slice %arg3[%mul3A_2] : memref<20480xi32, #tpu.memory_space<hbm>> -> memref<640xi32, #tpu.memory_space<hbm>>
      %dma_wait3A_119 = tpu.memref_slice %arg3[%mul3A_2] : memref<20480xi32, #tpu.memory_space<hbm>> -> memref<640xi32, #tpu.memory_space<hbm>>
      tpu.wait_dma2 semaphore(%run_scoped3A_115 : memref<!tpu.dma_semaphore, #tpu.memory_space<semaphore_mem>>) src(%dma_wait3A_119 : memref<640xi32, #tpu.memory_space<hbm>>) dst(%arg5 : memref<640xi32, #tpu.memory_space<vmem>>)
      tpu.yield
    }) : () -> ()
    %dma_start3A = arith.constant 0 : i32
    %dma_start3A_3 = arith.constant 0 : i32
    %dma_start3A_4 = arith.constant 0 : i32
    %dma_start3A_5 = tpu.memref_slice %arg6[%dma_start3A, %dma_start3A_3, %dma_start3A_4] : memref<2x128x128xf32, #tpu.memory_space<vmem>> -> memref<1x128x128xf32, #tpu.memory_space<vmem>>
    %dma_start3A_6 = tpu.memref_squeeze %dma_start3A_5 : memref<1x128x128xf32, #tpu.memory_space<vmem>> -> memref<128x128xf32, #tpu.memory_space<vmem>>
    %dma_start3A_7 = arith.constant 0 : i32
    %dma_start3A_8 = tpu.memref_slice %arg5[%dma_start3A_7] : memref<640xi32, #tpu.memory_space<vmem>> -> memref<128xi32, #tpu.memory_space<vmem>>
    %dma_start3A_9 = arith.constant 0 : i32
    %dma_start3A_10 = arith.constant 0 : i32
    %dma_start3A_11 = tpu.memref_slice %arg2[%dma_start3A_9, %dma_start3A_10] : memref<10000x128xf32, #tpu.memory_space<hbm>> -> memref<10000x128xf32, #tpu.memory_space<hbm>>
    tpu.enqueue_indirect_dma source(%dma_start3A_11 : memref<10000x128xf32, #tpu.memory_space<hbm>>) target(%dma_start3A_6 : memref<128x128xf32, #tpu.memory_space<vmem>>) offsets(%dma_start3A_8 : memref<128xi32, #tpu.memory_space<vmem>>) semaphore(%arg7 : memref<!tpu.dma_semaphore, #tpu.memory_space<semaphore_mem>>)
    %dma_start3A_12 = arith.constant 1 : i32
    %dma_start3A_13 = arith.constant 0 : i32
    %dma_start3A_14 = arith.constant 0 : i32
    %dma_start3A_15 = tpu.memref_slice %arg6[%dma_start3A_12, %dma_start3A_13, %dma_start3A_14] : memref<2x128x128xf32, #tpu.memory_space<vmem>> -> memref<1x128x128xf32, #tpu.memory_space<vmem>>
    %dma_start3A_16 = tpu.memref_squeeze %dma_start3A_15 : memref<1x128x128xf32, #tpu.memory_space<vmem>> -> memref<128x128xf32, #tpu.memory_space<vmem>>
    %dma_start3A_17 = arith.constant 128 : i32
    %dma_start3A_18 = tpu.memref_slice %arg5[%dma_start3A_17] : memref<640xi32, #tpu.memory_space<vmem>> -> memref<128xi32, #tpu.memory_space<vmem>>
    %dma_start3A_19 = arith.constant 0 : i32
    %dma_start3A_20 = arith.constant 0 : i32
    %dma_start3A_21 = tpu.memref_slice %arg2[%dma_start3A_19, %dma_start3A_20] : memref<10000x128xf32, #tpu.memory_space<hbm>> -> memref<10000x128xf32, #tpu.memory_space<hbm>>
    tpu.enqueue_indirect_dma source(%dma_start3A_21 : memref<10000x128xf32, #tpu.memory_space<hbm>>) target(%dma_start3A_16 : memref<128x128xf32, #tpu.memory_space<vmem>>) offsets(%dma_start3A_18 : memref<128xi32, #tpu.memory_space<vmem>>) semaphore(%arg8 : memref<!tpu.dma_semaphore, #tpu.memory_space<semaphore_mem>>)
    %dma_wait3A = arith.constant 0 : i32
    %dma_wait3A_22 = arith.constant 0 : i32
    %dma_wait3A_23 = arith.constant 0 : i32
    %dma_wait3A_24 = tpu.memref_slice %arg6[%dma_wait3A, %dma_wait3A_22, %dma_wait3A_23] : memref<2x128x128xf32, #tpu.memory_space<vmem>> -> memref<1x128x128xf32, #tpu.memory_space<vmem>>
    %dma_wait3A_25 = tpu.memref_squeeze %dma_wait3A_24 : memref<1x128x128xf32, #tpu.memory_space<vmem>> -> memref<128x128xf32, #tpu.memory_space<vmem>>
    %dma_wait3A_26 = arith.constant 0 : i32
    %dma_wait3A_27 = tpu.memref_slice %arg5[%dma_wait3A_26] : memref<640xi32, #tpu.memory_space<vmem>> -> memref<128xi32, #tpu.memory_space<vmem>>
    %dma_wait3A_28 = arith.constant 0 : i32
    %dma_wait3A_29 = arith.constant 0 : i32
    %dma_wait3A_30 = tpu.memref_slice %arg2[%dma_wait3A_28, %dma_wait3A_29] : memref<10000x128xf32, #tpu.memory_space<hbm>> -> memref<10000x128xf32, #tpu.memory_space<hbm>>
    tpu.wait_indirect_dma semaphore(%arg7 : memref<!tpu.dma_semaphore, #tpu.memory_space<semaphore_mem>>) src(%dma_wait3A_30 : memref<10000x128xf32, #tpu.memory_space<hbm>>) dst(%dma_wait3A_25 : memref<128x128xf32, #tpu.memory_space<vmem>>)
    %add3A_31 = arith.constant 0 : i32
    %add3A_32 = arith.addi %mul3A_2, %add3A_31 : i32
    %run_scoped3A = arith.constant 0 : i32
    "tpu.region"() ({
      %run_scoped3A_115 = tpu.sem_alloc : memref<!tpu.dma_semaphore, #tpu.memory_space<semaphore_mem>>
      %dma_start3A_116 = arith.constant 0 : i32
      %dma_start3A_117 = arith.constant 0 : i32
      %dma_start3A_118 = tpu.memref_slice %arg6[%run_scoped3A, %dma_start3A_116, %dma_start3A_117] : memref<2x128x128xf32, #tpu.memory_space<vmem>> -> memref<1x128x128xf32, #tpu.memory_space<vmem>>
      %dma_start3A_119 = tpu.memref_squeeze %dma_start3A_118 : memref<1x128x128xf32, #tpu.memory_space<vmem>> -> memref<128x128xf32, #tpu.memory_space<vmem>>
      %dma_start3A_120 = arith.constant 0 : i32
      %dma_start3A_121 = tpu.memref_slice %arg4[%add3A_32, %dma_start3A_120] : memref<20480x128xf32, #tpu.memory_space<hbm>> -> memref<128x128xf32, #tpu.memory_space<hbm>>
      %dma_start3A_122 = arith.constant 0 : i32
      %dma_start3A_123 = tpu.memref_slice %arg4[%add3A_32, %dma_start3A_122] : memref<20480x128xf32, #tpu.memory_space<hbm>> -> memref<128x128xf32, #tpu.memory_space<hbm>>
      %dma_start3A_124 = arith.constant 0 : i32
      %dma_start3A_125 = arith.constant 0 : i32
      %dma_start3A_126 = tpu.memref_slice %arg6[%run_scoped3A, %dma_start3A_124, %dma_start3A_125] : memref<2x128x128xf32, #tpu.memory_space<vmem>> -> memref<1x128x128xf32, #tpu.memory_space<vmem>>
      %dma_start3A_127 = tpu.memref_squeeze %dma_start3A_126 : memref<1x128x128xf32, #tpu.memory_space<vmem>> -> memref<128x128xf32, #tpu.memory_space<vmem>>
      tpu.enqueue_dma source(%dma_start3A_127 : memref<128x128xf32, #tpu.memory_space<vmem>>) target(%dma_start3A_123 : memref<128x128xf32, #tpu.memory_space<hbm>>) target_semaphore(%run_scoped3A_115 : memref<!tpu.dma_semaphore, #tpu.memory_space<semaphore_mem>>)
      %dma_wait3A_128 = arith.constant 0 : i32
      %dma_wait3A_129 = arith.constant 0 : i32
      %dma_wait3A_130 = tpu.memref_slice %arg6[%run_scoped3A, %dma_wait3A_128, %dma_wait3A_129] : memref<2x128x128xf32, #tpu.memory_space<vmem>> -> memref<1x128x128xf32, #tpu.memory_space<vmem>>
      %dma_wait3A_131 = tpu.memref_squeeze %dma_wait3A_130 : memref<1x128x128xf32, #tpu.memory_space<vmem>> -> memref<128x128xf32, #tpu.memory_space<vmem>>
      %dma_wait3A_132 = arith.constant 0 : i32
      %dma_wait3A_133 = tpu.memref_slice %arg4[%add3A_32, %dma_wait3A_132] : memref<20480x128xf32, #tpu.memory_space<hbm>> -> memref<128x128xf32, #tpu.memory_space<hbm>>
      %dma_wait3A_134 = arith.constant 0 : i32
      %dma_wait3A_135 = tpu.memref_slice %arg4[%add3A_32, %dma_wait3A_134] : memref<20480x128xf32, #tpu.memory_space<hbm>> -> memref<128x128xf32, #tpu.memory_space<hbm>>
      %dma_wait3A_136 = arith.constant 0 : i32
      %dma_wait3A_137 = arith.constant 0 : i32
      %dma_wait3A_138 = tpu.memref_slice %arg6[%run_scoped3A, %dma_wait3A_136, %dma_wait3A_137] : memref<2x128x128xf32, #tpu.memory_space<vmem>> -> memref<1x128x128xf32, #tpu.memory_space<vmem>>
      %dma_wait3A_139 = tpu.memref_squeeze %dma_wait3A_138 : memref<1x128x128xf32, #tpu.memory_space<vmem>> -> memref<128x128xf32, #tpu.memory_space<vmem>>
      tpu.wait_dma2 semaphore(%run_scoped3A_115 : memref<!tpu.dma_semaphore, #tpu.memory_space<semaphore_mem>>) src(%dma_wait3A_139 : memref<128x128xf32, #tpu.memory_space<vmem>>) dst(%dma_wait3A_135 : memref<128x128xf32, #tpu.memory_space<hbm>>)
      tpu.yield
    }) : () -> ()
    %dma_start3A_33 = arith.constant 0 : i32
    %dma_start3A_34 = arith.constant 0 : i32
    %dma_start3A_35 = arith.constant 0 : i32
    %dma_start3A_36 = tpu.memref_slice %arg6[%dma_start3A_33, %dma_start3A_34, %dma_start3A_35] : memref<2x128x128xf32, #tpu.memory_space<vmem>> -> memref<1x128x128xf32, #tpu.memory_space<vmem>>
    %dma_start3A_37 = tpu.memref_squeeze %dma_start3A_36 : memref<1x128x128xf32, #tpu.memory_space<vmem>> -> memref<128x128xf32, #tpu.memory_space<vmem>>
    %dma_start3A_38 = arith.constant 256 : i32
    %dma_start3A_39 = tpu.memref_slice %arg5[%dma_start3A_38] : memref<640xi32, #tpu.memory_space<vmem>> -> memref<128xi32, #tpu.memory_space<vmem>>
    %dma_start3A_40 = arith.constant 0 : i32
    %dma_start3A_41 = arith.constant 0 : i32
    %dma_start3A_42 = tpu.memref_slice %arg2[%dma_start3A_40, %dma_start3A_41] : memref<10000x128xf32, #tpu.memory_space<hbm>> -> memref<10000x128xf32, #tpu.memory_space<hbm>>
    tpu.enqueue_indirect_dma source(%dma_start3A_42 : memref<10000x128xf32, #tpu.memory_space<hbm>>) target(%dma_start3A_37 : memref<128x128xf32, #tpu.memory_space<vmem>>) offsets(%dma_start3A_39 : memref<128xi32, #tpu.memory_space<vmem>>) semaphore(%arg7 : memref<!tpu.dma_semaphore, #tpu.memory_space<semaphore_mem>>)
    %dma_wait3A_43 = arith.constant 1 : i32
    %dma_wait3A_44 = arith.constant 0 : i32
    %dma_wait3A_45 = arith.constant 0 : i32
    %dma_wait3A_46 = tpu.memref_slice %arg6[%dma_wait3A_43, %dma_wait3A_44, %dma_wait3A_45] : memref<2x128x128xf32, #tpu.memory_space<vmem>> -> memref<1x128x128xf32, #tpu.memory_space<vmem>>
    %dma_wait3A_47 = tpu.memref_squeeze %dma_wait3A_46 : memref<1x128x128xf32, #tpu.memory_space<vmem>> -> memref<128x128xf32, #tpu.memory_space<vmem>>
    %dma_wait3A_48 = arith.constant 128 : i32
    %dma_wait3A_49 = tpu.memref_slice %arg5[%dma_wait3A_48] : memref<640xi32, #tpu.memory_space<vmem>> -> memref<128xi32, #tpu.memory_space<vmem>>
    %dma_wait3A_50 = arith.constant 0 : i32
    %dma_wait3A_51 = arith.constant 0 : i32
    %dma_wait3A_52 = tpu.memref_slice %arg2[%dma_wait3A_50, %dma_wait3A_51] : memref<10000x128xf32, #tpu.memory_space<hbm>> -> memref<10000x128xf32, #tpu.memory_space<hbm>>
    tpu.wait_indirect_dma semaphore(%arg8 : memref<!tpu.dma_semaphore, #tpu.memory_space<semaphore_mem>>) src(%dma_wait3A_52 : memref<10000x128xf32, #tpu.memory_space<hbm>>) dst(%dma_wait3A_47 : memref<128x128xf32, #tpu.memory_space<vmem>>)
    %add3A_53 = arith.constant 128 : i32
    %add3A_54 = arith.addi %mul3A_2, %add3A_53 : i32
    %run_scoped3A_55 = arith.constant 1 : i32
    "tpu.region"() ({
      %run_scoped3A_115 = tpu.sem_alloc : memref<!tpu.dma_semaphore, #tpu.memory_space<semaphore_mem>>
      %dma_start3A_116 = arith.constant 0 : i32
      %dma_start3A_117 = arith.constant 0 : i32
      %dma_start3A_118 = tpu.memref_slice %arg6[%run_scoped3A_55, %dma_start3A_116, %dma_start3A_117] : memref<2x128x128xf32, #tpu.memory_space<vmem>> -> memref<1x128x128xf32, #tpu.memory_space<vmem>>
      %dma_start3A_119 = tpu.memref_squeeze %dma_start3A_118 : memref<1x128x128xf32, #tpu.memory_space<vmem>> -> memref<128x128xf32, #tpu.memory_space<vmem>>
      %dma_start3A_120 = arith.constant 0 : i32
      %dma_start3A_121 = tpu.memref_slice %arg4[%add3A_54, %dma_start3A_120] : memref<20480x128xf32, #tpu.memory_space<hbm>> -> memref<128x128xf32, #tpu.memory_space<hbm>>
      %dma_start3A_122 = arith.constant 0 : i32
      %dma_start3A_123 = tpu.memref_slice %arg4[%add3A_54, %dma_start3A_122] : memref<20480x128xf32, #tpu.memory_space<hbm>> -> memref<128x128xf32, #tpu.memory_space<hbm>>
      %dma_start3A_124 = arith.constant 0 : i32
      %dma_start3A_125 = arith.constant 0 : i32
      %dma_start3A_126 = tpu.memref_slice %arg6[%run_scoped3A_55, %dma_start3A_124, %dma_start3A_125] : memref<2x128x128xf32, #tpu.memory_space<vmem>> -> memref<1x128x128xf32, #tpu.memory_space<vmem>>
      %dma_start3A_127 = tpu.memref_squeeze %dma_start3A_126 : memref<1x128x128xf32, #tpu.memory_space<vmem>> -> memref<128x128xf32, #tpu.memory_space<vmem>>
      tpu.enqueue_dma source(%dma_start3A_127 : memref<128x128xf32, #tpu.memory_space<vmem>>) target(%dma_start3A_123 : memref<128x128xf32, #tpu.memory_space<hbm>>) target_semaphore(%run_scoped3A_115 : memref<!tpu.dma_semaphore, #tpu.memory_space<semaphore_mem>>)
      %dma_wait3A_128 = arith.constant 0 : i32
      %dma_wait3A_129 = arith.constant 0 : i32
      %dma_wait3A_130 = tpu.memref_slice %arg6[%run_scoped3A_55, %dma_wait3A_128, %dma_wait3A_129] : memref<2x128x128xf32, #tpu.memory_space<vmem>> -> memref<1x128x128xf32, #tpu.memory_space<vmem>>
      %dma_wait3A_131 = tpu.memref_squeeze %dma_wait3A_130 : memref<1x128x128xf32, #tpu.memory_space<vmem>> -> memref<128x128xf32, #tpu.memory_space<vmem>>
      %dma_wait3A_132 = arith.constant 0 : i32
      %dma_wait3A_133 = tpu.memref_slice %arg4[%add3A_54, %dma_wait3A_132] : memref<20480x128xf32, #tpu.memory_space<hbm>> -> memref<128x128xf32, #tpu.memory_space<hbm>>
      %dma_wait3A_134 = arith.constant 0 : i32
      %dma_wait3A_135 = tpu.memref_slice %arg4[%add3A_54, %dma_wait3A_134] : memref<20480x128xf32, #tpu.memory_space<hbm>> -> memref<128x128xf32, #tpu.memory_space<hbm>>
      %dma_wait3A_136 = arith.constant 0 : i32
      %dma_wait3A_137 = arith.constant 0 : i32
      %dma_wait3A_138 = tpu.memref_slice %arg6[%run_scoped3A_55, %dma_wait3A_136, %dma_wait3A_137] : memref<2x128x128xf32, #tpu.memory_space<vmem>> -> memref<1x128x128xf32, #tpu.memory_space<vmem>>
      %dma_wait3A_139 = tpu.memref_squeeze %dma_wait3A_138 : memref<1x128x128xf32, #tpu.memory_space<vmem>> -> memref<128x128xf32, #tpu.memory_space<vmem>>
      tpu.wait_dma2 semaphore(%run_scoped3A_115 : memref<!tpu.dma_semaphore, #tpu.memory_space<semaphore_mem>>) src(%dma_wait3A_139 : memref<128x128xf32, #tpu.memory_space<vmem>>) dst(%dma_wait3A_135 : memref<128x128xf32, #tpu.memory_space<hbm>>)
      tpu.yield
    }) : () -> ()
    %dma_start3A_56 = arith.constant 1 : i32
    %dma_start3A_57 = arith.constant 0 : i32
    %dma_start3A_58 = arith.constant 0 : i32
    %dma_start3A_59 = tpu.memref_slice %arg6[%dma_start3A_56, %dma_start3A_57, %dma_start3A_58] : memref<2x128x128xf32, #tpu.memory_space<vmem>> -> memref<1x128x128xf32, #tpu.memory_space<vmem>>
    %dma_start3A_60 = tpu.memref_squeeze %dma_start3A_59 : memref<1x128x128xf32, #tpu.memory_space<vmem>> -> memref<128x128xf32, #tpu.memory_space<vmem>>
    %dma_start3A_61 = arith.constant 384 : i32
    %dma_start3A_62 = tpu.memref_slice %arg5[%dma_start3A_61] : memref<640xi32, #tpu.memory_space<vmem>> -> memref<128xi32, #tpu.memory_space<vmem>>
    %dma_start3A_63 = arith.constant 0 : i32
    %dma_start3A_64 = arith.constant 0 : i32
    %dma_start3A_65 = tpu.memref_slice %arg2[%dma_start3A_63, %dma_start3A_64] : memref<10000x128xf32, #tpu.memory_space<hbm>> -> memref<10000x128xf32, #tpu.memory_space<hbm>>
    tpu.enqueue_indirect_dma source(%dma_start3A_65 : memref<10000x128xf32, #tpu.memory_space<hbm>>) target(%dma_start3A_60 : memref<128x128xf32, #tpu.memory_space<vmem>>) offsets(%dma_start3A_62 : memref<128xi32, #tpu.memory_space<vmem>>) semaphore(%arg8 : memref<!tpu.dma_semaphore, #tpu.memory_space<semaphore_mem>>)
    %dma_wait3A_66 = arith.constant 0 : i32
    %dma_wait3A_67 = arith.constant 0 : i32
    %dma_wait3A_68 = arith.constant 0 : i32
    %dma_wait3A_69 = tpu.memref_slice %arg6[%dma_wait3A_66, %dma_wait3A_67, %dma_wait3A_68] : memref<2x128x128xf32, #tpu.memory_space<vmem>> -> memref<1x128x128xf32, #tpu.memory_space<vmem>>
    %dma_wait3A_70 = tpu.memref_squeeze %dma_wait3A_69 : memref<1x128x128xf32, #tpu.memory_space<vmem>> -> memref<128x128xf32, #tpu.memory_space<vmem>>
    %dma_wait3A_71 = arith.constant 256 : i32
    %dma_wait3A_72 = tpu.memref_slice %arg5[%dma_wait3A_71] : memref<640xi32, #tpu.memory_space<vmem>> -> memref<128xi32, #tpu.memory_space<vmem>>
    %dma_wait3A_73 = arith.constant 0 : i32
    %dma_wait3A_74 = arith.constant 0 : i32
    %dma_wait3A_75 = tpu.memref_slice %arg2[%dma_wait3A_73, %dma_wait3A_74] : memref<10000x128xf32, #tpu.memory_space<hbm>> -> memref<10000x128xf32, #tpu.memory_space<hbm>>
    tpu.wait_indirect_dma semaphore(%arg7 : memref<!tpu.dma_semaphore, #tpu.memory_space<semaphore_mem>>) src(%dma_wait3A_75 : memref<10000x128xf32, #tpu.memory_space<hbm>>) dst(%dma_wait3A_70 : memref<128x128xf32, #tpu.memory_space<vmem>>)
    %add3A_76 = arith.constant 256 : i32
    %add3A_77 = arith.addi %mul3A_2, %add3A_76 : i32
    %run_scoped3A_78 = arith.constant 0 : i32
    "tpu.region"() ({
      %run_scoped3A_115 = tpu.sem_alloc : memref<!tpu.dma_semaphore, #tpu.memory_space<semaphore_mem>>
      %dma_start3A_116 = arith.constant 0 : i32
      %dma_start3A_117 = arith.constant 0 : i32
      %dma_start3A_118 = tpu.memref_slice %arg6[%run_scoped3A_78, %dma_start3A_116, %dma_start3A_117] : memref<2x128x128xf32, #tpu.memory_space<vmem>> -> memref<1x128x128xf32, #tpu.memory_space<vmem>>
      %dma_start3A_119 = tpu.memref_squeeze %dma_start3A_118 : memref<1x128x128xf32, #tpu.memory_space<vmem>> -> memref<128x128xf32, #tpu.memory_space<vmem>>
      %dma_start3A_120 = arith.constant 0 : i32
      %dma_start3A_121 = tpu.memref_slice %arg4[%add3A_77, %dma_start3A_120] : memref<20480x128xf32, #tpu.memory_space<hbm>> -> memref<128x128xf32, #tpu.memory_space<hbm>>
      %dma_start3A_122 = arith.constant 0 : i32
      %dma_start3A_123 = tpu.memref_slice %arg4[%add3A_77, %dma_start3A_122] : memref<20480x128xf32, #tpu.memory_space<hbm>> -> memref<128x128xf32, #tpu.memory_space<hbm>>
      %dma_start3A_124 = arith.constant 0 : i32
      %dma_start3A_125 = arith.constant 0 : i32
      %dma_start3A_126 = tpu.memref_slice %arg6[%run_scoped3A_78, %dma_start3A_124, %dma_start3A_125] : memref<2x128x128xf32, #tpu.memory_space<vmem>> -> memref<1x128x128xf32, #tpu.memory_space<vmem>>
      %dma_start3A_127 = tpu.memref_squeeze %dma_start3A_126 : memref<1x128x128xf32, #tpu.memory_space<vmem>> -> memref<128x128xf32, #tpu.memory_space<vmem>>
      tpu.enqueue_dma source(%dma_start3A_127 : memref<128x128xf32, #tpu.memory_space<vmem>>) target(%dma_start3A_123 : memref<128x128xf32, #tpu.memory_space<hbm>>) target_semaphore(%run_scoped3A_115 : memref<!tpu.dma_semaphore, #tpu.memory_space<semaphore_mem>>)
      %dma_wait3A_128 = arith.constant 0 : i32
      %dma_wait3A_129 = arith.constant 0 : i32
      %dma_wait3A_130 = tpu.memref_slice %arg6[%run_scoped3A_78, %dma_wait3A_128, %dma_wait3A_129] : memref<2x128x128xf32, #tpu.memory_space<vmem>> -> memref<1x128x128xf32, #tpu.memory_space<vmem>>
      %dma_wait3A_131 = tpu.memref_squeeze %dma_wait3A_130 : memref<1x128x128xf32, #tpu.memory_space<vmem>> -> memref<128x128xf32, #tpu.memory_space<vmem>>
      %dma_wait3A_132 = arith.constant 0 : i32
      %dma_wait3A_133 = tpu.memref_slice %arg4[%add3A_77, %dma_wait3A_132] : memref<20480x128xf32, #tpu.memory_space<hbm>> -> memref<128x128xf32, #tpu.memory_space<hbm>>
      %dma_wait3A_134 = arith.constant 0 : i32
      %dma_wait3A_135 = tpu.memref_slice %arg4[%add3A_77, %dma_wait3A_134] : memref<20480x128xf32, #tpu.memory_space<hbm>> -> memref<128x128xf32, #tpu.memory_space<hbm>>
      %dma_wait3A_136 = arith.constant 0 : i32
      %dma_wait3A_137 = arith.constant 0 : i32
      %dma_wait3A_138 = tpu.memref_slice %arg6[%run_scoped3A_78, %dma_wait3A_136, %dma_wait3A_137] : memref<2x128x128xf32, #tpu.memory_space<vmem>> -> memref<1x128x128xf32, #tpu.memory_space<vmem>>
      %dma_wait3A_139 = tpu.memref_squeeze %dma_wait3A_138 : memref<1x128x128xf32, #tpu.memory_space<vmem>> -> memref<128x128xf32, #tpu.memory_space<vmem>>
      tpu.wait_dma2 semaphore(%run_scoped3A_115 : memref<!tpu.dma_semaphore, #tpu.memory_space<semaphore_mem>>) src(%dma_wait3A_139 : memref<128x128xf32, #tpu.memory_space<vmem>>) dst(%dma_wait3A_135 : memref<128x128xf32, #tpu.memory_space<hbm>>)
      tpu.yield
    }) : () -> ()
    %dma_start3A_79 = arith.constant 0 : i32
    %dma_start3A_80 = arith.constant 0 : i32
    %dma_start3A_81 = arith.constant 0 : i32
    %dma_start3A_82 = tpu.memref_slice %arg6[%dma_start3A_79, %dma_start3A_80, %dma_start3A_81] : memref<2x128x128xf32, #tpu.memory_space<vmem>> -> memref<1x128x128xf32, #tpu.memory_space<vmem>>
    %dma_start3A_83 = tpu.memref_squeeze %dma_start3A_82 : memref<1x128x128xf32, #tpu.memory_space<vmem>> -> memref<128x128xf32, #tpu.memory_space<vmem>>
    %dma_start3A_84 = arith.constant 512 : i32
    %dma_start3A_85 = tpu.memref_slice %arg5[%dma_start3A_84] : memref<640xi32, #tpu.memory_space<vmem>> -> memref<128xi32, #tpu.memory_space<vmem>>
    %dma_start3A_86 = arith.constant 0 : i32
    %dma_start3A_87 = arith.constant 0 : i32
    %dma_start3A_88 = tpu.memref_slice %arg2[%dma_start3A_86, %dma_start3A_87] : memref<10000x128xf32, #tpu.memory_space<hbm>> -> memref<10000x128xf32, #tpu.memory_space<hbm>>
    tpu.enqueue_indirect_dma source(%dma_start3A_88 : memref<10000x128xf32, #tpu.memory_space<hbm>>) target(%dma_start3A_83 : memref<128x128xf32, #tpu.memory_space<vmem>>) offsets(%dma_start3A_85 : memref<128xi32, #tpu.memory_space<vmem>>) semaphore(%arg7 : memref<!tpu.dma_semaphore, #tpu.memory_space<semaphore_mem>>)
    %dma_wait3A_89 = arith.constant 1 : i32
    %dma_wait3A_90 = arith.constant 0 : i32
    %dma_wait3A_91 = arith.constant 0 : i32
    %dma_wait3A_92 = tpu.memref_slice %arg6[%dma_wait3A_89, %dma_wait3A_90, %dma_wait3A_91] : memref<2x128x128xf32, #tpu.memory_space<vmem>> -> memref<1x128x128xf32, #tpu.memory_space<vmem>>
    %dma_wait3A_93 = tpu.memref_squeeze %dma_wait3A_92 : memref<1x128x128xf32, #tpu.memory_space<vmem>> -> memref<128x128xf32, #tpu.memory_space<vmem>>
    %dma_wait3A_94 = arith.constant 384 : i32
    %dma_wait3A_95 = tpu.memref_slice %arg5[%dma_wait3A_94] : memref<640xi32, #tpu.memory_space<vmem>> -> memref<128xi32, #tpu.memory_space<vmem>>
    %dma_wait3A_96 = arith.constant 0 : i32
    %dma_wait3A_97 = arith.constant 0 : i32
    %dma_wait3A_98 = tpu.memref_slice %arg2[%dma_wait3A_96, %dma_wait3A_97] : memref<10000x128xf32, #tpu.memory_space<hbm>> -> memref<10000x128xf32, #tpu.memory_space<hbm>>
    tpu.wait_indirect_dma semaphore(%arg8 : memref<!tpu.dma_semaphore, #tpu.memory_space<semaphore_mem>>) src(%dma_wait3A_98 : memref<10000x128xf32, #tpu.memory_space<hbm>>) dst(%dma_wait3A_93 : memref<128x128xf32, #tpu.memory_space<vmem>>)
    %add3A_99 = arith.constant 384 : i32
    %add3A_100 = arith.addi %mul3A_2, %add3A_99 : i32
    %run_scoped3A_101 = arith.constant 1 : i32
    "tpu.region"() ({
      %run_scoped3A_115 = tpu.sem_alloc : memref<!tpu.dma_semaphore, #tpu.memory_space<semaphore_mem>>
      %dma_start3A_116 = arith.constant 0 : i32
      %dma_start3A_117 = arith.constant 0 : i32
      %dma_start3A_118 = tpu.memref_slice %arg6[%run_scoped3A_101, %dma_start3A_116, %dma_start3A_117] : memref<2x128x128xf32, #tpu.memory_space<vmem>> -> memref<1x128x128xf32, #tpu.memory_space<vmem>>
      %dma_start3A_119 = tpu.memref_squeeze %dma_start3A_118 : memref<1x128x128xf32, #tpu.memory_space<vmem>> -> memref<128x128xf32, #tpu.memory_space<vmem>>
      %dma_start3A_120 = arith.constant 0 : i32
      %dma_start3A_121 = tpu.memref_slice %arg4[%add3A_100, %dma_start3A_120] : memref<20480x128xf32, #tpu.memory_space<hbm>> -> memref<128x128xf32, #tpu.memory_space<hbm>>
      %dma_start3A_122 = arith.constant 0 : i32
      %dma_start3A_123 = tpu.memref_slice %arg4[%add3A_100, %dma_start3A_122] : memref<20480x128xf32, #tpu.memory_space<hbm>> -> memref<128x128xf32, #tpu.memory_space<hbm>>
      %dma_start3A_124 = arith.constant 0 : i32
      %dma_start3A_125 = arith.constant 0 : i32
      %dma_start3A_126 = tpu.memref_slice %arg6[%run_scoped3A_101, %dma_start3A_124, %dma_start3A_125] : memref<2x128x128xf32, #tpu.memory_space<vmem>> -> memref<1x128x128xf32, #tpu.memory_space<vmem>>
      %dma_start3A_127 = tpu.memref_squeeze %dma_start3A_126 : memref<1x128x128xf32, #tpu.memory_space<vmem>> -> memref<128x128xf32, #tpu.memory_space<vmem>>
      tpu.enqueue_dma source(%dma_start3A_127 : memref<128x128xf32, #tpu.memory_space<vmem>>) target(%dma_start3A_123 : memref<128x128xf32, #tpu.memory_space<hbm>>) target_semaphore(%run_scoped3A_115 : memref<!tpu.dma_semaphore, #tpu.memory_space<semaphore_mem>>)
      %dma_wait3A_128 = arith.constant 0 : i32
      %dma_wait3A_129 = arith.constant 0 : i32
      %dma_wait3A_130 = tpu.memref_slice %arg6[%run_scoped3A_101, %dma_wait3A_128, %dma_wait3A_129] : memref<2x128x128xf32, #tpu.memory_space<vmem>> -> memref<1x128x128xf32, #tpu.memory_space<vmem>>
      %dma_wait3A_131 = tpu.memref_squeeze %dma_wait3A_130 : memref<1x128x128xf32, #tpu.memory_space<vmem>> -> memref<128x128xf32, #tpu.memory_space<vmem>>
      %dma_wait3A_132 = arith.constant 0 : i32
      %dma_wait3A_133 = tpu.memref_slice %arg4[%add3A_100, %dma_wait3A_132] : memref<20480x128xf32, #tpu.memory_space<hbm>> -> memref<128x128xf32, #tpu.memory_space<hbm>>
      %dma_wait3A_134 = arith.constant 0 : i32
      %dma_wait3A_135 = tpu.memref_slice %arg4[%add3A_100, %dma_wait3A_134] : memref<20480x128xf32, #tpu.memory_space<hbm>> -> memref<128x128xf32, #tpu.memory_space<hbm>>
      %dma_wait3A_136 = arith.constant 0 : i32
      %dma_wait3A_137 = arith.constant 0 : i32
      %dma_wait3A_138 = tpu.memref_slice %arg6[%run_scoped3A_101, %dma_wait3A_136, %dma_wait3A_137] : memref<2x128x128xf32, #tpu.memory_space<vmem>> -> memref<1x128x128xf32, #tpu.memory_space<vmem>>
      %dma_wait3A_139 = tpu.memref_squeeze %dma_wait3A_138 : memref<1x128x128xf32, #tpu.memory_space<vmem>> -> memref<128x128xf32, #tpu.memory_space<vmem>>
      tpu.wait_dma2 semaphore(%run_scoped3A_115 : memref<!tpu.dma_semaphore, #tpu.memory_space<semaphore_mem>>) src(%dma_wait3A_139 : memref<128x128xf32, #tpu.memory_space<vmem>>) dst(%dma_wait3A_135 : memref<128x128xf32, #tpu.memory_space<hbm>>)
      tpu.yield
    }) : () -> ()
    %dma_wait3A_102 = arith.constant 0 : i32
    %dma_wait3A_103 = arith.constant 0 : i32
    %dma_wait3A_104 = arith.constant 0 : i32
    %dma_wait3A_105 = tpu.memref_slice %arg6[%dma_wait3A_102, %dma_wait3A_103, %dma_wait3A_104] : memref<2x128x128xf32, #tpu.memory_space<vmem>> -> memref<1x128x128xf32, #tpu.memory_space<vmem>>
    %dma_wait3A_106 = tpu.memref_squeeze %dma_wait3A_105 : memref<1x128x128xf32, #tpu.memory_space<vmem>> -> memref<128x128xf32, #tpu.memory_space<vmem>>
    %dma_wait3A_107 = arith.constant 512 : i32
    %dma_wait3A_108 = tpu.memref_slice %arg5[%dma_wait3A_107] : memref<640xi32, #tpu.memory_space<vmem>> -> memref<128xi32, #tpu.memory_space<vmem>>
    %dma_wait3A_109 = arith.constant 0 : i32
    %dma_wait3A_110 = arith.constant 0 : i32
    %dma_wait3A_111 = tpu.memref_slice %arg2[%dma_wait3A_109, %dma_wait3A_110] : memref<10000x128xf32, #tpu.memory_space<hbm>> -> memref<10000x128xf32, #tpu.memory_space<hbm>>
    tpu.wait_indirect_dma semaphore(%arg7 : memref<!tpu.dma_semaphore, #tpu.memory_space<semaphore_mem>>) src(%dma_wait3A_111 : memref<10000x128xf32, #tpu.memory_space<hbm>>) dst(%dma_wait3A_106 : memref<128x128xf32, #tpu.memory_space<vmem>>)
    %add3A_112 = arith.constant 512 : i32
    %add3A_113 = arith.addi %mul3A_2, %add3A_112 : i32
    %run_scoped3A_114 = arith.constant 0 : i32
    "tpu.region"() ({
      %run_scoped3A_115 = tpu.sem_alloc : memref<!tpu.dma_semaphore, #tpu.memory_space<semaphore_mem>>
      %dma_start3A_116 = arith.constant 0 : i32
      %dma_start3A_117 = arith.constant 0 : i32
      %dma_start3A_118 = tpu.memref_slice %arg6[%run_scoped3A_114, %dma_start3A_116, %dma_start3A_117] : memref<2x128x128xf32, #tpu.memory_space<vmem>> -> memref<1x128x128xf32, #tpu.memory_space<vmem>>
      %dma_start3A_119 = tpu.memref_squeeze %dma_start3A_118 : memref<1x128x128xf32, #tpu.memory_space<vmem>> -> memref<128x128xf32, #tpu.memory_space<vmem>>
      %dma_start3A_120 = arith.constant 0 : i32
      %dma_start3A_121 = tpu.memref_slice %arg4[%add3A_113, %dma_start3A_120] : memref<20480x128xf32, #tpu.memory_space<hbm>> -> memref<128x128xf32, #tpu.memory_space<hbm>>
      %dma_start3A_122 = arith.constant 0 : i32
      %dma_start3A_123 = tpu.memref_slice %arg4[%add3A_113, %dma_start3A_122] : memref<20480x128xf32, #tpu.memory_space<hbm>> -> memref<128x128xf32, #tpu.memory_space<hbm>>
      %dma_start3A_124 = arith.constant 0 : i32
      %dma_start3A_125 = arith.constant 0 : i32
      %dma_start3A_126 = tpu.memref_slice %arg6[%run_scoped3A_114, %dma_start3A_124, %dma_start3A_125] : memref<2x128x128xf32, #tpu.memory_space<vmem>> -> memref<1x128x128xf32, #tpu.memory_space<vmem>>
      %dma_start3A_127 = tpu.memref_squeeze %dma_start3A_126 : memref<1x128x128xf32, #tpu.memory_space<vmem>> -> memref<128x128xf32, #tpu.memory_space<vmem>>
      tpu.enqueue_dma source(%dma_start3A_127 : memref<128x128xf32, #tpu.memory_space<vmem>>) target(%dma_start3A_123 : memref<128x128xf32, #tpu.memory_space<hbm>>) target_semaphore(%run_scoped3A_115 : memref<!tpu.dma_semaphore, #tpu.memory_space<semaphore_mem>>)
      %dma_wait3A_128 = arith.constant 0 : i32
      %dma_wait3A_129 = arith.constant 0 : i32
      %dma_wait3A_130 = tpu.memref_slice %arg6[%run_scoped3A_114, %dma_wait3A_128, %dma_wait3A_129] : memref<2x128x128xf32, #tpu.memory_space<vmem>> -> memref<1x128x128xf32, #tpu.memory_space<vmem>>
      %dma_wait3A_131 = tpu.memref_squeeze %dma_wait3A_130 : memref<1x128x128xf32, #tpu.memory_space<vmem>> -> memref<128x128xf32, #tpu.memory_space<vmem>>
      %dma_wait3A_132 = arith.constant 0 : i32
      %dma_wait3A_133 = tpu.memref_slice %arg4[%add3A_113, %dma_wait3A_132] : memref<20480x128xf32, #tpu.memory_space<hbm>> -> memref<128x128xf32, #tpu.memory_space<hbm>>
      %dma_wait3A_134 = arith.constant 0 : i32
      %dma_wait3A_135 = tpu.memref_slice %arg4[%add3A_113, %dma_wait3A_134] : memref<20480x128xf32, #tpu.memory_space<hbm>> -> memref<128x128xf32, #tpu.memory_space<hbm>>
      %dma_wait3A_136 = arith.constant 0 : i32
      %dma_wait3A_137 = arith.constant 0 : i32
      %dma_wait3A_138 = tpu.memref_slice %arg6[%run_scoped3A_114, %dma_wait3A_136, %dma_wait3A_137] : memref<2x128x128xf32, #tpu.memory_space<vmem>> -> memref<1x128x128xf32, #tpu.memory_space<vmem>>
      %dma_wait3A_139 = tpu.memref_squeeze %dma_wait3A_138 : memref<1x128x128xf32, #tpu.memory_space<vmem>> -> memref<128x128xf32, #tpu.memory_space<vmem>>
      tpu.wait_dma2 semaphore(%run_scoped3A_115 : memref<!tpu.dma_semaphore, #tpu.memory_space<semaphore_mem>>) src(%dma_wait3A_139 : memref<128x128xf32, #tpu.memory_space<vmem>>) dst(%dma_wait3A_135 : memref<128x128xf32, #tpu.memory_space<hbm>>)
      tpu.yield
    }) : () -> ()
    return
  }
}

#map = affine_map<(d0, d1) -> (0, 0)>
#map1 = affine_map<(d0, d1) -> (0, 0, 0)>
module attributes {stable_mosaic.version = 14 : i64} {
  func.func @_scatter_body(%arg0: i32, %arg1: i32, %arg2: memref<20480x32xf32, #tpu.memory_space<hbm>>, %arg3: memref<20480x32xf32, #tpu.memory_space<hbm>>, %arg4: memref<32x10x128xi32, #tpu.memory_space<hbm>>, %arg5: memref<10240x32xf32, #tpu.memory_space<hbm>>, %arg6: memref<2x10000x32xf32, #tpu.memory_space<hbm>>, %arg7: memref<10x128xi32, #tpu.memory_space<vmem>>, %arg8: memref<128x32xf32, #tpu.memory_space<vmem>>, %arg9: memref<10240x32xf32, #tpu.memory_space<vmem_shared>>) attributes {dimension_semantics = [#tpu.dimension_semantics<core_parallel>, #tpu.dimension_semantics<subcore_parallel>], iteration_bounds = array<i64: 2, 16>, scalar_prefetch = 0 : i64, scratch_operands = 3 : i64, tpu.core_type = #tpu.core_type<sc_vector_subcore>, window_params = [{transform_indices = #map}, {transform_indices = #map}, {transform_indices = #map1}, {transform_indices = #map}, {transform_indices = #map1}]} {
    %mul3A = arith.constant 2 : i32
    %mul3A_0 = arith.muli %arg1, %mul3A : i32
    %add3A = arith.addi %mul3A_0, %arg0 : i32
    %mul3A_1 = arith.constant 640 : i32
    %mul3A_2 = arith.muli %arg1, %mul3A_1 : i32
    %mul3A_3 = arith.constant 640 : i32
    %mul3A_4 = arith.muli %arg1, %mul3A_3 : i32
    "tpu.region"() ({
      %run_scoped3A_59 = tpu.sem_alloc : memref<!tpu.dma_semaphore, #tpu.memory_space<semaphore_mem>>
      %dma_start3A = arith.constant 0 : i32
      %dma_start3A_60 = tpu.memref_slice %arg9[%mul3A_4, %dma_start3A] : memref<10240x32xf32, #tpu.memory_space<vmem_shared>> -> memref<640x32xf32, #tpu.memory_space<vmem_shared>>
      %dma_start3A_61 = arith.constant 0 : i32
      %dma_start3A_62 = tpu.memref_slice %arg5[%mul3A_2, %dma_start3A_61] : memref<10240x32xf32, #tpu.memory_space<hbm>> -> memref<640x32xf32, #tpu.memory_space<hbm>>
      tpu.enqueue_dma source(%dma_start3A_62 : memref<640x32xf32, #tpu.memory_space<hbm>>) target(%dma_start3A_60 : memref<640x32xf32, #tpu.memory_space<vmem_shared>>) target_semaphore(%run_scoped3A_59 : memref<!tpu.dma_semaphore, #tpu.memory_space<semaphore_mem>>)
      %dma_wait3A = arith.constant 0 : i32
      %dma_wait3A_63 = tpu.memref_slice %arg9[%mul3A_4, %dma_wait3A] : memref<10240x32xf32, #tpu.memory_space<vmem_shared>> -> memref<640x32xf32, #tpu.memory_space<vmem_shared>>
      %dma_wait3A_64 = arith.constant 0 : i32
      %dma_wait3A_65 = tpu.memref_slice %arg5[%mul3A_2, %dma_wait3A_64] : memref<10240x32xf32, #tpu.memory_space<hbm>> -> memref<640x32xf32, #tpu.memory_space<hbm>>
      tpu.wait_dma2 semaphore(%run_scoped3A_59 : memref<!tpu.dma_semaphore, #tpu.memory_space<semaphore_mem>>) src(%dma_wait3A_65 : memref<640x32xf32, #tpu.memory_space<hbm>>) dst(%dma_wait3A_63 : memref<640x32xf32, #tpu.memory_space<vmem_shared>>)
      tpu.yield
    }) : () -> ()
    "tpu.region"() ({
      %run_scoped3A_59 = tpu.sem_alloc : memref<!tpu.dma_semaphore, #tpu.memory_space<semaphore_mem>>
      %dma_start3A = arith.constant 0 : i32
      %dma_start3A_60 = arith.constant 0 : i32
      %dma_start3A_61 = tpu.memref_slice %arg4[%add3A, %dma_start3A, %dma_start3A_60] : memref<32x10x128xi32, #tpu.memory_space<hbm>> -> memref<1x10x128xi32, #tpu.memory_space<hbm>>
      %dma_start3A_62 = tpu.memref_squeeze %dma_start3A_61 : memref<1x10x128xi32, #tpu.memory_space<hbm>> -> memref<10x128xi32, #tpu.memory_space<hbm>>
      %dma_start3A_63 = arith.constant 0 : i32
      %dma_start3A_64 = arith.constant 0 : i32
      %dma_start3A_65 = tpu.memref_slice %arg4[%add3A, %dma_start3A_63, %dma_start3A_64] : memref<32x10x128xi32, #tpu.memory_space<hbm>> -> memref<1x10x128xi32, #tpu.memory_space<hbm>>
      %dma_start3A_66 = tpu.memref_squeeze %dma_start3A_65 : memref<1x10x128xi32, #tpu.memory_space<hbm>> -> memref<10x128xi32, #tpu.memory_space<hbm>>
      tpu.enqueue_dma source(%dma_start3A_66 : memref<10x128xi32, #tpu.memory_space<hbm>>) target(%arg7 : memref<10x128xi32, #tpu.memory_space<vmem>>) target_semaphore(%run_scoped3A_59 : memref<!tpu.dma_semaphore, #tpu.memory_space<semaphore_mem>>)
      %dma_wait3A = arith.constant 0 : i32
      %dma_wait3A_67 = arith.constant 0 : i32
      %dma_wait3A_68 = tpu.memref_slice %arg4[%add3A, %dma_wait3A, %dma_wait3A_67] : memref<32x10x128xi32, #tpu.memory_space<hbm>> -> memref<1x10x128xi32, #tpu.memory_space<hbm>>
      %dma_wait3A_69 = tpu.memref_squeeze %dma_wait3A_68 : memref<1x10x128xi32, #tpu.memory_space<hbm>> -> memref<10x128xi32, #tpu.memory_space<hbm>>
      %dma_wait3A_70 = arith.constant 0 : i32
      %dma_wait3A_71 = arith.constant 0 : i32
      %dma_wait3A_72 = tpu.memref_slice %arg4[%add3A, %dma_wait3A_70, %dma_wait3A_71] : memref<32x10x128xi32, #tpu.memory_space<hbm>> -> memref<1x10x128xi32, #tpu.memory_space<hbm>>
      %dma_wait3A_73 = tpu.memref_squeeze %dma_wait3A_72 : memref<1x10x128xi32, #tpu.memory_space<hbm>> -> memref<10x128xi32, #tpu.memory_space<hbm>>
      tpu.wait_dma2 semaphore(%run_scoped3A_59 : memref<!tpu.dma_semaphore, #tpu.memory_space<semaphore_mem>>) src(%dma_wait3A_73 : memref<10x128xi32, #tpu.memory_space<hbm>>) dst(%arg7 : memref<10x128xi32, #tpu.memory_space<vmem>>)
      tpu.yield
    }) : () -> ()
    %barrier3A = arith.constant 0 : index
    tpu.barrier barrier_id(%barrier3A)
    %mul3A_5 = arith.constant 640 : i32
    %mul3A_6 = arith.muli %add3A, %mul3A_5 : i32
    %add3A_7 = arith.constant 0 : i32
    %add3A_8 = arith.addi %mul3A_6, %add3A_7 : i32
    "tpu.region"() ({
      %run_scoped3A_59 = tpu.sem_alloc : memref<!tpu.dma_semaphore, #tpu.memory_space<semaphore_mem>>
      %dma_start3A = arith.constant 0 : i32
      %dma_start3A_60 = tpu.memref_slice %arg2[%add3A_8, %dma_start3A] : memref<20480x32xf32, #tpu.memory_space<hbm>> -> memref<128x32xf32, #tpu.memory_space<hbm>>
      %dma_start3A_61 = arith.constant 0 : i32
      %dma_start3A_62 = tpu.memref_slice %arg2[%add3A_8, %dma_start3A_61] : memref<20480x32xf32, #tpu.memory_space<hbm>> -> memref<128x32xf32, #tpu.memory_space<hbm>>
      tpu.enqueue_dma source(%dma_start3A_62 : memref<128x32xf32, #tpu.memory_space<hbm>>) target(%arg8 : memref<128x32xf32, #tpu.memory_space<vmem>>) target_semaphore(%run_scoped3A_59 : memref<!tpu.dma_semaphore, #tpu.memory_space<semaphore_mem>>)
      %dma_wait3A = arith.constant 0 : i32
      %dma_wait3A_63 = tpu.memref_slice %arg2[%add3A_8, %dma_wait3A] : memref<20480x32xf32, #tpu.memory_space<hbm>> -> memref<128x32xf32, #tpu.memory_space<hbm>>
      %dma_wait3A_64 = arith.constant 0 : i32
      %dma_wait3A_65 = tpu.memref_slice %arg2[%add3A_8, %dma_wait3A_64] : memref<20480x32xf32, #tpu.memory_space<hbm>> -> memref<128x32xf32, #tpu.memory_space<hbm>>
      tpu.wait_dma2 semaphore(%run_scoped3A_59 : memref<!tpu.dma_semaphore, #tpu.memory_space<semaphore_mem>>) src(%dma_wait3A_65 : memref<128x32xf32, #tpu.memory_space<hbm>>) dst(%arg8 : memref<128x32xf32, #tpu.memory_space<vmem>>)
      tpu.yield
    }) : () -> ()
    %run_scoped3A = arith.constant 0 : i32
    "tpu.region"() ({
      %run_scoped3A_59 = tpu.sem_alloc : memref<!tpu.dma_semaphore, #tpu.memory_space<semaphore_mem>>
      %dma_start3A = arith.constant 0 : i32
      %dma_start3A_60 = tpu.memref_slice %arg7[%run_scoped3A, %dma_start3A] : memref<10x128xi32, #tpu.memory_space<vmem>> -> memref<1x128xi32, #tpu.memory_space<vmem>>
      %dma_start3A_61 = tpu.memref_squeeze %dma_start3A_60 : memref<1x128xi32, #tpu.memory_space<vmem>> -> memref<128xi32, #tpu.memory_space<vmem>>
      %dma_start3A_62 = arith.constant 0 : i32
      %dma_start3A_63 = arith.constant 0 : i32
      %dma_start3A_64 = tpu.memref_slice %arg9[%dma_start3A_62, %dma_start3A_63] : memref<10240x32xf32, #tpu.memory_space<vmem_shared>> -> memref<10240x32xf32, #tpu.memory_space<vmem_shared>>
      tpu.enqueue_indirect_dma source(%arg8 : memref<128x32xf32, #tpu.memory_space<vmem>>) target(%dma_start3A_64 : memref<10240x32xf32, #tpu.memory_space<vmem_shared>>) offsets(%dma_start3A_61 : memref<128xi32, #tpu.memory_space<vmem>>) semaphore(%run_scoped3A_59 : memref<!tpu.dma_semaphore, #tpu.memory_space<semaphore_mem>>) {add = true}
      %dma_wait3A = arith.constant 0 : i32
      %dma_wait3A_65 = tpu.memref_slice %arg7[%run_scoped3A, %dma_wait3A] : memref<10x128xi32, #tpu.memory_space<vmem>> -> memref<1x128xi32, #tpu.memory_space<vmem>>
      %dma_wait3A_66 = tpu.memref_squeeze %dma_wait3A_65 : memref<1x128xi32, #tpu.memory_space<vmem>> -> memref<128xi32, #tpu.memory_space<vmem>>
      %dma_wait3A_67 = arith.constant 0 : i32
      %dma_wait3A_68 = arith.constant 0 : i32
      %dma_wait3A_69 = tpu.memref_slice %arg9[%dma_wait3A_67, %dma_wait3A_68] : memref<10240x32xf32, #tpu.memory_space<vmem_shared>> -> memref<10240x32xf32, #tpu.memory_space<vmem_shared>>
      tpu.wait_indirect_dma semaphore(%run_scoped3A_59 : memref<!tpu.dma_semaphore, #tpu.memory_space<semaphore_mem>>) src(%arg8 : memref<128x32xf32, #tpu.memory_space<vmem>>) dst(%dma_wait3A_69 : memref<10240x32xf32, #tpu.memory_space<vmem_shared>>)
      tpu.yield
    }) : () -> ()
    %mul3A_9 = arith.constant 640 : i32
    %mul3A_10 = arith.muli %add3A, %mul3A_9 : i32
    %add3A_11 = arith.constant 128 : i32
    %add3A_12 = arith.addi %mul3A_10, %add3A_11 : i32
    "tpu.region"() ({
      %run_scoped3A_59 = tpu.sem_alloc : memref<!tpu.dma_semaphore, #tpu.memory_space<semaphore_mem>>
      %dma_start3A = arith.constant 0 : i32
      %dma_start3A_60 = tpu.memref_slice %arg2[%add3A_12, %dma_start3A] : memref<20480x32xf32, #tpu.memory_space<hbm>> -> memref<128x32xf32, #tpu.memory_space<hbm>>
      %dma_start3A_61 = arith.constant 0 : i32
      %dma_start3A_62 = tpu.memref_slice %arg2[%add3A_12, %dma_start3A_61] : memref<20480x32xf32, #tpu.memory_space<hbm>> -> memref<128x32xf32, #tpu.memory_space<hbm>>
      tpu.enqueue_dma source(%dma_start3A_62 : memref<128x32xf32, #tpu.memory_space<hbm>>) target(%arg8 : memref<128x32xf32, #tpu.memory_space<vmem>>) target_semaphore(%run_scoped3A_59 : memref<!tpu.dma_semaphore, #tpu.memory_space<semaphore_mem>>)
      %dma_wait3A = arith.constant 0 : i32
      %dma_wait3A_63 = tpu.memref_slice %arg2[%add3A_12, %dma_wait3A] : memref<20480x32xf32, #tpu.memory_space<hbm>> -> memref<128x32xf32, #tpu.memory_space<hbm>>
      %dma_wait3A_64 = arith.constant 0 : i32
      %dma_wait3A_65 = tpu.memref_slice %arg2[%add3A_12, %dma_wait3A_64] : memref<20480x32xf32, #tpu.memory_space<hbm>> -> memref<128x32xf32, #tpu.memory_space<hbm>>
      tpu.wait_dma2 semaphore(%run_scoped3A_59 : memref<!tpu.dma_semaphore, #tpu.memory_space<semaphore_mem>>) src(%dma_wait3A_65 : memref<128x32xf32, #tpu.memory_space<hbm>>) dst(%arg8 : memref<128x32xf32, #tpu.memory_space<vmem>>)
      tpu.yield
    }) : () -> ()
    %run_scoped3A_13 = arith.constant 1 : i32
    "tpu.region"() ({
      %run_scoped3A_59 = tpu.sem_alloc : memref<!tpu.dma_semaphore, #tpu.memory_space<semaphore_mem>>
      %dma_start3A = arith.constant 0 : i32
      %dma_start3A_60 = tpu.memref_slice %arg7[%run_scoped3A_13, %dma_start3A] : memref<10x128xi32, #tpu.memory_space<vmem>> -> memref<1x128xi32, #tpu.memory_space<vmem>>
      %dma_start3A_61 = tpu.memref_squeeze %dma_start3A_60 : memref<1x128xi32, #tpu.memory_space<vmem>> -> memref<128xi32, #tpu.memory_space<vmem>>
      %dma_start3A_62 = arith.constant 0 : i32
      %dma_start3A_63 = arith.constant 0 : i32
      %dma_start3A_64 = tpu.memref_slice %arg9[%dma_start3A_62, %dma_start3A_63] : memref<10240x32xf32, #tpu.memory_space<vmem_shared>> -> memref<10240x32xf32, #tpu.memory_space<vmem_shared>>
      tpu.enqueue_indirect_dma source(%arg8 : memref<128x32xf32, #tpu.memory_space<vmem>>) target(%dma_start3A_64 : memref<10240x32xf32, #tpu.memory_space<vmem_shared>>) offsets(%dma_start3A_61 : memref<128xi32, #tpu.memory_space<vmem>>) semaphore(%run_scoped3A_59 : memref<!tpu.dma_semaphore, #tpu.memory_space<semaphore_mem>>) {add = true}
      %dma_wait3A = arith.constant 0 : i32
      %dma_wait3A_65 = tpu.memref_slice %arg7[%run_scoped3A_13, %dma_wait3A] : memref<10x128xi32, #tpu.memory_space<vmem>> -> memref<1x128xi32, #tpu.memory_space<vmem>>
      %dma_wait3A_66 = tpu.memref_squeeze %dma_wait3A_65 : memref<1x128xi32, #tpu.memory_space<vmem>> -> memref<128xi32, #tpu.memory_space<vmem>>
      %dma_wait3A_67 = arith.constant 0 : i32
      %dma_wait3A_68 = arith.constant 0 : i32
      %dma_wait3A_69 = tpu.memref_slice %arg9[%dma_wait3A_67, %dma_wait3A_68] : memref<10240x32xf32, #tpu.memory_space<vmem_shared>> -> memref<10240x32xf32, #tpu.memory_space<vmem_shared>>
      tpu.wait_indirect_dma semaphore(%run_scoped3A_59 : memref<!tpu.dma_semaphore, #tpu.memory_space<semaphore_mem>>) src(%arg8 : memref<128x32xf32, #tpu.memory_space<vmem>>) dst(%dma_wait3A_69 : memref<10240x32xf32, #tpu.memory_space<vmem_shared>>)
      tpu.yield
    }) : () -> ()
    %mul3A_14 = arith.constant 640 : i32
    %mul3A_15 = arith.muli %add3A, %mul3A_14 : i32
    %add3A_16 = arith.constant 256 : i32
    %add3A_17 = arith.addi %mul3A_15, %add3A_16 : i32
    "tpu.region"() ({
      %run_scoped3A_59 = tpu.sem_alloc : memref<!tpu.dma_semaphore, #tpu.memory_space<semaphore_mem>>
      %dma_start3A = arith.constant 0 : i32
      %dma_start3A_60 = tpu.memref_slice %arg2[%add3A_17, %dma_start3A] : memref<20480x32xf32, #tpu.memory_space<hbm>> -> memref<128x32xf32, #tpu.memory_space<hbm>>
      %dma_start3A_61 = arith.constant 0 : i32
      %dma_start3A_62 = tpu.memref_slice %arg2[%add3A_17, %dma_start3A_61] : memref<20480x32xf32, #tpu.memory_space<hbm>> -> memref<128x32xf32, #tpu.memory_space<hbm>>
      tpu.enqueue_dma source(%dma_start3A_62 : memref<128x32xf32, #tpu.memory_space<hbm>>) target(%arg8 : memref<128x32xf32, #tpu.memory_space<vmem>>) target_semaphore(%run_scoped3A_59 : memref<!tpu.dma_semaphore, #tpu.memory_space<semaphore_mem>>)
      %dma_wait3A = arith.constant 0 : i32
      %dma_wait3A_63 = tpu.memref_slice %arg2[%add3A_17, %dma_wait3A] : memref<20480x32xf32, #tpu.memory_space<hbm>> -> memref<128x32xf32, #tpu.memory_space<hbm>>
      %dma_wait3A_64 = arith.constant 0 : i32
      %dma_wait3A_65 = tpu.memref_slice %arg2[%add3A_17, %dma_wait3A_64] : memref<20480x32xf32, #tpu.memory_space<hbm>> -> memref<128x32xf32, #tpu.memory_space<hbm>>
      tpu.wait_dma2 semaphore(%run_scoped3A_59 : memref<!tpu.dma_semaphore, #tpu.memory_space<semaphore_mem>>) src(%dma_wait3A_65 : memref<128x32xf32, #tpu.memory_space<hbm>>) dst(%arg8 : memref<128x32xf32, #tpu.memory_space<vmem>>)
      tpu.yield
    }) : () -> ()
    %run_scoped3A_18 = arith.constant 2 : i32
    "tpu.region"() ({
      %run_scoped3A_59 = tpu.sem_alloc : memref<!tpu.dma_semaphore, #tpu.memory_space<semaphore_mem>>
      %dma_start3A = arith.constant 0 : i32
      %dma_start3A_60 = tpu.memref_slice %arg7[%run_scoped3A_18, %dma_start3A] : memref<10x128xi32, #tpu.memory_space<vmem>> -> memref<1x128xi32, #tpu.memory_space<vmem>>
      %dma_start3A_61 = tpu.memref_squeeze %dma_start3A_60 : memref<1x128xi32, #tpu.memory_space<vmem>> -> memref<128xi32, #tpu.memory_space<vmem>>
      %dma_start3A_62 = arith.constant 0 : i32
      %dma_start3A_63 = arith.constant 0 : i32
      %dma_start3A_64 = tpu.memref_slice %arg9[%dma_start3A_62, %dma_start3A_63] : memref<10240x32xf32, #tpu.memory_space<vmem_shared>> -> memref<10240x32xf32, #tpu.memory_space<vmem_shared>>
      tpu.enqueue_indirect_dma source(%arg8 : memref<128x32xf32, #tpu.memory_space<vmem>>) target(%dma_start3A_64 : memref<10240x32xf32, #tpu.memory_space<vmem_shared>>) offsets(%dma_start3A_61 : memref<128xi32, #tpu.memory_space<vmem>>) semaphore(%run_scoped3A_59 : memref<!tpu.dma_semaphore, #tpu.memory_space<semaphore_mem>>) {add = true}
      %dma_wait3A = arith.constant 0 : i32
      %dma_wait3A_65 = tpu.memref_slice %arg7[%run_scoped3A_18, %dma_wait3A] : memref<10x128xi32, #tpu.memory_space<vmem>> -> memref<1x128xi32, #tpu.memory_space<vmem>>
      %dma_wait3A_66 = tpu.memref_squeeze %dma_wait3A_65 : memref<1x128xi32, #tpu.memory_space<vmem>> -> memref<128xi32, #tpu.memory_space<vmem>>
      %dma_wait3A_67 = arith.constant 0 : i32
      %dma_wait3A_68 = arith.constant 0 : i32
      %dma_wait3A_69 = tpu.memref_slice %arg9[%dma_wait3A_67, %dma_wait3A_68] : memref<10240x32xf32, #tpu.memory_space<vmem_shared>> -> memref<10240x32xf32, #tpu.memory_space<vmem_shared>>
      tpu.wait_indirect_dma semaphore(%run_scoped3A_59 : memref<!tpu.dma_semaphore, #tpu.memory_space<semaphore_mem>>) src(%arg8 : memref<128x32xf32, #tpu.memory_space<vmem>>) dst(%dma_wait3A_69 : memref<10240x32xf32, #tpu.memory_space<vmem_shared>>)
      tpu.yield
    }) : () -> ()
    %mul3A_19 = arith.constant 640 : i32
    %mul3A_20 = arith.muli %add3A, %mul3A_19 : i32
    %add3A_21 = arith.constant 384 : i32
    %add3A_22 = arith.addi %mul3A_20, %add3A_21 : i32
    "tpu.region"() ({
      %run_scoped3A_59 = tpu.sem_alloc : memref<!tpu.dma_semaphore, #tpu.memory_space<semaphore_mem>>
      %dma_start3A = arith.constant 0 : i32
      %dma_start3A_60 = tpu.memref_slice %arg2[%add3A_22, %dma_start3A] : memref<20480x32xf32, #tpu.memory_space<hbm>> -> memref<128x32xf32, #tpu.memory_space<hbm>>
      %dma_start3A_61 = arith.constant 0 : i32
      %dma_start3A_62 = tpu.memref_slice %arg2[%add3A_22, %dma_start3A_61] : memref<20480x32xf32, #tpu.memory_space<hbm>> -> memref<128x32xf32, #tpu.memory_space<hbm>>
      tpu.enqueue_dma source(%dma_start3A_62 : memref<128x32xf32, #tpu.memory_space<hbm>>) target(%arg8 : memref<128x32xf32, #tpu.memory_space<vmem>>) target_semaphore(%run_scoped3A_59 : memref<!tpu.dma_semaphore, #tpu.memory_space<semaphore_mem>>)
      %dma_wait3A = arith.constant 0 : i32
      %dma_wait3A_63 = tpu.memref_slice %arg2[%add3A_22, %dma_wait3A] : memref<20480x32xf32, #tpu.memory_space<hbm>> -> memref<128x32xf32, #tpu.memory_space<hbm>>
      %dma_wait3A_64 = arith.constant 0 : i32
      %dma_wait3A_65 = tpu.memref_slice %arg2[%add3A_22, %dma_wait3A_64] : memref<20480x32xf32, #tpu.memory_space<hbm>> -> memref<128x32xf32, #tpu.memory_space<hbm>>
      tpu.wait_dma2 semaphore(%run_scoped3A_59 : memref<!tpu.dma_semaphore, #tpu.memory_space<semaphore_mem>>) src(%dma_wait3A_65 : memref<128x32xf32, #tpu.memory_space<hbm>>) dst(%arg8 : memref<128x32xf32, #tpu.memory_space<vmem>>)
      tpu.yield
    }) : () -> ()
    %run_scoped3A_23 = arith.constant 3 : i32
    "tpu.region"() ({
      %run_scoped3A_59 = tpu.sem_alloc : memref<!tpu.dma_semaphore, #tpu.memory_space<semaphore_mem>>
      %dma_start3A = arith.constant 0 : i32
      %dma_start3A_60 = tpu.memref_slice %arg7[%run_scoped3A_23, %dma_start3A] : memref<10x128xi32, #tpu.memory_space<vmem>> -> memref<1x128xi32, #tpu.memory_space<vmem>>
      %dma_start3A_61 = tpu.memref_squeeze %dma_start3A_60 : memref<1x128xi32, #tpu.memory_space<vmem>> -> memref<128xi32, #tpu.memory_space<vmem>>
      %dma_start3A_62 = arith.constant 0 : i32
      %dma_start3A_63 = arith.constant 0 : i32
      %dma_start3A_64 = tpu.memref_slice %arg9[%dma_start3A_62, %dma_start3A_63] : memref<10240x32xf32, #tpu.memory_space<vmem_shared>> -> memref<10240x32xf32, #tpu.memory_space<vmem_shared>>
      tpu.enqueue_indirect_dma source(%arg8 : memref<128x32xf32, #tpu.memory_space<vmem>>) target(%dma_start3A_64 : memref<10240x32xf32, #tpu.memory_space<vmem_shared>>) offsets(%dma_start3A_61 : memref<128xi32, #tpu.memory_space<vmem>>) semaphore(%run_scoped3A_59 : memref<!tpu.dma_semaphore, #tpu.memory_space<semaphore_mem>>) {add = true}
      %dma_wait3A = arith.constant 0 : i32
      %dma_wait3A_65 = tpu.memref_slice %arg7[%run_scoped3A_23, %dma_wait3A] : memref<10x128xi32, #tpu.memory_space<vmem>> -> memref<1x128xi32, #tpu.memory_space<vmem>>
      %dma_wait3A_66 = tpu.memref_squeeze %dma_wait3A_65 : memref<1x128xi32, #tpu.memory_space<vmem>> -> memref<128xi32, #tpu.memory_space<vmem>>
      %dma_wait3A_67 = arith.constant 0 : i32
      %dma_wait3A_68 = arith.constant 0 : i32
      %dma_wait3A_69 = tpu.memref_slice %arg9[%dma_wait3A_67, %dma_wait3A_68] : memref<10240x32xf32, #tpu.memory_space<vmem_shared>> -> memref<10240x32xf32, #tpu.memory_space<vmem_shared>>
      tpu.wait_indirect_dma semaphore(%run_scoped3A_59 : memref<!tpu.dma_semaphore, #tpu.memory_space<semaphore_mem>>) src(%arg8 : memref<128x32xf32, #tpu.memory_space<vmem>>) dst(%dma_wait3A_69 : memref<10240x32xf32, #tpu.memory_space<vmem_shared>>)
      tpu.yield
    }) : () -> ()
    %mul3A_24 = arith.constant 640 : i32
    %mul3A_25 = arith.muli %add3A, %mul3A_24 : i32
    %add3A_26 = arith.constant 512 : i32
    %add3A_27 = arith.addi %mul3A_25, %add3A_26 : i32
    "tpu.region"() ({
      %run_scoped3A_59 = tpu.sem_alloc : memref<!tpu.dma_semaphore, #tpu.memory_space<semaphore_mem>>
      %dma_start3A = arith.constant 0 : i32
      %dma_start3A_60 = tpu.memref_slice %arg2[%add3A_27, %dma_start3A] : memref<20480x32xf32, #tpu.memory_space<hbm>> -> memref<128x32xf32, #tpu.memory_space<hbm>>
      %dma_start3A_61 = arith.constant 0 : i32
      %dma_start3A_62 = tpu.memref_slice %arg2[%add3A_27, %dma_start3A_61] : memref<20480x32xf32, #tpu.memory_space<hbm>> -> memref<128x32xf32, #tpu.memory_space<hbm>>
      tpu.enqueue_dma source(%dma_start3A_62 : memref<128x32xf32, #tpu.memory_space<hbm>>) target(%arg8 : memref<128x32xf32, #tpu.memory_space<vmem>>) target_semaphore(%run_scoped3A_59 : memref<!tpu.dma_semaphore, #tpu.memory_space<semaphore_mem>>)
      %dma_wait3A = arith.constant 0 : i32
      %dma_wait3A_63 = tpu.memref_slice %arg2[%add3A_27, %dma_wait3A] : memref<20480x32xf32, #tpu.memory_space<hbm>> -> memref<128x32xf32, #tpu.memory_space<hbm>>
      %dma_wait3A_64 = arith.constant 0 : i32
      %dma_wait3A_65 = tpu.memref_slice %arg2[%add3A_27, %dma_wait3A_64] : memref<20480x32xf32, #tpu.memory_space<hbm>> -> memref<128x32xf32, #tpu.memory_space<hbm>>
      tpu.wait_dma2 semaphore(%run_scoped3A_59 : memref<!tpu.dma_semaphore, #tpu.memory_space<semaphore_mem>>) src(%dma_wait3A_65 : memref<128x32xf32, #tpu.memory_space<hbm>>) dst(%arg8 : memref<128x32xf32, #tpu.memory_space<vmem>>)
      tpu.yield
    }) : () -> ()
    %run_scoped3A_28 = arith.constant 4 : i32
    "tpu.region"() ({
      %run_scoped3A_59 = tpu.sem_alloc : memref<!tpu.dma_semaphore, #tpu.memory_space<semaphore_mem>>
      %dma_start3A = arith.constant 0 : i32
      %dma_start3A_60 = tpu.memref_slice %arg7[%run_scoped3A_28, %dma_start3A] : memref<10x128xi32, #tpu.memory_space<vmem>> -> memref<1x128xi32, #tpu.memory_space<vmem>>
      %dma_start3A_61 = tpu.memref_squeeze %dma_start3A_60 : memref<1x128xi32, #tpu.memory_space<vmem>> -> memref<128xi32, #tpu.memory_space<vmem>>
      %dma_start3A_62 = arith.constant 0 : i32
      %dma_start3A_63 = arith.constant 0 : i32
      %dma_start3A_64 = tpu.memref_slice %arg9[%dma_start3A_62, %dma_start3A_63] : memref<10240x32xf32, #tpu.memory_space<vmem_shared>> -> memref<10240x32xf32, #tpu.memory_space<vmem_shared>>
      tpu.enqueue_indirect_dma source(%arg8 : memref<128x32xf32, #tpu.memory_space<vmem>>) target(%dma_start3A_64 : memref<10240x32xf32, #tpu.memory_space<vmem_shared>>) offsets(%dma_start3A_61 : memref<128xi32, #tpu.memory_space<vmem>>) semaphore(%run_scoped3A_59 : memref<!tpu.dma_semaphore, #tpu.memory_space<semaphore_mem>>) {add = true}
      %dma_wait3A = arith.constant 0 : i32
      %dma_wait3A_65 = tpu.memref_slice %arg7[%run_scoped3A_28, %dma_wait3A] : memref<10x128xi32, #tpu.memory_space<vmem>> -> memref<1x128xi32, #tpu.memory_space<vmem>>
      %dma_wait3A_66 = tpu.memref_squeeze %dma_wait3A_65 : memref<1x128xi32, #tpu.memory_space<vmem>> -> memref<128xi32, #tpu.memory_space<vmem>>
      %dma_wait3A_67 = arith.constant 0 : i32
      %dma_wait3A_68 = arith.constant 0 : i32
      %dma_wait3A_69 = tpu.memref_slice %arg9[%dma_wait3A_67, %dma_wait3A_68] : memref<10240x32xf32, #tpu.memory_space<vmem_shared>> -> memref<10240x32xf32, #tpu.memory_space<vmem_shared>>
      tpu.wait_indirect_dma semaphore(%run_scoped3A_59 : memref<!tpu.dma_semaphore, #tpu.memory_space<semaphore_mem>>) src(%arg8 : memref<128x32xf32, #tpu.memory_space<vmem>>) dst(%dma_wait3A_69 : memref<10240x32xf32, #tpu.memory_space<vmem_shared>>)
      tpu.yield
    }) : () -> ()
    %mul3A_29 = arith.constant 640 : i32
    %mul3A_30 = arith.muli %add3A, %mul3A_29 : i32
    %add3A_31 = arith.constant 0 : i32
    %add3A_32 = arith.addi %mul3A_30, %add3A_31 : i32
    "tpu.region"() ({
      %run_scoped3A_59 = tpu.sem_alloc : memref<!tpu.dma_semaphore, #tpu.memory_space<semaphore_mem>>
      %dma_start3A = arith.constant 0 : i32
      %dma_start3A_60 = tpu.memref_slice %arg3[%add3A_32, %dma_start3A] : memref<20480x32xf32, #tpu.memory_space<hbm>> -> memref<128x32xf32, #tpu.memory_space<hbm>>
      %dma_start3A_61 = arith.constant 0 : i32
      %dma_start3A_62 = tpu.memref_slice %arg3[%add3A_32, %dma_start3A_61] : memref<20480x32xf32, #tpu.memory_space<hbm>> -> memref<128x32xf32, #tpu.memory_space<hbm>>
      tpu.enqueue_dma source(%dma_start3A_62 : memref<128x32xf32, #tpu.memory_space<hbm>>) target(%arg8 : memref<128x32xf32, #tpu.memory_space<vmem>>) target_semaphore(%run_scoped3A_59 : memref<!tpu.dma_semaphore, #tpu.memory_space<semaphore_mem>>)
      %dma_wait3A = arith.constant 0 : i32
      %dma_wait3A_63 = tpu.memref_slice %arg3[%add3A_32, %dma_wait3A] : memref<20480x32xf32, #tpu.memory_space<hbm>> -> memref<128x32xf32, #tpu.memory_space<hbm>>
      %dma_wait3A_64 = arith.constant 0 : i32
      %dma_wait3A_65 = tpu.memref_slice %arg3[%add3A_32, %dma_wait3A_64] : memref<20480x32xf32, #tpu.memory_space<hbm>> -> memref<128x32xf32, #tpu.memory_space<hbm>>
      tpu.wait_dma2 semaphore(%run_scoped3A_59 : memref<!tpu.dma_semaphore, #tpu.memory_space<semaphore_mem>>) src(%dma_wait3A_65 : memref<128x32xf32, #tpu.memory_space<hbm>>) dst(%arg8 : memref<128x32xf32, #tpu.memory_space<vmem>>)
      tpu.yield
    }) : () -> ()
    %run_scoped3A_33 = arith.constant 5 : i32
    "tpu.region"() ({
      %run_scoped3A_59 = tpu.sem_alloc : memref<!tpu.dma_semaphore, #tpu.memory_space<semaphore_mem>>
      %dma_start3A = arith.constant 0 : i32
      %dma_start3A_60 = tpu.memref_slice %arg7[%run_scoped3A_33, %dma_start3A] : memref<10x128xi32, #tpu.memory_space<vmem>> -> memref<1x128xi32, #tpu.memory_space<vmem>>
      %dma_start3A_61 = tpu.memref_squeeze %dma_start3A_60 : memref<1x128xi32, #tpu.memory_space<vmem>> -> memref<128xi32, #tpu.memory_space<vmem>>
      %dma_start3A_62 = arith.constant 0 : i32
      %dma_start3A_63 = arith.constant 0 : i32
      %dma_start3A_64 = tpu.memref_slice %arg9[%dma_start3A_62, %dma_start3A_63] : memref<10240x32xf32, #tpu.memory_space<vmem_shared>> -> memref<10240x32xf32, #tpu.memory_space<vmem_shared>>
      tpu.enqueue_indirect_dma source(%arg8 : memref<128x32xf32, #tpu.memory_space<vmem>>) target(%dma_start3A_64 : memref<10240x32xf32, #tpu.memory_space<vmem_shared>>) offsets(%dma_start3A_61 : memref<128xi32, #tpu.memory_space<vmem>>) semaphore(%run_scoped3A_59 : memref<!tpu.dma_semaphore, #tpu.memory_space<semaphore_mem>>) {add = true}
      %dma_wait3A = arith.constant 0 : i32
      %dma_wait3A_65 = tpu.memref_slice %arg7[%run_scoped3A_33, %dma_wait3A] : memref<10x128xi32, #tpu.memory_space<vmem>> -> memref<1x128xi32, #tpu.memory_space<vmem>>
      %dma_wait3A_66 = tpu.memref_squeeze %dma_wait3A_65 : memref<1x128xi32, #tpu.memory_space<vmem>> -> memref<128xi32, #tpu.memory_space<vmem>>
      %dma_wait3A_67 = arith.constant 0 : i32
      %dma_wait3A_68 = arith.constant 0 : i32
      %dma_wait3A_69 = tpu.memref_slice %arg9[%dma_wait3A_67, %dma_wait3A_68] : memref<10240x32xf32, #tpu.memory_space<vmem_shared>> -> memref<10240x32xf32, #tpu.memory_space<vmem_shared>>
      tpu.wait_indirect_dma semaphore(%run_scoped3A_59 : memref<!tpu.dma_semaphore, #tpu.memory_space<semaphore_mem>>) src(%arg8 : memref<128x32xf32, #tpu.memory_space<vmem>>) dst(%dma_wait3A_69 : memref<10240x32xf32, #tpu.memory_space<vmem_shared>>)
      tpu.yield
    }) : () -> ()
    %mul3A_34 = arith.constant 640 : i32
    %mul3A_35 = arith.muli %add3A, %mul3A_34 : i32
    %add3A_36 = arith.constant 128 : i32
    %add3A_37 = arith.addi %mul3A_35, %add3A_36 : i32
    "tpu.region"() ({
      %run_scoped3A_59 = tpu.sem_alloc : memref<!tpu.dma_semaphore, #tpu.memory_space<semaphore_mem>>
      %dma_start3A = arith.constant 0 : i32
      %dma_start3A_60 = tpu.memref_slice %arg3[%add3A_37, %dma_start3A] : memref<20480x32xf32, #tpu.memory_space<hbm>> -> memref<128x32xf32, #tpu.memory_space<hbm>>
      %dma_start3A_61 = arith.constant 0 : i32
      %dma_start3A_62 = tpu.memref_slice %arg3[%add3A_37, %dma_start3A_61] : memref<20480x32xf32, #tpu.memory_space<hbm>> -> memref<128x32xf32, #tpu.memory_space<hbm>>
      tpu.enqueue_dma source(%dma_start3A_62 : memref<128x32xf32, #tpu.memory_space<hbm>>) target(%arg8 : memref<128x32xf32, #tpu.memory_space<vmem>>) target_semaphore(%run_scoped3A_59 : memref<!tpu.dma_semaphore, #tpu.memory_space<semaphore_mem>>)
      %dma_wait3A = arith.constant 0 : i32
      %dma_wait3A_63 = tpu.memref_slice %arg3[%add3A_37, %dma_wait3A] : memref<20480x32xf32, #tpu.memory_space<hbm>> -> memref<128x32xf32, #tpu.memory_space<hbm>>
      %dma_wait3A_64 = arith.constant 0 : i32
      %dma_wait3A_65 = tpu.memref_slice %arg3[%add3A_37, %dma_wait3A_64] : memref<20480x32xf32, #tpu.memory_space<hbm>> -> memref<128x32xf32, #tpu.memory_space<hbm>>
      tpu.wait_dma2 semaphore(%run_scoped3A_59 : memref<!tpu.dma_semaphore, #tpu.memory_space<semaphore_mem>>) src(%dma_wait3A_65 : memref<128x32xf32, #tpu.memory_space<hbm>>) dst(%arg8 : memref<128x32xf32, #tpu.memory_space<vmem>>)
      tpu.yield
    }) : () -> ()
    %run_scoped3A_38 = arith.constant 6 : i32
    "tpu.region"() ({
      %run_scoped3A_59 = tpu.sem_alloc : memref<!tpu.dma_semaphore, #tpu.memory_space<semaphore_mem>>
      %dma_start3A = arith.constant 0 : i32
      %dma_start3A_60 = tpu.memref_slice %arg7[%run_scoped3A_38, %dma_start3A] : memref<10x128xi32, #tpu.memory_space<vmem>> -> memref<1x128xi32, #tpu.memory_space<vmem>>
      %dma_start3A_61 = tpu.memref_squeeze %dma_start3A_60 : memref<1x128xi32, #tpu.memory_space<vmem>> -> memref<128xi32, #tpu.memory_space<vmem>>
      %dma_start3A_62 = arith.constant 0 : i32
      %dma_start3A_63 = arith.constant 0 : i32
      %dma_start3A_64 = tpu.memref_slice %arg9[%dma_start3A_62, %dma_start3A_63] : memref<10240x32xf32, #tpu.memory_space<vmem_shared>> -> memref<10240x32xf32, #tpu.memory_space<vmem_shared>>
      tpu.enqueue_indirect_dma source(%arg8 : memref<128x32xf32, #tpu.memory_space<vmem>>) target(%dma_start3A_64 : memref<10240x32xf32, #tpu.memory_space<vmem_shared>>) offsets(%dma_start3A_61 : memref<128xi32, #tpu.memory_space<vmem>>) semaphore(%run_scoped3A_59 : memref<!tpu.dma_semaphore, #tpu.memory_space<semaphore_mem>>) {add = true}
      %dma_wait3A = arith.constant 0 : i32
      %dma_wait3A_65 = tpu.memref_slice %arg7[%run_scoped3A_38, %dma_wait3A] : memref<10x128xi32, #tpu.memory_space<vmem>> -> memref<1x128xi32, #tpu.memory_space<vmem>>
      %dma_wait3A_66 = tpu.memref_squeeze %dma_wait3A_65 : memref<1x128xi32, #tpu.memory_space<vmem>> -> memref<128xi32, #tpu.memory_space<vmem>>
      %dma_wait3A_67 = arith.constant 0 : i32
      %dma_wait3A_68 = arith.constant 0 : i32
      %dma_wait3A_69 = tpu.memref_slice %arg9[%dma_wait3A_67, %dma_wait3A_68] : memref<10240x32xf32, #tpu.memory_space<vmem_shared>> -> memref<10240x32xf32, #tpu.memory_space<vmem_shared>>
      tpu.wait_indirect_dma semaphore(%run_scoped3A_59 : memref<!tpu.dma_semaphore, #tpu.memory_space<semaphore_mem>>) src(%arg8 : memref<128x32xf32, #tpu.memory_space<vmem>>) dst(%dma_wait3A_69 : memref<10240x32xf32, #tpu.memory_space<vmem_shared>>)
      tpu.yield
    }) : () -> ()
    %mul3A_39 = arith.constant 640 : i32
    %mul3A_40 = arith.muli %add3A, %mul3A_39 : i32
    %add3A_41 = arith.constant 256 : i32
    %add3A_42 = arith.addi %mul3A_40, %add3A_41 : i32
    "tpu.region"() ({
      %run_scoped3A_59 = tpu.sem_alloc : memref<!tpu.dma_semaphore, #tpu.memory_space<semaphore_mem>>
      %dma_start3A = arith.constant 0 : i32
      %dma_start3A_60 = tpu.memref_slice %arg3[%add3A_42, %dma_start3A] : memref<20480x32xf32, #tpu.memory_space<hbm>> -> memref<128x32xf32, #tpu.memory_space<hbm>>
      %dma_start3A_61 = arith.constant 0 : i32
      %dma_start3A_62 = tpu.memref_slice %arg3[%add3A_42, %dma_start3A_61] : memref<20480x32xf32, #tpu.memory_space<hbm>> -> memref<128x32xf32, #tpu.memory_space<hbm>>
      tpu.enqueue_dma source(%dma_start3A_62 : memref<128x32xf32, #tpu.memory_space<hbm>>) target(%arg8 : memref<128x32xf32, #tpu.memory_space<vmem>>) target_semaphore(%run_scoped3A_59 : memref<!tpu.dma_semaphore, #tpu.memory_space<semaphore_mem>>)
      %dma_wait3A = arith.constant 0 : i32
      %dma_wait3A_63 = tpu.memref_slice %arg3[%add3A_42, %dma_wait3A] : memref<20480x32xf32, #tpu.memory_space<hbm>> -> memref<128x32xf32, #tpu.memory_space<hbm>>
      %dma_wait3A_64 = arith.constant 0 : i32
      %dma_wait3A_65 = tpu.memref_slice %arg3[%add3A_42, %dma_wait3A_64] : memref<20480x32xf32, #tpu.memory_space<hbm>> -> memref<128x32xf32, #tpu.memory_space<hbm>>
      tpu.wait_dma2 semaphore(%run_scoped3A_59 : memref<!tpu.dma_semaphore, #tpu.memory_space<semaphore_mem>>) src(%dma_wait3A_65 : memref<128x32xf32, #tpu.memory_space<hbm>>) dst(%arg8 : memref<128x32xf32, #tpu.memory_space<vmem>>)
      tpu.yield
    }) : () -> ()
    %run_scoped3A_43 = arith.constant 7 : i32
    "tpu.region"() ({
      %run_scoped3A_59 = tpu.sem_alloc : memref<!tpu.dma_semaphore, #tpu.memory_space<semaphore_mem>>
      %dma_start3A = arith.constant 0 : i32
      %dma_start3A_60 = tpu.memref_slice %arg7[%run_scoped3A_43, %dma_start3A] : memref<10x128xi32, #tpu.memory_space<vmem>> -> memref<1x128xi32, #tpu.memory_space<vmem>>
      %dma_start3A_61 = tpu.memref_squeeze %dma_start3A_60 : memref<1x128xi32, #tpu.memory_space<vmem>> -> memref<128xi32, #tpu.memory_space<vmem>>
      %dma_start3A_62 = arith.constant 0 : i32
      %dma_start3A_63 = arith.constant 0 : i32
      %dma_start3A_64 = tpu.memref_slice %arg9[%dma_start3A_62, %dma_start3A_63] : memref<10240x32xf32, #tpu.memory_space<vmem_shared>> -> memref<10240x32xf32, #tpu.memory_space<vmem_shared>>
      tpu.enqueue_indirect_dma source(%arg8 : memref<128x32xf32, #tpu.memory_space<vmem>>) target(%dma_start3A_64 : memref<10240x32xf32, #tpu.memory_space<vmem_shared>>) offsets(%dma_start3A_61 : memref<128xi32, #tpu.memory_space<vmem>>) semaphore(%run_scoped3A_59 : memref<!tpu.dma_semaphore, #tpu.memory_space<semaphore_mem>>) {add = true}
      %dma_wait3A = arith.constant 0 : i32
      %dma_wait3A_65 = tpu.memref_slice %arg7[%run_scoped3A_43, %dma_wait3A] : memref<10x128xi32, #tpu.memory_space<vmem>> -> memref<1x128xi32, #tpu.memory_space<vmem>>
      %dma_wait3A_66 = tpu.memref_squeeze %dma_wait3A_65 : memref<1x128xi32, #tpu.memory_space<vmem>> -> memref<128xi32, #tpu.memory_space<vmem>>
      %dma_wait3A_67 = arith.constant 0 : i32
      %dma_wait3A_68 = arith.constant 0 : i32
      %dma_wait3A_69 = tpu.memref_slice %arg9[%dma_wait3A_67, %dma_wait3A_68] : memref<10240x32xf32, #tpu.memory_space<vmem_shared>> -> memref<10240x32xf32, #tpu.memory_space<vmem_shared>>
      tpu.wait_indirect_dma semaphore(%run_scoped3A_59 : memref<!tpu.dma_semaphore, #tpu.memory_space<semaphore_mem>>) src(%arg8 : memref<128x32xf32, #tpu.memory_space<vmem>>) dst(%dma_wait3A_69 : memref<10240x32xf32, #tpu.memory_space<vmem_shared>>)
      tpu.yield
    }) : () -> ()
    %mul3A_44 = arith.constant 640 : i32
    %mul3A_45 = arith.muli %add3A, %mul3A_44 : i32
    %add3A_46 = arith.constant 384 : i32
    %add3A_47 = arith.addi %mul3A_45, %add3A_46 : i32
    "tpu.region"() ({
      %run_scoped3A_59 = tpu.sem_alloc : memref<!tpu.dma_semaphore, #tpu.memory_space<semaphore_mem>>
      %dma_start3A = arith.constant 0 : i32
      %dma_start3A_60 = tpu.memref_slice %arg3[%add3A_47, %dma_start3A] : memref<20480x32xf32, #tpu.memory_space<hbm>> -> memref<128x32xf32, #tpu.memory_space<hbm>>
      %dma_start3A_61 = arith.constant 0 : i32
      %dma_start3A_62 = tpu.memref_slice %arg3[%add3A_47, %dma_start3A_61] : memref<20480x32xf32, #tpu.memory_space<hbm>> -> memref<128x32xf32, #tpu.memory_space<hbm>>
      tpu.enqueue_dma source(%dma_start3A_62 : memref<128x32xf32, #tpu.memory_space<hbm>>) target(%arg8 : memref<128x32xf32, #tpu.memory_space<vmem>>) target_semaphore(%run_scoped3A_59 : memref<!tpu.dma_semaphore, #tpu.memory_space<semaphore_mem>>)
      %dma_wait3A = arith.constant 0 : i32
      %dma_wait3A_63 = tpu.memref_slice %arg3[%add3A_47, %dma_wait3A] : memref<20480x32xf32, #tpu.memory_space<hbm>> -> memref<128x32xf32, #tpu.memory_space<hbm>>
      %dma_wait3A_64 = arith.constant 0 : i32
      %dma_wait3A_65 = tpu.memref_slice %arg3[%add3A_47, %dma_wait3A_64] : memref<20480x32xf32, #tpu.memory_space<hbm>> -> memref<128x32xf32, #tpu.memory_space<hbm>>
      tpu.wait_dma2 semaphore(%run_scoped3A_59 : memref<!tpu.dma_semaphore, #tpu.memory_space<semaphore_mem>>) src(%dma_wait3A_65 : memref<128x32xf32, #tpu.memory_space<hbm>>) dst(%arg8 : memref<128x32xf32, #tpu.memory_space<vmem>>)
      tpu.yield
    }) : () -> ()
    %run_scoped3A_48 = arith.constant 8 : i32
    "tpu.region"() ({
      %run_scoped3A_59 = tpu.sem_alloc : memref<!tpu.dma_semaphore, #tpu.memory_space<semaphore_mem>>
      %dma_start3A = arith.constant 0 : i32
      %dma_start3A_60 = tpu.memref_slice %arg7[%run_scoped3A_48, %dma_start3A] : memref<10x128xi32, #tpu.memory_space<vmem>> -> memref<1x128xi32, #tpu.memory_space<vmem>>
      %dma_start3A_61 = tpu.memref_squeeze %dma_start3A_60 : memref<1x128xi32, #tpu.memory_space<vmem>> -> memref<128xi32, #tpu.memory_space<vmem>>
      %dma_start3A_62 = arith.constant 0 : i32
      %dma_start3A_63 = arith.constant 0 : i32
      %dma_start3A_64 = tpu.memref_slice %arg9[%dma_start3A_62, %dma_start3A_63] : memref<10240x32xf32, #tpu.memory_space<vmem_shared>> -> memref<10240x32xf32, #tpu.memory_space<vmem_shared>>
      tpu.enqueue_indirect_dma source(%arg8 : memref<128x32xf32, #tpu.memory_space<vmem>>) target(%dma_start3A_64 : memref<10240x32xf32, #tpu.memory_space<vmem_shared>>) offsets(%dma_start3A_61 : memref<128xi32, #tpu.memory_space<vmem>>) semaphore(%run_scoped3A_59 : memref<!tpu.dma_semaphore, #tpu.memory_space<semaphore_mem>>) {add = true}
      %dma_wait3A = arith.constant 0 : i32
      %dma_wait3A_65 = tpu.memref_slice %arg7[%run_scoped3A_48, %dma_wait3A] : memref<10x128xi32, #tpu.memory_space<vmem>> -> memref<1x128xi32, #tpu.memory_space<vmem>>
      %dma_wait3A_66 = tpu.memref_squeeze %dma_wait3A_65 : memref<1x128xi32, #tpu.memory_space<vmem>> -> memref<128xi32, #tpu.memory_space<vmem>>
      %dma_wait3A_67 = arith.constant 0 : i32
      %dma_wait3A_68 = arith.constant 0 : i32
      %dma_wait3A_69 = tpu.memref_slice %arg9[%dma_wait3A_67, %dma_wait3A_68] : memref<10240x32xf32, #tpu.memory_space<vmem_shared>> -> memref<10240x32xf32, #tpu.memory_space<vmem_shared>>
      tpu.wait_indirect_dma semaphore(%run_scoped3A_59 : memref<!tpu.dma_semaphore, #tpu.memory_space<semaphore_mem>>) src(%arg8 : memref<128x32xf32, #tpu.memory_space<vmem>>) dst(%dma_wait3A_69 : memref<10240x32xf32, #tpu.memory_space<vmem_shared>>)
      tpu.yield
    }) : () -> ()
    %mul3A_49 = arith.constant 640 : i32
    %mul3A_50 = arith.muli %add3A, %mul3A_49 : i32
    %add3A_51 = arith.constant 512 : i32
    %add3A_52 = arith.addi %mul3A_50, %add3A_51 : i32
    "tpu.region"() ({
      %run_scoped3A_59 = tpu.sem_alloc : memref<!tpu.dma_semaphore, #tpu.memory_space<semaphore_mem>>
      %dma_start3A = arith.constant 0 : i32
      %dma_start3A_60 = tpu.memref_slice %arg3[%add3A_52, %dma_start3A] : memref<20480x32xf32, #tpu.memory_space<hbm>> -> memref<128x32xf32, #tpu.memory_space<hbm>>
      %dma_start3A_61 = arith.constant 0 : i32
      %dma_start3A_62 = tpu.memref_slice %arg3[%add3A_52, %dma_start3A_61] : memref<20480x32xf32, #tpu.memory_space<hbm>> -> memref<128x32xf32, #tpu.memory_space<hbm>>
      tpu.enqueue_dma source(%dma_start3A_62 : memref<128x32xf32, #tpu.memory_space<hbm>>) target(%arg8 : memref<128x32xf32, #tpu.memory_space<vmem>>) target_semaphore(%run_scoped3A_59 : memref<!tpu.dma_semaphore, #tpu.memory_space<semaphore_mem>>)
      %dma_wait3A = arith.constant 0 : i32
      %dma_wait3A_63 = tpu.memref_slice %arg3[%add3A_52, %dma_wait3A] : memref<20480x32xf32, #tpu.memory_space<hbm>> -> memref<128x32xf32, #tpu.memory_space<hbm>>
      %dma_wait3A_64 = arith.constant 0 : i32
      %dma_wait3A_65 = tpu.memref_slice %arg3[%add3A_52, %dma_wait3A_64] : memref<20480x32xf32, #tpu.memory_space<hbm>> -> memref<128x32xf32, #tpu.memory_space<hbm>>
      tpu.wait_dma2 semaphore(%run_scoped3A_59 : memref<!tpu.dma_semaphore, #tpu.memory_space<semaphore_mem>>) src(%dma_wait3A_65 : memref<128x32xf32, #tpu.memory_space<hbm>>) dst(%arg8 : memref<128x32xf32, #tpu.memory_space<vmem>>)
      tpu.yield
    }) : () -> ()
    %run_scoped3A_53 = arith.constant 9 : i32
    "tpu.region"() ({
      %run_scoped3A_59 = tpu.sem_alloc : memref<!tpu.dma_semaphore, #tpu.memory_space<semaphore_mem>>
      %dma_start3A = arith.constant 0 : i32
      %dma_start3A_60 = tpu.memref_slice %arg7[%run_scoped3A_53, %dma_start3A] : memref<10x128xi32, #tpu.memory_space<vmem>> -> memref<1x128xi32, #tpu.memory_space<vmem>>
      %dma_start3A_61 = tpu.memref_squeeze %dma_start3A_60 : memref<1x128xi32, #tpu.memory_space<vmem>> -> memref<128xi32, #tpu.memory_space<vmem>>
      %dma_start3A_62 = arith.constant 0 : i32
      %dma_start3A_63 = arith.constant 0 : i32
      %dma_start3A_64 = tpu.memref_slice %arg9[%dma_start3A_62, %dma_start3A_63] : memref<10240x32xf32, #tpu.memory_space<vmem_shared>> -> memref<10240x32xf32, #tpu.memory_space<vmem_shared>>
      tpu.enqueue_indirect_dma source(%arg8 : memref<128x32xf32, #tpu.memory_space<vmem>>) target(%dma_start3A_64 : memref<10240x32xf32, #tpu.memory_space<vmem_shared>>) offsets(%dma_start3A_61 : memref<128xi32, #tpu.memory_space<vmem>>) semaphore(%run_scoped3A_59 : memref<!tpu.dma_semaphore, #tpu.memory_space<semaphore_mem>>) {add = true}
      %dma_wait3A = arith.constant 0 : i32
      %dma_wait3A_65 = tpu.memref_slice %arg7[%run_scoped3A_53, %dma_wait3A] : memref<10x128xi32, #tpu.memory_space<vmem>> -> memref<1x128xi32, #tpu.memory_space<vmem>>
      %dma_wait3A_66 = tpu.memref_squeeze %dma_wait3A_65 : memref<1x128xi32, #tpu.memory_space<vmem>> -> memref<128xi32, #tpu.memory_space<vmem>>
      %dma_wait3A_67 = arith.constant 0 : i32
      %dma_wait3A_68 = arith.constant 0 : i32
      %dma_wait3A_69 = tpu.memref_slice %arg9[%dma_wait3A_67, %dma_wait3A_68] : memref<10240x32xf32, #tpu.memory_space<vmem_shared>> -> memref<10240x32xf32, #tpu.memory_space<vmem_shared>>
      tpu.wait_indirect_dma semaphore(%run_scoped3A_59 : memref<!tpu.dma_semaphore, #tpu.memory_space<semaphore_mem>>) src(%arg8 : memref<128x32xf32, #tpu.memory_space<vmem>>) dst(%dma_wait3A_69 : memref<10240x32xf32, #tpu.memory_space<vmem_shared>>)
      tpu.yield
    }) : () -> ()
    %barrier3A_54 = arith.constant 0 : index
    tpu.barrier barrier_id(%barrier3A_54)
    %mul3A_55 = arith.constant 625 : i32
    %mul3A_56 = arith.muli %arg1, %mul3A_55 : i32
    %mul3A_57 = arith.constant 625 : i32
    %mul3A_58 = arith.muli %arg1, %mul3A_57 : i32
    "tpu.region"() ({
      %run_scoped3A_59 = tpu.sem_alloc : memref<!tpu.dma_semaphore, #tpu.memory_space<semaphore_mem>>
      %dma_start3A = arith.constant 0 : i32
      %dma_start3A_60 = tpu.memref_slice %arg6[%arg0, %mul3A_58, %dma_start3A] : memref<2x10000x32xf32, #tpu.memory_space<hbm>> -> memref<1x625x32xf32, #tpu.memory_space<hbm>>
      %dma_start3A_61 = tpu.memref_squeeze %dma_start3A_60 : memref<1x625x32xf32, #tpu.memory_space<hbm>> -> memref<625x32xf32, #tpu.memory_space<hbm>>
      %dma_start3A_62 = arith.constant 0 : i32
      %dma_start3A_63 = tpu.memref_slice %arg9[%mul3A_56, %dma_start3A_62] : memref<10240x32xf32, #tpu.memory_space<vmem_shared>> -> memref<625x32xf32, #tpu.memory_space<vmem_shared>>
      tpu.enqueue_dma source(%dma_start3A_63 : memref<625x32xf32, #tpu.memory_space<vmem_shared>>) target(%dma_start3A_61 : memref<625x32xf32, #tpu.memory_space<hbm>>) target_semaphore(%run_scoped3A_59 : memref<!tpu.dma_semaphore, #tpu.memory_space<semaphore_mem>>)
      %dma_wait3A = arith.constant 0 : i32
      %dma_wait3A_64 = tpu.memref_slice %arg6[%arg0, %mul3A_58, %dma_wait3A] : memref<2x10000x32xf32, #tpu.memory_space<hbm>> -> memref<1x625x32xf32, #tpu.memory_space<hbm>>
      %dma_wait3A_65 = tpu.memref_squeeze %dma_wait3A_64 : memref<1x625x32xf32, #tpu.memory_space<hbm>> -> memref<625x32xf32, #tpu.memory_space<hbm>>
      %dma_wait3A_66 = arith.constant 0 : i32
      %dma_wait3A_67 = tpu.memref_slice %arg9[%mul3A_56, %dma_wait3A_66] : memref<10240x32xf32, #tpu.memory_space<vmem_shared>> -> memref<625x32xf32, #tpu.memory_space<vmem_shared>>
      tpu.wait_dma2 semaphore(%run_scoped3A_59 : memref<!tpu.dma_semaphore, #tpu.memory_space<semaphore_mem>>) src(%dma_wait3A_67 : memref<625x32xf32, #tpu.memory_space<vmem_shared>>) dst(%dma_wait3A_65 : memref<625x32xf32, #tpu.memory_space<hbm>>)
      tpu.yield
    }) : () -> ()
    return
  }
}

module attributes {stable_mosaic.version = 14 : i64} {
  func.func @_edge_body(%arg0: i32, %arg1: memref<320x16xf32, #tpu.memory_space<vmem>>, %arg2: memref<320x128xf32, #tpu.memory_space<vmem>>, %arg3: memref<16x128xf32, #tpu.memory_space<vmem>>, %arg4: memref<1x128xf32, #tpu.memory_space<vmem>>, %arg5: memref<128x4096xbf16, #tpu.memory_space<vmem>>, %arg6: memref<128x4096xbf16, #tpu.memory_space<vmem>>, %arg7: memref<128x32xf32, #tpu.memory_space<vmem>>, %arg8: memref<320x32xf32, #tpu.memory_space<vmem>>) attributes {dimension_semantics = [#tpu.dimension_semantics<arbitrary>], iteration_bounds = array<i64: 64>, scalar_prefetch = 0 : i64, scratch_operands = 0 : i64, tpu.core_type = #tpu.core_type<tc>, window_params = [{transform_indices = @transform_0, window_bounds = array<i64: 320, 16>}, {transform_indices = @transform_1, window_bounds = array<i64: 320, 128>}, {pipeline_mode = #tpu.pipeline_mode<synchronous>, transform_indices = @transform_2, window_bounds = array<i64: 16, 128>}, {pipeline_mode = #tpu.pipeline_mode<synchronous>, transform_indices = @transform_3, window_bounds = array<i64: 1, 128>}, {pipeline_mode = #tpu.pipeline_mode<synchronous>, transform_indices = @transform_4, window_bounds = array<i64: 128, 4096>}, {pipeline_mode = #tpu.pipeline_mode<synchronous>, transform_indices = @transform_5, window_bounds = array<i64: 128, 4096>}, {pipeline_mode = #tpu.pipeline_mode<synchronous>, transform_indices = @transform_6, window_bounds = array<i64: 128, 32>}, {transform_indices = @transform_7, window_bounds = array<i64: 320, 32>}]} {
    %get3A = arith.constant 0 : index
    %get3A_0 = arith.constant 0 : index
    %get3A_1 = vector.load %arg1[%get3A, %get3A_0] : memref<320x16xf32, #tpu.memory_space<vmem>>, vector<320x16xf32>
    %get3A_2 = arith.constant 0 : index
    %get3A_3 = arith.constant 0 : index
    %get3A_4 = vector.load %arg2[%get3A_2, %get3A_3] : memref<320x128xf32, #tpu.memory_space<vmem>>, vector<320x128xf32>
    %get3A_5 = arith.constant 0 : index
    %get3A_6 = arith.constant 0 : index
    %get3A_7 = vector.load %arg3[%get3A_5, %get3A_6] : memref<16x128xf32, #tpu.memory_space<vmem>>, vector<16x128xf32>
    %dot_general3A = arith.constant dense<0.000000e+00> : vector<320x128xf32>
    %dot_general3A_8 = tpu.matmul %get3A_1, %get3A_7, %dot_general3A {dimension_numbers = #tpu.dot_dimension_numbers<[1], [0], [0], [1], [0, 0, 1, 1], [], []>, transpose_lhs_hint = false} : vector<320x16xf32>, vector<16x128xf32>, vector<320x128xf32> -> vector<320x128xf32>
    %get3A_9 = arith.constant 0 : index
    %get3A_10 = arith.constant 0 : index
    %get3A_11 = vector.load %arg4[%get3A_9, %get3A_10] : memref<1x128xf32, #tpu.memory_space<vmem>>, vector<1x128xf32>
    %add3A = vector.broadcast %get3A_11 : vector<1x128xf32> to vector<320x128xf32>
    %add3A_12 = arith.addf %dot_general3A_8, %add3A : vector<320x128xf32>
    %logistic3A = arith.negf %add3A_12 : vector<320x128xf32>
    %logistic3A_13 = math.exp %logistic3A : vector<320x128xf32>
    %logistic3A_14 = arith.constant 1.000000e+00 : f32
    %logistic3A_15 = vector.broadcast %logistic3A_14 : f32 to vector<320x128xf32>
    %logistic3A_16 = arith.addf %logistic3A_15, %logistic3A_13 : vector<320x128xf32>
    %logistic3A_17 = arith.divf %logistic3A_15, %logistic3A_16 : vector<320x128xf32>
    %mul3A = arith.mulf %add3A_12, %logistic3A_17 : vector<320x128xf32>
    %convert_element_type3A = arith.truncf %get3A_4 : vector<320x128xf32> to vector<320x128xbf16>
    %get3A_18 = arith.constant 0 : index
    %get3A_19 = arith.constant 0 : index
    %get3A_20 = vector.load %arg5[%get3A_18, %get3A_19] : memref<128x4096xbf16, #tpu.memory_space<vmem>>, vector<128x4096xbf16>
    %dot_general3A_21 = arith.constant dense<0.000000e+00> : vector<320x4096xf32>
    %dot_general3A_22 = tpu.matmul %convert_element_type3A, %get3A_20, %dot_general3A_21 {dimension_numbers = #tpu.dot_dimension_numbers<[1], [0], [0], [1], [0, 0, 1, 1], [], []>, transpose_lhs_hint = false} : vector<320x128xbf16>, vector<128x4096xbf16>, vector<320x4096xf32> -> vector<320x4096xf32>
    %convert_element_type3A_23 = arith.truncf %mul3A : vector<320x128xf32> to vector<320x128xbf16>
    %get3A_24 = arith.constant 0 : index
    %get3A_25 = arith.constant 0 : index
    %get3A_26 = vector.load %arg6[%get3A_24, %get3A_25] : memref<128x4096xbf16, #tpu.memory_space<vmem>>, vector<128x4096xbf16>
    %dot_general3A_27 = arith.constant dense<0.000000e+00> : vector<320x4096xf32>
    %dot_general3A_28 = tpu.matmul %convert_element_type3A_23, %get3A_26, %dot_general3A_27 {dimension_numbers = #tpu.dot_dimension_numbers<[1], [0], [0], [1], [0, 0, 1, 1], [], []>, transpose_lhs_hint = false} : vector<320x128xbf16>, vector<128x4096xbf16>, vector<320x4096xf32> -> vector<320x4096xf32>
    %mul3A_29 = arith.mulf %dot_general3A_22, %dot_general3A_28 : vector<320x4096xf32>
    %slice3A = vector.extract_strided_slice %mul3A_29 {offsets = [0, 0], sizes = [320, 2048], strides = [1, 1]} : vector<320x4096xf32> to vector<320x2048xf32>
    %slice3A_30 = vector.extract_strided_slice %mul3A_29 {offsets = [0, 2048], sizes = [320, 2048], strides = [1, 1]} : vector<320x4096xf32> to vector<320x2048xf32>
    %add3A_31 = arith.addf %slice3A, %slice3A_30 : vector<320x2048xf32>
    %slice3A_32 = vector.extract_strided_slice %add3A_31 {offsets = [0, 0], sizes = [320, 1024], strides = [1, 1]} : vector<320x2048xf32> to vector<320x1024xf32>
    %slice3A_33 = vector.extract_strided_slice %add3A_31 {offsets = [0, 1024], sizes = [320, 1024], strides = [1, 1]} : vector<320x2048xf32> to vector<320x1024xf32>
    %add3A_34 = arith.addf %slice3A_32, %slice3A_33 : vector<320x1024xf32>
    %slice3A_35 = vector.extract_strided_slice %add3A_34 {offsets = [0, 0], sizes = [320, 512], strides = [1, 1]} : vector<320x1024xf32> to vector<320x512xf32>
    %slice3A_36 = vector.extract_strided_slice %add3A_34 {offsets = [0, 512], sizes = [320, 512], strides = [1, 1]} : vector<320x1024xf32> to vector<320x512xf32>
    %add3A_37 = arith.addf %slice3A_35, %slice3A_36 : vector<320x512xf32>
    %slice3A_38 = vector.extract_strided_slice %add3A_37 {offsets = [0, 0], sizes = [320, 256], strides = [1, 1]} : vector<320x512xf32> to vector<320x256xf32>
    %slice3A_39 = vector.extract_strided_slice %add3A_37 {offsets = [0, 256], sizes = [320, 256], strides = [1, 1]} : vector<320x512xf32> to vector<320x256xf32>
    %add3A_40 = arith.addf %slice3A_38, %slice3A_39 : vector<320x256xf32>
    %slice3A_41 = vector.extract_strided_slice %add3A_40 {offsets = [0, 0], sizes = [320, 128], strides = [1, 1]} : vector<320x256xf32> to vector<320x128xf32>
    %slice3A_42 = vector.extract_strided_slice %add3A_40 {offsets = [0, 128], sizes = [320, 128], strides = [1, 1]} : vector<320x256xf32> to vector<320x128xf32>
    %add3A_43 = arith.addf %slice3A_41, %slice3A_42 : vector<320x128xf32>
    %slice3A_44 = vector.extract_strided_slice %add3A_43 {offsets = [0, 0], sizes = [320, 64], strides = [1, 1]} : vector<320x128xf32> to vector<320x64xf32>
    %slice3A_45 = vector.extract_strided_slice %add3A_43 {offsets = [0, 64], sizes = [320, 64], strides = [1, 1]} : vector<320x128xf32> to vector<320x64xf32>
    %add3A_46 = arith.addf %slice3A_44, %slice3A_45 : vector<320x64xf32>
    %slice3A_47 = vector.extract_strided_slice %add3A_46 {offsets = [0, 0], sizes = [320, 32], strides = [1, 1]} : vector<320x64xf32> to vector<320x32xf32>
    %slice3A_48 = vector.extract_strided_slice %add3A_46 {offsets = [0, 32], sizes = [320, 32], strides = [1, 1]} : vector<320x64xf32> to vector<320x32xf32>
    %add3A_49 = arith.addf %slice3A_47, %slice3A_48 : vector<320x32xf32>
    %get3A_50 = arith.constant 0 : index
    %get3A_51 = arith.constant 0 : index
    %get3A_52 = vector.load %arg7[%get3A_50, %get3A_51] : memref<128x32xf32, #tpu.memory_space<vmem>>, vector<128x32xf32>
    %dot_general3A_53 = arith.constant dense<0.000000e+00> : vector<320x32xf32>
    %dot_general3A_54 = tpu.matmul %get3A_4, %get3A_52, %dot_general3A_53 {dimension_numbers = #tpu.dot_dimension_numbers<[1], [0], [0], [1], [0, 0, 1, 1], [], []>, transpose_lhs_hint = false} : vector<320x128xf32>, vector<128x32xf32>, vector<320x32xf32> -> vector<320x32xf32>
    %add3A_55 = arith.addf %add3A_49, %dot_general3A_54 : vector<320x32xf32>
    %mul3A_56 = arith.constant 320 : i32
    %mul3A_57 = arith.muli %arg0, %mul3A_56 : i32
    %add3A_58 = arith.constant 19520 : i32
    %add3A_59 = arith.addi %add3A_58, %mul3A_57 : i32
    %iota3A = tpu.iota {dimensions = array<i32: 0>} : vector<320x32xi32>
    %add3A_60 = vector.broadcast %add3A_59 : i32 to vector<320x32xi32>
    %add3A_61 = arith.addi %add3A_60, %iota3A : vector<320x32xi32>
    %ge3A = arith.constant 20480 : i32
    %ge3A_62 = vector.broadcast %ge3A : i32 to vector<320x32xi32>
    %ge3A_63 = arith.cmpi sge, %add3A_61, %ge3A_62 : vector<320x32xi32>
    %jit3A = arith.constant 0.000000e+00 : f32
    %broadcast_in_dim3A = vector.broadcast %jit3A : f32 to vector<320x32xf32>
    %select_n3A = arith.select %ge3A_63, %add3A_55, %broadcast_in_dim3A : vector<320x32xi1>, vector<320x32xf32>
    %swap3A = arith.constant 0 : index
    %swap3A_64 = arith.constant 0 : index
    %swap3A_65 = vector.load %arg8[%swap3A, %swap3A_64] : memref<320x32xf32, #tpu.memory_space<vmem>>, vector<320x32xf32>
    tpu.vector_store %arg8[%swap3A, %swap3A_64], %select_n3A {strides = array<i32>} : memref<320x32xf32, #tpu.memory_space<vmem>>, vector<320x32xf32>,
    return
  }
  func.func @transform_0(%arg0: i32) -> (i32, i32) {
    %add3A = arith.constant 61 : i32
    %add3A_0 = arith.addi %arg0, %add3A : i32
    %c0_i32 = arith.constant 0 : i32
    %c0_i32_1 = arith.constant 0 : i32
    return %add3A_0, %c0_i32 : i32, i32
  }
  func.func @transform_1(%arg0: i32) -> (i32, i32) {
    %c0_i32 = arith.constant 0 : i32
    %c0_i32_0 = arith.constant 0 : i32
    return %arg0, %c0_i32 : i32, i32
  }
  func.func @transform_2(%arg0: i32) -> (i32, i32) {
    %c0_i32 = arith.constant 0 : i32
    %c0_i32_0 = arith.constant 0 : i32
    %c0_i32_1 = arith.constant 0 : i32
    return %c0_i32, %c0_i32_0 : i32, i32
  }
  func.func @transform_3(%arg0: i32) -> (i32, i32) {
    %c0_i32 = arith.constant 0 : i32
    %c0_i32_0 = arith.constant 0 : i32
    %c0_i32_1 = arith.constant 0 : i32
    return %c0_i32, %c0_i32_0 : i32, i32
  }
  func.func @transform_4(%arg0: i32) -> (i32, i32) {
    %c0_i32 = arith.constant 0 : i32
    %c0_i32_0 = arith.constant 0 : i32
    %c0_i32_1 = arith.constant 0 : i32
    return %c0_i32, %c0_i32_0 : i32, i32
  }
  func.func @transform_5(%arg0: i32) -> (i32, i32) {
    %c0_i32 = arith.constant 0 : i32
    %c0_i32_0 = arith.constant 0 : i32
    %c0_i32_1 = arith.constant 0 : i32
    return %c0_i32, %c0_i32_0 : i32, i32
  }
  func.func @transform_6(%arg0: i32) -> (i32, i32) {
    %c0_i32 = arith.constant 0 : i32
    %c0_i32_0 = arith.constant 0 : i32
    %c0_i32_1 = arith.constant 0 : i32
    return %c0_i32, %c0_i32_0 : i32, i32
  }
  func.func @transform_7(%arg0: i32) -> (i32, i32) {
    %c0_i32 = arith.constant 0 : i32
    %c0_i32_0 = arith.constant 0 : i32
    return %arg0, %c0_i32 : i32, i32
  }
}

module attributes {stable_mosaic.version = 14 : i64} {
  func.func @_edge_body(%arg0: i32, %arg1: memref<320x16xf32, #tpu.memory_space<vmem>>, %arg2: memref<320x128xf32, #tpu.memory_space<vmem>>, %arg3: memref<16x128xf32, #tpu.memory_space<vmem>>, %arg4: memref<1x128xf32, #tpu.memory_space<vmem>>, %arg5: memref<128x4096xbf16, #tpu.memory_space<vmem>>, %arg6: memref<128x4096xbf16, #tpu.memory_space<vmem>>, %arg7: memref<128x32xf32, #tpu.memory_space<vmem>>, %arg8: memref<320x32xf32, #tpu.memory_space<vmem>>) attributes {dimension_semantics = [#tpu.dimension_semantics<arbitrary>], iteration_bounds = array<i64: 64>, scalar_prefetch = 0 : i64, scratch_operands = 0 : i64, tpu.core_type = #tpu.core_type<tc>, window_params = [{transform_indices = @transform_0, window_bounds = array<i64: 320, 16>}, {transform_indices = @transform_1, window_bounds = array<i64: 320, 128>}, {pipeline_mode = #tpu.pipeline_mode<synchronous>, transform_indices = @transform_2, window_bounds = array<i64: 16, 128>}, {pipeline_mode = #tpu.pipeline_mode<synchronous>, transform_indices = @transform_3, window_bounds = array<i64: 1, 128>}, {pipeline_mode = #tpu.pipeline_mode<synchronous>, transform_indices = @transform_4, window_bounds = array<i64: 128, 4096>}, {pipeline_mode = #tpu.pipeline_mode<synchronous>, transform_indices = @transform_5, window_bounds = array<i64: 128, 4096>}, {pipeline_mode = #tpu.pipeline_mode<synchronous>, transform_indices = @transform_6, window_bounds = array<i64: 128, 32>}, {transform_indices = @transform_7, window_bounds = array<i64: 320, 32>}]} {
    %get3A = arith.constant 0 : index
    %get3A_0 = arith.constant 0 : index
    %get3A_1 = vector.load %arg1[%get3A, %get3A_0] : memref<320x16xf32, #tpu.memory_space<vmem>>, vector<320x16xf32>
    %get3A_2 = arith.constant 0 : index
    %get3A_3 = arith.constant 0 : index
    %get3A_4 = vector.load %arg2[%get3A_2, %get3A_3] : memref<320x128xf32, #tpu.memory_space<vmem>>, vector<320x128xf32>
    %get3A_5 = arith.constant 0 : index
    %get3A_6 = arith.constant 0 : index
    %get3A_7 = vector.load %arg3[%get3A_5, %get3A_6] : memref<16x128xf32, #tpu.memory_space<vmem>>, vector<16x128xf32>
    %dot_general3A = arith.constant dense<0.000000e+00> : vector<320x128xf32>
    %dot_general3A_8 = tpu.matmul %get3A_1, %get3A_7, %dot_general3A {dimension_numbers = #tpu.dot_dimension_numbers<[1], [0], [0], [1], [0, 0, 1, 1], [], []>, transpose_lhs_hint = false} : vector<320x16xf32>, vector<16x128xf32>, vector<320x128xf32> -> vector<320x128xf32>
    %get3A_9 = arith.constant 0 : index
    %get3A_10 = arith.constant 0 : index
    %get3A_11 = vector.load %arg4[%get3A_9, %get3A_10] : memref<1x128xf32, #tpu.memory_space<vmem>>, vector<1x128xf32>
    %add3A = vector.broadcast %get3A_11 : vector<1x128xf32> to vector<320x128xf32>
    %add3A_12 = arith.addf %dot_general3A_8, %add3A : vector<320x128xf32>
    %logistic3A = arith.negf %add3A_12 : vector<320x128xf32>
    %logistic3A_13 = math.exp %logistic3A : vector<320x128xf32>
    %logistic3A_14 = arith.constant 1.000000e+00 : f32
    %logistic3A_15 = vector.broadcast %logistic3A_14 : f32 to vector<320x128xf32>
    %logistic3A_16 = arith.addf %logistic3A_15, %logistic3A_13 : vector<320x128xf32>
    %logistic3A_17 = arith.divf %logistic3A_15, %logistic3A_16 : vector<320x128xf32>
    %mul3A = arith.mulf %add3A_12, %logistic3A_17 : vector<320x128xf32>
    %convert_element_type3A = arith.truncf %get3A_4 : vector<320x128xf32> to vector<320x128xbf16>
    %get3A_18 = arith.constant 0 : index
    %get3A_19 = arith.constant 0 : index
    %get3A_20 = vector.load %arg5[%get3A_18, %get3A_19] : memref<128x4096xbf16, #tpu.memory_space<vmem>>, vector<128x4096xbf16>
    %dot_general3A_21 = arith.constant dense<0.000000e+00> : vector<320x4096xf32>
    %dot_general3A_22 = tpu.matmul %convert_element_type3A, %get3A_20, %dot_general3A_21 {dimension_numbers = #tpu.dot_dimension_numbers<[1], [0], [0], [1], [0, 0, 1, 1], [], []>, transpose_lhs_hint = false} : vector<320x128xbf16>, vector<128x4096xbf16>, vector<320x4096xf32> -> vector<320x4096xf32>
    %convert_element_type3A_23 = arith.truncf %mul3A : vector<320x128xf32> to vector<320x128xbf16>
    %get3A_24 = arith.constant 0 : index
    %get3A_25 = arith.constant 0 : index
    %get3A_26 = vector.load %arg6[%get3A_24, %get3A_25] : memref<128x4096xbf16, #tpu.memory_space<vmem>>, vector<128x4096xbf16>
    %dot_general3A_27 = arith.constant dense<0.000000e+00> : vector<320x4096xf32>
    %dot_general3A_28 = tpu.matmul %convert_element_type3A_23, %get3A_26, %dot_general3A_27 {dimension_numbers = #tpu.dot_dimension_numbers<[1], [0], [0], [1], [0, 0, 1, 1], [], []>, transpose_lhs_hint = false} : vector<320x128xbf16>, vector<128x4096xbf16>, vector<320x4096xf32> -> vector<320x4096xf32>
    %mul3A_29 = arith.mulf %dot_general3A_22, %dot_general3A_28 : vector<320x4096xf32>
    %slice3A = vector.extract_strided_slice %mul3A_29 {offsets = [0, 0], sizes = [320, 2048], strides = [1, 1]} : vector<320x4096xf32> to vector<320x2048xf32>
    %slice3A_30 = vector.extract_strided_slice %mul3A_29 {offsets = [0, 2048], sizes = [320, 2048], strides = [1, 1]} : vector<320x4096xf32> to vector<320x2048xf32>
    %add3A_31 = arith.addf %slice3A, %slice3A_30 : vector<320x2048xf32>
    %slice3A_32 = vector.extract_strided_slice %add3A_31 {offsets = [0, 0], sizes = [320, 1024], strides = [1, 1]} : vector<320x2048xf32> to vector<320x1024xf32>
    %slice3A_33 = vector.extract_strided_slice %add3A_31 {offsets = [0, 1024], sizes = [320, 1024], strides = [1, 1]} : vector<320x2048xf32> to vector<320x1024xf32>
    %add3A_34 = arith.addf %slice3A_32, %slice3A_33 : vector<320x1024xf32>
    %slice3A_35 = vector.extract_strided_slice %add3A_34 {offsets = [0, 0], sizes = [320, 512], strides = [1, 1]} : vector<320x1024xf32> to vector<320x512xf32>
    %slice3A_36 = vector.extract_strided_slice %add3A_34 {offsets = [0, 512], sizes = [320, 512], strides = [1, 1]} : vector<320x1024xf32> to vector<320x512xf32>
    %add3A_37 = arith.addf %slice3A_35, %slice3A_36 : vector<320x512xf32>
    %slice3A_38 = vector.extract_strided_slice %add3A_37 {offsets = [0, 0], sizes = [320, 256], strides = [1, 1]} : vector<320x512xf32> to vector<320x256xf32>
    %slice3A_39 = vector.extract_strided_slice %add3A_37 {offsets = [0, 256], sizes = [320, 256], strides = [1, 1]} : vector<320x512xf32> to vector<320x256xf32>
    %add3A_40 = arith.addf %slice3A_38, %slice3A_39 : vector<320x256xf32>
    %slice3A_41 = vector.extract_strided_slice %add3A_40 {offsets = [0, 0], sizes = [320, 128], strides = [1, 1]} : vector<320x256xf32> to vector<320x128xf32>
    %slice3A_42 = vector.extract_strided_slice %add3A_40 {offsets = [0, 128], sizes = [320, 128], strides = [1, 1]} : vector<320x256xf32> to vector<320x128xf32>
    %add3A_43 = arith.addf %slice3A_41, %slice3A_42 : vector<320x128xf32>
    %slice3A_44 = vector.extract_strided_slice %add3A_43 {offsets = [0, 0], sizes = [320, 64], strides = [1, 1]} : vector<320x128xf32> to vector<320x64xf32>
    %slice3A_45 = vector.extract_strided_slice %add3A_43 {offsets = [0, 64], sizes = [320, 64], strides = [1, 1]} : vector<320x128xf32> to vector<320x64xf32>
    %add3A_46 = arith.addf %slice3A_44, %slice3A_45 : vector<320x64xf32>
    %slice3A_47 = vector.extract_strided_slice %add3A_46 {offsets = [0, 0], sizes = [320, 32], strides = [1, 1]} : vector<320x64xf32> to vector<320x32xf32>
    %slice3A_48 = vector.extract_strided_slice %add3A_46 {offsets = [0, 32], sizes = [320, 32], strides = [1, 1]} : vector<320x64xf32> to vector<320x32xf32>
    %add3A_49 = arith.addf %slice3A_47, %slice3A_48 : vector<320x32xf32>
    %get3A_50 = arith.constant 0 : index
    %get3A_51 = arith.constant 0 : index
    %get3A_52 = vector.load %arg7[%get3A_50, %get3A_51] : memref<128x32xf32, #tpu.memory_space<vmem>>, vector<128x32xf32>
    %dot_general3A_53 = arith.constant dense<0.000000e+00> : vector<320x32xf32>
    %dot_general3A_54 = tpu.matmul %get3A_4, %get3A_52, %dot_general3A_53 {dimension_numbers = #tpu.dot_dimension_numbers<[1], [0], [0], [1], [0, 0, 1, 1], [], []>, transpose_lhs_hint = false} : vector<320x128xf32>, vector<128x32xf32>, vector<320x32xf32> -> vector<320x32xf32>
    %add3A_55 = arith.addf %add3A_49, %dot_general3A_54 : vector<320x32xf32>
    %mul3A_56 = arith.constant 320 : i32
    %mul3A_57 = arith.muli %arg0, %mul3A_56 : i32
    %add3A_58 = arith.constant 0 : i32
    %add3A_59 = arith.addi %add3A_58, %mul3A_57 : i32
    %iota3A = tpu.iota {dimensions = array<i32: 0>} : vector<320x32xi32>
    %add3A_60 = vector.broadcast %add3A_59 : i32 to vector<320x32xi32>
    %add3A_61 = arith.addi %add3A_60, %iota3A : vector<320x32xi32>
    %ge3A = arith.constant 0 : i32
    %ge3A_62 = vector.broadcast %ge3A : i32 to vector<320x32xi32>
    %ge3A_63 = arith.cmpi sge, %add3A_61, %ge3A_62 : vector<320x32xi32>
    %jit3A = arith.constant 0.000000e+00 : f32
    %broadcast_in_dim3A = vector.broadcast %jit3A : f32 to vector<320x32xf32>
    %select_n3A = arith.select %ge3A_63, %add3A_55, %broadcast_in_dim3A : vector<320x32xi1>, vector<320x32xf32>
    %swap3A = arith.constant 0 : index
    %swap3A_64 = arith.constant 0 : index
    %swap3A_65 = vector.load %arg8[%swap3A, %swap3A_64] : memref<320x32xf32, #tpu.memory_space<vmem>>, vector<320x32xf32>
    tpu.vector_store %arg8[%swap3A, %swap3A_64], %select_n3A {strides = array<i32>} : memref<320x32xf32, #tpu.memory_space<vmem>>, vector<320x32xf32>,
    return
  }
  func.func @transform_0(%arg0: i32) -> (i32, i32) {
    %add3A = arith.constant 0 : i32
    %add3A_0 = arith.addi %arg0, %add3A : i32
    %c0_i32 = arith.constant 0 : i32
    %c0_i32_1 = arith.constant 0 : i32
    return %add3A_0, %c0_i32 : i32, i32
  }
  func.func @transform_1(%arg0: i32) -> (i32, i32) {
    %c0_i32 = arith.constant 0 : i32
    %c0_i32_0 = arith.constant 0 : i32
    return %arg0, %c0_i32 : i32, i32
  }
  func.func @transform_2(%arg0: i32) -> (i32, i32) {
    %c0_i32 = arith.constant 0 : i32
    %c0_i32_0 = arith.constant 0 : i32
    %c0_i32_1 = arith.constant 0 : i32
    return %c0_i32, %c0_i32_0 : i32, i32
  }
  func.func @transform_3(%arg0: i32) -> (i32, i32) {
    %c0_i32 = arith.constant 0 : i32
    %c0_i32_0 = arith.constant 0 : i32
    %c0_i32_1 = arith.constant 0 : i32
    return %c0_i32, %c0_i32_0 : i32, i32
  }
  func.func @transform_4(%arg0: i32) -> (i32, i32) {
    %c0_i32 = arith.constant 0 : i32
    %c0_i32_0 = arith.constant 0 : i32
    %c0_i32_1 = arith.constant 0 : i32
    return %c0_i32, %c0_i32_0 : i32, i32
  }
  func.func @transform_5(%arg0: i32) -> (i32, i32) {
    %c0_i32 = arith.constant 0 : i32
    %c0_i32_0 = arith.constant 0 : i32
    %c0_i32_1 = arith.constant 0 : i32
    return %c0_i32, %c0_i32_0 : i32, i32
  }
  func.func @transform_6(%arg0: i32) -> (i32, i32) {
    %c0_i32 = arith.constant 0 : i32
    %c0_i32_0 = arith.constant 0 : i32
    %c0_i32_1 = arith.constant 0 : i32
    return %c0_i32, %c0_i32_0 : i32, i32
  }
  func.func @transform_7(%arg0: i32) -> (i32, i32) {
    %c0_i32 = arith.constant 0 : i32
    %c0_i32_0 = arith.constant 0 : i32
    return %arg0, %c0_i32 : i32, i32
  }
}

module attributes {stable_mosaic.version = 14 : i64} {
  func.func @_gru_body(%arg0: i32, %arg1: memref<1000x128xf32, #tpu.memory_space<vmem>>, %arg2: memref<2x1000x32xf32, #tpu.memory_space<vmem>>, %arg3: memref<32x384xf32, #tpu.memory_space<vmem>>, %arg4: memref<128x384xf32, #tpu.memory_space<vmem>>, %arg5: memref<1x384xf32, #tpu.memory_space<vmem>>, %arg6: memref<1x384xf32, #tpu.memory_space<vmem>>, %arg7: memref<1x128xf32, #tpu.memory_space<vmem>>, %arg8: memref<1x128xf32, #tpu.memory_space<vmem>>, %arg9: memref<1000x128xf32, #tpu.memory_space<vmem>>) attributes {dimension_semantics = [#tpu.dimension_semantics<arbitrary>], iteration_bounds = array<i64: 10>, scalar_prefetch = 0 : i64, scratch_operands = 0 : i64, tpu.core_type = #tpu.core_type<tc>, window_params = [{transform_indices = @transform_0, window_bounds = array<i64: 1000, 128>}, {transform_indices = @transform_1, window_bounds = array<i64: 2, 1000, 32>}, {pipeline_mode = #tpu.pipeline_mode<synchronous>, transform_indices = @transform_2, window_bounds = array<i64: 32, 384>}, {pipeline_mode = #tpu.pipeline_mode<synchronous>, transform_indices = @transform_3, window_bounds = array<i64: 128, 384>}, {pipeline_mode = #tpu.pipeline_mode<synchronous>, transform_indices = @transform_4, window_bounds = array<i64: 1, 384>}, {pipeline_mode = #tpu.pipeline_mode<synchronous>, transform_indices = @transform_5, window_bounds = array<i64: 1, 384>}, {pipeline_mode = #tpu.pipeline_mode<synchronous>, transform_indices = @transform_6, window_bounds = array<i64: 1, 128>}, {pipeline_mode = #tpu.pipeline_mode<synchronous>, transform_indices = @transform_7, window_bounds = array<i64: 1, 128>}, {transform_indices = @transform_8, window_bounds = array<i64: 1000, 128>}]} {
    %get3A = arith.constant 0 : index
    %get3A_0 = arith.constant 0 : index
    %get3A_1 = vector.load %arg1[%get3A, %get3A_0] : memref<1000x128xf32, #tpu.memory_space<vmem>>, vector<1000x128xf32>
    %get3A_2 = arith.constant 0 : index
    %get3A_3 = arith.constant 0 : index
    %get3A_4 = arith.constant 0 : index
    %get3A_5 = vector.load %arg2[%get3A_2, %get3A_3, %get3A_4] : memref<2x1000x32xf32, #tpu.memory_space<vmem>>, vector<1x1000x32xf32>
    %get3A_6 = vector.shape_cast %get3A_5 : vector<1x1000x32xf32> to vector<1000x32xf32>
    %get3A_7 = arith.constant 1 : index
    %get3A_8 = arith.constant 0 : index
    %get3A_9 = arith.constant 0 : index
    %get3A_10 = vector.load %arg2[%get3A_7, %get3A_8, %get3A_9] : memref<2x1000x32xf32, #tpu.memory_space<vmem>>, vector<1x1000x32xf32>
    %get3A_11 = vector.shape_cast %get3A_10 : vector<1x1000x32xf32> to vector<1000x32xf32>
    %add3A = arith.addf %get3A_6, %get3A_11 : vector<1000x32xf32>
    %get3A_12 = arith.constant 0 : index
    %get3A_13 = arith.constant 0 : index
    %get3A_14 = vector.load %arg3[%get3A_12, %get3A_13] : memref<32x384xf32, #tpu.memory_space<vmem>>, vector<32x384xf32>
    %dot_general3A = arith.constant dense<0.000000e+00> : vector<1000x384xf32>
    %dot_general3A_15 = tpu.matmul %add3A, %get3A_14, %dot_general3A {dimension_numbers = #tpu.dot_dimension_numbers<[1], [0], [0], [1], [0, 0, 1, 1], [], []>, transpose_lhs_hint = false} : vector<1000x32xf32>, vector<32x384xf32>, vector<1000x384xf32> -> vector<1000x384xf32>
    %get3A_16 = arith.constant 0 : index
    %get3A_17 = arith.constant 0 : index
    %get3A_18 = vector.load %arg5[%get3A_16, %get3A_17] : memref<1x384xf32, #tpu.memory_space<vmem>>, vector<1x384xf32>
    %add3A_19 = vector.broadcast %get3A_18 : vector<1x384xf32> to vector<1000x384xf32>
    %add3A_20 = arith.addf %dot_general3A_15, %add3A_19 : vector<1000x384xf32>
    %get3A_21 = arith.constant 0 : index
    %get3A_22 = arith.constant 0 : index
    %get3A_23 = vector.load %arg4[%get3A_21, %get3A_22] : memref<128x384xf32, #tpu.memory_space<vmem>>, vector<128x384xf32>
    %dot_general3A_24 = arith.constant dense<0.000000e+00> : vector<1000x384xf32>
    %dot_general3A_25 = tpu.matmul %get3A_1, %get3A_23, %dot_general3A_24 {dimension_numbers = #tpu.dot_dimension_numbers<[1], [0], [0], [1], [0, 0, 1, 1], [], []>, transpose_lhs_hint = false} : vector<1000x128xf32>, vector<128x384xf32>, vector<1000x384xf32> -> vector<1000x384xf32>
    %get3A_26 = arith.constant 0 : index
    %get3A_27 = arith.constant 0 : index
    %get3A_28 = vector.load %arg6[%get3A_26, %get3A_27] : memref<1x384xf32, #tpu.memory_space<vmem>>, vector<1x384xf32>
    %add3A_29 = vector.broadcast %get3A_28 : vector<1x384xf32> to vector<1000x384xf32>
    %add3A_30 = arith.addf %dot_general3A_25, %add3A_29 : vector<1000x384xf32>
    %slice3A = vector.extract_strided_slice %add3A_20 {offsets = [0, 0], sizes = [1000, 128], strides = [1, 1]} : vector<1000x384xf32> to vector<1000x128xf32>
    %slice3A_31 = vector.extract_strided_slice %add3A_30 {offsets = [0, 0], sizes = [1000, 128], strides = [1, 1]} : vector<1000x384xf32> to vector<1000x128xf32>
    %add3A_32 = arith.addf %slice3A, %slice3A_31 : vector<1000x128xf32>
    %logistic3A = arith.negf %add3A_32 : vector<1000x128xf32>
    %logistic3A_33 = math.exp %logistic3A : vector<1000x128xf32>
    %logistic3A_34 = arith.constant 1.000000e+00 : f32
    %logistic3A_35 = vector.broadcast %logistic3A_34 : f32 to vector<1000x128xf32>
    %logistic3A_36 = arith.addf %logistic3A_35, %logistic3A_33 : vector<1000x128xf32>
    %logistic3A_37 = arith.divf %logistic3A_35, %logistic3A_36 : vector<1000x128xf32>
    %slice3A_38 = vector.extract_strided_slice %add3A_20 {offsets = [0, 128], sizes = [1000, 128], strides = [1, 1]} : vector<1000x384xf32> to vector<1000x128xf32>
    %slice3A_39 = vector.extract_strided_slice %add3A_30 {offsets = [0, 128], sizes = [1000, 128], strides = [1, 1]} : vector<1000x384xf32> to vector<1000x128xf32>
    %add3A_40 = arith.addf %slice3A_38, %slice3A_39 : vector<1000x128xf32>
    %logistic3A_41 = arith.negf %add3A_40 : vector<1000x128xf32>
    %logistic3A_42 = math.exp %logistic3A_41 : vector<1000x128xf32>
    %logistic3A_43 = arith.constant 1.000000e+00 : f32
    %logistic3A_44 = vector.broadcast %logistic3A_43 : f32 to vector<1000x128xf32>
    %logistic3A_45 = arith.addf %logistic3A_44, %logistic3A_42 : vector<1000x128xf32>
    %logistic3A_46 = arith.divf %logistic3A_44, %logistic3A_45 : vector<1000x128xf32>
    %slice3A_47 = vector.extract_strided_slice %add3A_20 {offsets = [0, 256], sizes = [1000, 128], strides = [1, 1]} : vector<1000x384xf32> to vector<1000x128xf32>
    %slice3A_48 = vector.extract_strided_slice %add3A_30 {offsets = [0, 256], sizes = [1000, 128], strides = [1, 1]} : vector<1000x384xf32> to vector<1000x128xf32>
    %mul3A = arith.mulf %logistic3A_37, %slice3A_48 : vector<1000x128xf32>
    %add3A_49 = arith.addf %slice3A_47, %mul3A : vector<1000x128xf32>
    %tanh3A = math.tanh %add3A_49 : vector<1000x128xf32>
    %sub3A = arith.constant 1.000000e+00 : f32
    %sub3A_50 = vector.broadcast %sub3A : f32 to vector<1000x128xf32>
    %sub3A_51 = arith.subf %sub3A_50, %logistic3A_46 : vector<1000x128xf32>
    %mul3A_52 = arith.mulf %sub3A_51, %tanh3A : vector<1000x128xf32>
    %mul3A_53 = arith.mulf %logistic3A_46, %get3A_1 : vector<1000x128xf32>
    %add3A_54 = arith.addf %mul3A_52, %mul3A_53 : vector<1000x128xf32>
    %reduce_sum3A = arith.constant dense<0.000000e+00> : vector<1000xf32>
    %reduce_sum3A_55 = vector.multi_reduction <add>, %add3A_54, %reduce_sum3A [1] : vector<1000x128xf32> to vector<1000xf32>
    %broadcast_in_dim3A = vector.shape_cast %reduce_sum3A_55 : vector<1000xf32> to vector<1000x1xf32>
    %div3A = arith.constant 1.280000e+02 : f32
    %div3A_56 = vector.broadcast %div3A : f32 to vector<1000x1xf32>
    %div3A_57 = arith.divf %broadcast_in_dim3A, %div3A_56 : vector<1000x1xf32>
    %sub3A_58 = vector.broadcast %div3A_57 : vector<1000x1xf32> to vector<1000x128xf32>
    %sub3A_59 = arith.subf %add3A_54, %sub3A_58 : vector<1000x128xf32>
    %mul3A_60 = arith.mulf %sub3A_59, %sub3A_59 : vector<1000x128xf32>
    %reduce_sum3A_61 = arith.constant dense<0.000000e+00> : vector<1000xf32>
    %reduce_sum3A_62 = vector.multi_reduction <add>, %mul3A_60, %reduce_sum3A_61 [1] : vector<1000x128xf32> to vector<1000xf32>
    %broadcast_in_dim3A_63 = vector.shape_cast %reduce_sum3A_62 : vector<1000xf32> to vector<1000x1xf32>
    %div3A_64 = arith.constant 1.280000e+02 : f32
    %div3A_65 = vector.broadcast %div3A_64 : f32 to vector<1000x1xf32>
    %div3A_66 = arith.divf %broadcast_in_dim3A_63, %div3A_65 : vector<1000x1xf32>
    %add3A_67 = arith.constant 9.99999974E-6 : f32
    %add3A_68 = vector.broadcast %add3A_67 : f32 to vector<1000x1xf32>
    %add3A_69 = arith.addf %div3A_66, %add3A_68 : vector<1000x1xf32>
    %rsqrt3A = math.rsqrt %add3A_69 : vector<1000x1xf32>
    %mul3A_70 = vector.broadcast %rsqrt3A : vector<1000x1xf32> to vector<1000x128xf32>
    %mul3A_71 = arith.mulf %sub3A_59, %mul3A_70 : vector<1000x128xf32>
    %get3A_72 = arith.constant 0 : index
    %get3A_73 = arith.constant 0 : index
    %get3A_74 = vector.load %arg7[%get3A_72, %get3A_73] : memref<1x128xf32, #tpu.memory_space<vmem>>, vector<1x128xf32>
    %mul3A_75 = vector.broadcast %get3A_74 : vector<1x128xf32> to vector<1000x128xf32>
    %mul3A_76 = arith.mulf %mul3A_71, %mul3A_75 : vector<1000x128xf32>
    %get3A_77 = arith.constant 0 : index
    %get3A_78 = arith.constant 0 : index
    %get3A_79 = vector.load %arg8[%get3A_77, %get3A_78] : memref<1x128xf32, #tpu.memory_space<vmem>>, vector<1x128xf32>
    %add3A_80 = vector.broadcast %get3A_79 : vector<1x128xf32> to vector<1000x128xf32>
    %add3A_81 = arith.addf %mul3A_76, %add3A_80 : vector<1000x128xf32>
    %swap3A = arith.constant 0 : index
    %swap3A_82 = arith.constant 0 : index
    %swap3A_83 = vector.load %arg9[%swap3A, %swap3A_82] : memref<1000x128xf32, #tpu.memory_space<vmem>>, vector<1000x128xf32>
    tpu.vector_store %arg9[%swap3A, %swap3A_82], %add3A_81 {strides = array<i32>} : memref<1000x128xf32, #tpu.memory_space<vmem>>, vector<1000x128xf32>,
    return
  }
  func.func @transform_0(%arg0: i32) -> (i32, i32) {
    %c0_i32 = arith.constant 0 : i32
    %c0_i32_0 = arith.constant 0 : i32
    return %arg0, %c0_i32 : i32, i32
  }
  func.func @transform_1(%arg0: i32) -> (i32, i32, i32) {
    %c0_i32 = arith.constant 0 : i32
    %c0_i32_0 = arith.constant 0 : i32
    %c0_i32_1 = arith.constant 0 : i32
    return %c0_i32, %arg0, %c0_i32_0 : i32, i32, i32
  }
  func.func @transform_2(%arg0: i32) -> (i32, i32) {
    %c0_i32 = arith.constant 0 : i32
    %c0_i32_0 = arith.constant 0 : i32
    %c0_i32_1 = arith.constant 0 : i32
    return %c0_i32, %c0_i32_0 : i32, i32
  }
  func.func @transform_3(%arg0: i32) -> (i32, i32) {
    %c0_i32 = arith.constant 0 : i32
    %c0_i32_0 = arith.constant 0 : i32
    %c0_i32_1 = arith.constant 0 : i32
    return %c0_i32, %c0_i32_0 : i32, i32
  }
  func.func @transform_4(%arg0: i32) -> (i32, i32) {
    %c0_i32 = arith.constant 0 : i32
    %c0_i32_0 = arith.constant 0 : i32
    %c0_i32_1 = arith.constant 0 : i32
    return %c0_i32, %c0_i32_0 : i32, i32
  }
  func.func @transform_5(%arg0: i32) -> (i32, i32) {
    %c0_i32 = arith.constant 0 : i32
    %c0_i32_0 = arith.constant 0 : i32
    %c0_i32_1 = arith.constant 0 : i32
    return %c0_i32, %c0_i32_0 : i32, i32
  }
  func.func @transform_6(%arg0: i32) -> (i32, i32) {
    %c0_i32 = arith.constant 0 : i32
    %c0_i32_0 = arith.constant 0 : i32
    %c0_i32_1 = arith.constant 0 : i32
    return %c0_i32, %c0_i32_0 : i32, i32
  }
  func.func @transform_7(%arg0: i32) -> (i32, i32) {
    %c0_i32 = arith.constant 0 : i32
    %c0_i32_0 = arith.constant 0 : i32
    %c0_i32_1 = arith.constant 0 : i32
    return %c0_i32, %c0_i32_0 : i32, i32
  }
  func.func @transform_8(%arg0: i32) -> (i32, i32) {
    %c0_i32 = arith.constant 0 : i32
    %c0_i32_0 = arith.constant 0 : i32
    return %arg0, %c0_i32 : i32, i32
  }
}

</mosaic_0001>

<sc_bundles>
// kernel: kernel.11.cloned.1.call-start
scs
__scs_entry_jumppad:
0x0: {  	(pc) =	sbr.rel $0x88, $3  }
0x1: {  	(tag) =	ssettag $0x0;
	lr =	simm.s32 $0x1  }
0x2: {  	[smem:$0x3F94] =	sst lr;
	_ =	strace $0xD0000000  }
0x3: {  	_ = 	snop  }
0x4: {  	_ = 	snop  }
0x5: {  	_ = 	snop  }
0x6: {  	_ = 	snop  }
0x7: {  	_ = 	snop  }
__scs_overlays_trampoline_lowered:
0x8: {  	[smem:$0x3FA3] =	sst s0  }
0x9: {  	[smem:$0x3FA4] =	sst s1  }
0xa: {  	[smem:$0x3FA5] =	sst s2  }
0xb: {  	[smem:$0x3FA6] =	sst s3  }
0xc: {  	[smem:$0x3FA7] =	sst s4  }
0xd: {  	[smem:$0x3FA8] =	sst s5  }
0xe: {  	[smem:$0x3FA9] =	sst s6  }
0xf: {  	[smem:$0x3FAA] =	sst s7  }
0x10: {  	[smem:$0x3FAB] =	sst s8  }
0x11: {  	[smem:$0x3FAC] =	sst s9;
	s0 =	simm.s32 @!p0 $0x0  }
0x12: {  	s1 =	sld [smem:$0x3F92];
	s0 =	simm.s32 @p0 $0x1  }
0x13: {  	[smem:$0x3FAD] =	sst s0;
	s0 =	simm.s32 @!p1 $0x0  }
0x14: {  	s2 =	sld [smem:$0x3F91];
	s0 =	simm.s32 @p1 $0x1  }
0x15: {  	[smem:$0x3FAE] =	sst s0;
	s0 =	simm.s32 @!p2 $0x0  }
0x16: {  	s3 =	sld [smem:$0x3FDB];
	s0 =	simm.s32 @p2 $0x1  }
0x17: {  	s4 =	simm.s32 $0x1BF5;
	[smem:$0x3FB0] =	sst s0  }
0x18: {  	s0 =	sld [smem:$0x3F93];
	_ =	swait.ge [sflag:s4], $0x0  }
0x19: {  	s7 =	sld [smem:$0x3F94]  }
0x1a: {  	s8 =	sadd.s32 $0xFFFFE003, lr  }
0x1b: {  	s9 =	sadd.s32 $0xFFFFFEF7, lr;
	s5 =	simm.s32 $0xFFFFFFFF;
	p2 =	slt.u32 s8, $0xFFFFF086  }
0x1c: {  	p1 =	slt.u32 s9, $0xF7A;
	s5 =	simm.s32 @!p2 $0x0  }
0x1d: {  	s5 =	simm.s32 @p1 $0x1;
	p0 =	seq.s32 s7, s2  }
0x1e: {  	s7 =	smul.u32 @!p0 $0xF7A, s2;
	p2 =	seq.s32 @!p0 s5, $0x0  }
0x1f: {  	s9 =	smul.u32 $0xF7A, s1;
	s8 =	simm.s32 @!p0 $0x1BF5;
	p2 =	por !p2, p0  }
0x20: {  	[sflag:s8] =	ssyncset.s32 @!p0 $0xFFFFF086;
	s6 =	sadd.s32 @!p0 s3, s7;
	s7 =	simm.s32 @!p0 $0x108  }
0x21: {  	s3 =	sadd.s32 s3, s9;
	s6 =	sadd.s32 @!p0 $0x88, s6;
	s7 =	simm.s32 @p2 $0x1082  }
0x22: {  	[simem:s7], [sflag:s8] =	dma.local @!p0 [hbm:s6], $0xF7A  }
0x23: {  	s9 =	sor.u32 $0xD0000000, s2;
	s6 =	simm.s32 $0x108;
	_ =	swait.ge @!p0 [sflag:s8], $0x0  }
0x24: {  	s3 =	sadd.s32 $0x88, s3;
	s6 =	simm.s32 @!p1 $0x1082;
	[sflag:s4] =	ssyncset.s32 $0xFFFFF086  }
0x25: {  	[simem:s6], [sflag:s4] =	dma.local [hbm:s3], $0xF7A  }
0x26: {  	[smem:$0x3F94] =	sst s1;
	(tag) =	ssettag s2;
	_ =	strace s9  }
0x27: {  	s1 =	sld [smem:$0x3FA4]  }
0x28: {  	s2 =	sld [smem:$0x3FA5]  }
0x29: {  	s4 =	sld [smem:$0x3FA7]  }
0x2a: {  	p0 =	seq.s32 s5, $0x0;
	s5 =	sld [smem:$0x3FA8]  }
0x2b: {  	s6 =	sld [smem:$0x3FA9]  }
0x2c: {  	s7 =	sld [smem:$0x3FAA]  }
0x2d: {  	s3 =	simm.s32 $0x108;
	s8 =	sld [smem:$0x3FAB]  }
0x2e: {  	s3 =	simm.s32 @!p0 $0x1082;
	s9 =	sld [smem:$0x3FAC]  }
0x2f: {  	lr =	sadd.s32 s0, s3;
	s0 =	sld [smem:$0x3FA3]  }
0x30: {  	s3 =	sld [smem:$0x3FA6]  }
0x31: {  	[smem:$0x3FAF] =	sst s10  }
0x32: {  	s10 =	sld [smem:$0x3FAD];
	_ =	sdelay $0x3  }
0x33: {  	p0 =	seq.s32 s10, $0x1;
	s10 =	sld [smem:$0x3FAF];
	_ =	sdelay $0x3  }
0x34: {  	[smem:$0x3FAF] =	sst s10  }
0x35: {  	s10 =	sld [smem:$0x3FAE];
	_ =	sdelay $0x3  }
0x36: {  	p1 =	seq.s32 s10, $0x1;
	s10 =	sld [smem:$0x3FAF];
	_ =	sdelay $0x3  }
0x37: {  	[smem:$0x3FAF] =	sst s10  }
0x38: {  	s10 =	sld [smem:$0x3FB0]  }
0x39: {  	_ = 	snop;
	(pc) =	sbr.ind lr, $3  }
0x3a: {  	_ = 	snop  }
0x3b: {  	_ = 	snop  }
0x3c: {  	p2 =	seq.s32 s10, $0x1;
	s10 =	sld [smem:$0x3FAF]  }
0x3d: {  	_ =	shalt  }
0x3e: {  	_ =	shalt  }
0x3f: {  	_ =	shalt  }
0x40: {  	_ =	shalt  }
0x41: {  	_ =	shalt  }
0x42: {  	_ =	shalt  }
0x43: {  	_ =	shalt  }
0x44: {  	_ =	shalt  }
0x45: {  	_ =	shalt  }
0x46: {  	_ =	shalt  }
0x47: {  	_ =	shalt  }
0x48: {  	_ =	shalt  }
0x49: {  	_ =	shalt  }
0x4a: {  	_ =	shalt  }
0x4b: {  	_ =	shalt  }
0x4c: {  	_ =	shalt  }
0x4d: {  	_ =	shalt  }
0x4e: {  	_ =	shalt  }
0x4f: {  	_ =	shalt  }
0x50: {  	_ =	shalt  }
0x51: {  	_ =	shalt  }
0x52: {  	_ =	shalt  }
0x53: {  	_ =	shalt  }
0x54: {  	_ =	shalt  }
0x55: {  	_ =	shalt  }
0x56: {  	_ =	shalt  }
0x57: {  	_ =	shalt  }
0x58: {  	_ =	shalt  }
0x59: {  	_ =	shalt  }
0x5a: {  	_ =	shalt  }
0x5b: {  	_ =	shalt  }
0x5c: {  	_ =	shalt  }
0x5d: {  	_ =	shalt  }
0x5e: {  	_ =	shalt  }
0x5f: {  	_ =	shalt  }
0x60: {  	_ =	shalt  }
0x61: {  	_ =	shalt  }
0x62: {  	_ =	shalt  }
0x63: {  	_ =	shalt  }
0x64: {  	_ =	shalt  }
0x65: {  	_ =	shalt  }
0x66: {  	_ =	shalt  }
0x67: {  	_ =	shalt  }
0x68: {  	_ =	shalt  }
0x69: {  	_ =	shalt  }
0x6a: {  	_ =	shalt  }
0x6b: {  	_ =	shalt  }
0x6c: {  	_ =	shalt  }
0x6d: {  	_ =	shalt  }
0x6e: {  	_ =	shalt  }
0x6f: {  	_ =	shalt  }
0x70: {  	_ =	shalt  }
0x71: {  	_ =	shalt  }
0x72: {  	_ =	shalt  }
0x73: {  	_ =	shalt  }
0x74: {  	_ =	shalt  }
0x75: {  	_ =	shalt  }
0x76: {  	_ =	shalt  }
0x77: {  	_ =	shalt  }
0x78: {  	_ =	shalt  }
0x79: {  	_ =	shalt  }
0x7a: {  	_ =	shalt  }
0x7b: {  	_ =	shalt  }
0x7c: {  	_ =	shalt  }
0x7d: {  	_ =	shalt  }
0x7e: {  	_ =	shalt  }
0x7f: {  	_ =	shalt  }
0x80: {  	_ =	shalt  }
0x81: {  	_ =	shalt  }
0x82: {  	_ =	shalt  }
0x83: {  	_ =	shalt  }
0x84: {  	_ =	shalt  }
0x85: {  	_ =	shalt  }
0x86: {  	_ =	shalt  }
0x87: {  	_ =	shalt  }
.Lfunc_end0:
.L_simem_size_0:
called_computation.1_lowered:
.L_overlay_start_0:
0x88: {  	s2 =	sld [smem:$0x3FD9]  }
0x89: {  	s3 =	sld [smem:$0x3FFE];
	_ =	sdelay $0x1  }
0x8a: {  	s1 =	srdreg.scid  }
0x8b: {  	s0 =	sand.u32 $0x1, s1  }
0x8c: {  	s17 =	sshll.u32 s0, $0xA;
	s2 =	sadd.s32 s3, s2  }
0x8d: {  	s2 =	sadd.s32 s2, s17  }
0x8e: {  	[smem:$0x3FBB] =	sst s2  }
0x8f: {  	_ = 	snop  }
0x90: {  	s2 =	sld [smem:$0x3FC9];
	(tm) =	ssettm $0x1  }
0x91: {  	s18 =	sld [smem:$0x3FFB];
	_ =	sdelay $0x3  }
0x92: {  	_ =	strace s18  }
0x93: {  	s3 =	sld [smem:$0x3FFC];
	_ =	sdelay $0x3  }
0x94: {  	_ =	strace s3  }
0x95: {  	s3 =	sld [smem:$0x3FFD];
	_ =	sdelay $0x3  }
0x96: {  	_ =	strace s3  }
0x97: {  	_ =	strace $0x8FFFFFFF  }
0x98: {  	s19 =	sld [smem:$0x3FDB];
	_ =	sdelay $0x1  }
0x99: {  	s4 =	simm.s32 $_scs_section_size  }
0x9a: {  	s5 =	simm.s32 $_size__tile_overlayer_lowered;
	s6 =	simm.s32 $_tile_overlayer_lowered  }
0x9b: {  	s22 =	simm.s32 $0x1BFF;
	s21 =	sshll.u32 s6, $0x1;
	s3 =	sadd.s32 s4, s19  }
0x9c: {  	s7 =	simm.s32 $0x0;
	s20 =	sshll.u32 s5, $0x1;
	s5 =	sadd.s32 s21, s3  }
0x9d: {  	[timem:s7], [sflag:s22] =	dma.local [hbm:s5], s20  }
0x9e: {  	_ =	swait.ge [sflag:s22], s20  }
0x9f: {  	s4 =	ssub.s32 $0x0, s20;
	[sflag:s22] =	ssyncset.done $0x0  }
0xa0: {  	[sflag:s22] =	ssyncadd.s32 s4;
	_ =	sdelay $0x1  }
0xa1: {  	s23 =	simm.s32 $0x1B8B  }
0xa2: {  	_ =	swait.ge [sflag:s23], $0x1  }
0xa3: {  	[sflag:s23] =	ssyncset.done $0x0  }
0xa4: {  	s25 =	simm.s32 $0x1B8E;
	s24 =	sld [smem:$0x3FFE];
	[sflag:s23] =	ssyncadd.s32 $0xFFFFFFFF  }
0xa5: {  	s26 =	simm.s32 $execute0_lowered;
	[smem:$0x3FD2] =	sst s25  }
0xa6: {  	s5 =	sshll.u32 s26, $0x1;
	_ =	strace $0x80000046;
	[dreg:$0x1] =	wrdreg $0xFFFFFFFF  }
0xa7: {  	s28 =	simm.s32 $_size_execute0_lowered;
	s3 =	sadd.s32 s3, s5;
	[dreg:$0x0] =	wrdreg $0x0  }
0xa8: {  	s5 =	sshll.u32 s28, $0x1;
	[dreg:$0x2] =	wrdreg s3  }
0xa9: {  	[dreg:$0x3] =	wrdreg s5  }
0xaa: {  	[dreg:$0x4] =	wrdreg $0xC0  }
0xab: {  	_ =	task [dreg:s7], $0x5FFFF  }
0xac: {  	[dreg:$0x1] =	wrdreg $0xFFFFFFFF  }
0xad: {  	[dreg:$0x0] =	wrdreg $0x60  }
0xae: {  	[dreg:$0x2] =	wrdreg s2  }
0xaf: {  	[dreg:$0x3] =	wrdreg s24  }
0xb0: {  	[dreg:$0x4] =	wrdreg $0xA  }
0xb1: {  	_ =	task.clear_ibuf [dreg:s7], $0x5FFFF;
	_ =	strace $0x90000046  }
0xb2: {  	s29 =	simm.s32 $0xA;
	_ =	strace $0x80000048  }
0xb3: {  	_ =	swait.ge [sflag:s29], $0x1  }
0xb4: {  	[sflag:s29] =	ssyncadd.s32 $0xFFFFFFFF  }
0xb5: {  	_ =	strace $0x90000048  }
0xb6: {  	_ =	sfence  }
0xb7: {  	s30 =	sld [smem:$0x0];
	_ =	sdelay $0x2  }
0xb8: {  	s31 =	sshll.u32 s1, $0xD;
	s1 =	sshrl.u32 s1, $0x2  }
0xb9: {  	s3 =	sand.u32 $0x4000, s31;
	s1 =	sadd.s32 s1, s30  }
0xba: {  	s0 =	sor.u32 s3, s0;
	s1 =	sshll.u32 s1, $0x11  }
0xbb: {  	s0 =	sor.u32 s1, s0  }
0xbc: {  	s0 =	sadd.s32 $0x8F2B, s0  }
0xbd: {  	[sflag:s0] =	ssyncadd.remote.s32 $0x1  }
0xbe: {  	_ =	sfence.sel $0xFFFF  }
0xbf: {  	[dreg:$0x0] =	wrdreg $0xFFFFFFFF;
	(pc) =	sbr.abs _section_cstart, $3  }
0xc0: {  	[dreg:$0x1] =	wrdreg $0xFFFFFFFF  }
0xc1: {  	_ =	task.clear_ibuf [dreg:s7], $0x2FFFF;
	_ =	strace $0x9FFFFFFF  }
0xc2: {  	(tm) =	ssettm $0x7FFFFFFF  }
0xc3: {  	_ =	shalt  }
tec
execute0_lowered:
.L_overlay_start_1:
0x0: {  	(tag) =	ssettag $0x1  }
0x1: {  	s1 =	srdreg.scid;
	s0 =	stileid.u32  }
0x2: {  	s18 =	sand.u32 $0x1, s1;
	s30 =	sshll.u32 s0, $0x1  }
0x3: {  	s2 =	rddreg [dreg:$0x0];
	s11 =	sor.u32 s18, s30  }
0x4: {  	s10 =	rddreg [dreg:$0x1];
	s4 =	smul.u32 $0x50, s11  }
0x5: {  	s3 =	simm.s32 $0x0;
	s1 =	rddreg [dreg:$0x2]  }
0x6: {  	[smem:$0x7FF] =	sst s3;
	s4 =	sadd.s32 s4, s10  }
0x7: {  	_ =	strace $0x80000047;
	s5 =	sadd.s32 $0x2000, s4;
	s4 =	simm.s32 $0x3  }
0x8: {  	[tilespmem:s3], [sflag:$0x3] =	stream.linear.gather [hbm4b:s5+s3], $0x280, $0x38;
	[tilespmem:$0x8280] =	vst v63  }
0x9: {  	_ =	swait.ge [sflag:s4], $0x280  }
0xa: {  	[sflag:s4] =	ssyncset.done $0x0  }
0xb: {  	s6 =	simm.s32 $0x80;
	s7 =	simm.s32 $0x280;
	[sflag:s4] =	ssyncadd.s32 $0xFFFFFD80  }
0xc: {  	[tilespmem:s7], [sflag:$0x1] =	stream.indirect.gather [hbm4b:s2+s6], $0x80, s3, s6, $0xb8;
	[tilespmem:$0x8280] =	vst v63  }
0xd: {  	s8 =	simm.s32 $0x4280;
	s9 =	simm.s32 $0x1  }
0xe: {  	[tilespmem:s8], [sflag:$0x2] =	stream.indirect.gather [hbm4b:s2+s6], $0x80, s6, s6, $0xb8;
	[tilespmem:$0x8280] =	vst v63  }
0xf: {  	s12 =	smul.u32 $0x2800, s11;
	_ =	swait.ge [sflag:s9], $0x4000  }
0x10: {  	s13 =	sadd.s32 $0x2A00, s10;
	[sflag:s9] =	ssyncset.done $0x0  }
0x11: {  	s10 =	sadd.s32 s13, s12;
	[sflag:s9] =	ssyncadd.s32 $0xFFFFC000  }
0x12: {  	[hbm4b:s10+s3] =	stream.linear.scatter [tilespmem:s7], [sflag:$0x3], $0x4000, $0x38;
	[tilespmem:$0x8280] =	vst v63  }
0x13: {  	_ =	swait.ge [sflag:s4], $0x4000  }
0x14: {  	s14 =	smul.u32 $0x14000, s11;
	[sflag:s4] =	ssyncset.done $0x0  }
0x15: {  	s11 =	simm.s32 $0x100;
	s12 =	simm.s32 $0x2;
	[sflag:s4] =	ssyncadd.s32 $0xFFFFC000  }
0x16: {  	[tilespmem:s7], [sflag:$0x1] =	stream.indirect.gather [hbm4b:s2+s6], $0x80, s11, s6, $0xb8;
	[tilespmem:$0x8280] =	vst v63  }
0x17: {  	s14 =	sshrl.u32 s14, $0x3;
	_ =	swait.ge [sflag:s12], $0x4000  }
0x18: {  	s19 =	sadd.s32 s13, s14;
	[sflag:s12] =	ssyncset.done $0x0  }
0x19: {  	s13 =	sadd.s32 $0x800, s19;
	[sflag:s12] =	ssyncadd.s32 $0xFFFFC000  }
0x1a: {  	[hbm4b:s13+s3] =	stream.linear.scatter [tilespmem:s8], [sflag:$0x3], $0x4000, $0x38;
	[tilespmem:$0x8280] =	vst v63  }
0x1b: {  	_ =	swait.ge [sflag:s4], $0x4000  }
0x1c: {  	[sflag:s4] =	ssyncset.done $0x0  }
0x1d: {  	s14 =	simm.s32 $0x180;
	[sflag:s4] =	ssyncadd.s32 $0xFFFFC000  }
0x1e: {  	[tilespmem:s8], [sflag:$0x2] =	stream.indirect.gather [hbm4b:s2+s6], $0x80, s14, s6, $0xb8;
	[tilespmem:$0x8280] =	vst v63  }
0x1f: {  	_ =	swait.ge [sflag:s9], $0x4000  }
0x20: {  	[sflag:s9] =	ssyncset.done $0x0  }
0x21: {  	s15 =	sadd.s32 $0x1000, s19;
	[sflag:s9] =	ssyncadd.s32 $0xFFFFC000  }
0x22: {  	[hbm4b:s15+s3] =	stream.linear.scatter [tilespmem:s7], [sflag:$0x3], $0x4000, $0x38;
	[tilespmem:$0x8280] =	vst v63  }
0x23: {  	_ =	swait.ge [sflag:s4], $0x4000  }
0x24: {  	[sflag:s4] =	ssyncset.done $0x0  }
0x25: {  	s16 =	simm.s32 $0x200;
	[sflag:s4] =	ssyncadd.s32 $0xFFFFC000  }
0x26: {  	[tilespmem:s7], [sflag:$0x1] =	stream.indirect.gather [hbm4b:s2+s6], $0x80, s16, s6, $0xb8;
	[tilespmem:$0x8280] =	vst v63  }
0x27: {  	_ =	swait.ge [sflag:s12], $0x4000  }
0x28: {  	[sflag:s12] =	ssyncset.done $0x0  }
0x29: {  	s18 =	ssub.s32 $0x2, s18;
	s17 =	sadd.s32 $0x1800, s19;
	[sflag:s12] =	ssyncadd.s32 $0xFFFFC000  }
0x2a: {  	[hbm4b:s17+s3] =	stream.linear.scatter [tilespmem:s8], [sflag:$0x3], $0x4000, $0x38;
	[tilespmem:$0x8280] =	vst v63  }
0x2b: {  	s20 =	sshrl.u32 s18, $0x1;
	_ =	swait.ge [sflag:s4], $0x4000  }
0x2c: {  	s20 =	ssub.s32 s18, s20;
	[sflag:s4] =	ssyncset.done $0x0  }
0x2d: {  	s31 =	smax.u32 s20, $0x1;
	[sflag:s4] =	ssyncadd.s32 $0xFFFFC000  }
0x2e: {  	p0 =	sne.s32 s31, $0x1;
	_ =	swait.ge [sflag:s9], $0x4000  }
.Ltmp0:
0x2f: {  	[sflag:s9] =	ssyncset.done $0x0;
	(pc) =	sbr.rel @!p0 .LBB2_2-.Ltmp0, $4  }
0x30: {  	s18 =	sadd.s32 $0x2000, s19;
	[sflag:s9] =	ssyncadd.s32 $0xFFFFC000  }
0x31: {  	[hbm4b:s18+s3] =	stream.linear.scatter [tilespmem:s7], [sflag:$0x3], $0x4000, $0x38;
	[tilespmem:$0x8280] =	vst v63  }
0x32: {  	_ =	swait.ge [sflag:s4], $0x4000  }
0x33: {  	s19 =	sadd.s32 $0xFFFFFFFF, s31;
	[sflag:s4] =	ssyncset.done $0x0  }
.LBB2_1:
0x34: {  	p0 =	sne.s32 s19, $0x1;
	s19 =	sadd.s32 $0xFFFFFFFF, s19;
	[sflag:s4] =	ssyncadd.s32 $0xFFFFC000  }
0x35: {  	[tilespmem:s3], [sflag:$0x3] =	stream.linear.gather [hbm4b:s5+s3], $0x280, $0x38;
	[tilespmem:$0x8280] =	vst v63  }
0x36: {  	_ =	swait.ge [sflag:s4], $0x280  }
0x37: {  	[sflag:s4] =	ssyncset.done $0x0  }
0x38: {  	[sflag:s4] =	ssyncadd.s32 $0xFFFFFD80  }
0x39: {  	[tilespmem:s7], [sflag:$0x1] =	stream.indirect.gather [hbm4b:s2+s6], $0x80, s3, s6, $0xb8;
	[tilespmem:$0x8280] =	vst v63  }
0x3a: {  	_ = 	snop  }
0x3b: {  	[tilespmem:s8], [sflag:$0x2] =	stream.indirect.gather [hbm4b:s2+s6], $0x80, s6, s6, $0xb8;
	[tilespmem:$0x8280] =	vst v63  }
0x3c: {  	_ =	swait.ge [sflag:s9], $0x4000  }
0x3d: {  	[sflag:s9] =	ssyncset.done $0x0  }
0x3e: {  	[sflag:s9] =	ssyncadd.s32 $0xFFFFC000  }
0x3f: {  	[hbm4b:s10+s3] =	stream.linear.scatter [tilespmem:s7], [sflag:$0x3], $0x4000, $0x38;
	[tilespmem:$0x8280] =	vst v63  }
0x40: {  	_ =	swait.ge [sflag:s4], $0x4000  }
0x41: {  	[sflag:s4] =	ssyncset.done $0x0  }
0x42: {  	[sflag:s4] =	ssyncadd.s32 $0xFFFFC000  }
0x43: {  	[tilespmem:s7], [sflag:$0x1] =	stream.indirect.gather [hbm4b:s2+s6], $0x80, s11, s6, $0xb8;
	[tilespmem:$0x8280] =	vst v63  }
0x44: {  	_ =	swait.ge [sflag:s12], $0x4000  }
0x45: {  	[sflag:s12] =	ssyncset.done $0x0  }
0x46: {  	[sflag:s12] =	ssyncadd.s32 $0xFFFFC000  }
0x47: {  	[hbm4b:s13+s3] =	stream.linear.scatter [tilespmem:s8], [sflag:$0x3], $0x4000, $0x38;
	[tilespmem:$0x8280] =	vst v63  }
0x48: {  	_ =	swait.ge [sflag:s4], $0x4000  }
0x49: {  	[sflag:s4] =	ssyncset.done $0x0  }
0x4a: {  	[sflag:s4] =	ssyncadd.s32 $0xFFFFC000  }
0x4b: {  	[tilespmem:s8], [sflag:$0x2] =	stream.indirect.gather [hbm4b:s2+s6], $0x80, s14, s6, $0xb8;
	[tilespmem:$0x8280] =	vst v63  }
0x4c: {  	_ =	swait.ge [sflag:s9], $0x4000  }
0x4d: {  	[sflag:s9] =	ssyncset.done $0x0  }
0x4e: {  	[sflag:s9] =	ssyncadd.s32 $0xFFFFC000  }
0x4f: {  	[hbm4b:s15+s3] =	stream.linear.scatter [tilespmem:s7], [sflag:$0x3], $0x4000, $0x38;
	[tilespmem:$0x8280] =	vst v63  }
0x50: {  	_ =	swait.ge [sflag:s4], $0x4000  }
0x51: {  	[sflag:s4] =	ssyncset.done $0x0  }
0x52: {  	[sflag:s4] =	ssyncadd.s32 $0xFFFFC000  }
0x53: {  	[tilespmem:s7], [sflag:$0x1] =	stream.indirect.gather [hbm4b:s2+s6], $0x80, s16, s6, $0xb8;
	[tilespmem:$0x8280] =	vst v63  }
0x54: {  	_ =	swait.ge [sflag:s12], $0x4000  }
0x55: {  	[sflag:s12] =	ssyncset.done $0x0  }
0x56: {  	[sflag:s12] =	ssyncadd.s32 $0xFFFFC000  }
0x57: {  	[hbm4b:s17+s3] =	stream.linear.scatter [tilespmem:s8], [sflag:$0x3], $0x4000, $0x38;
	[tilespmem:$0x8280] =	vst v63  }
0x58: {  	_ =	swait.ge [sflag:s4], $0x4000  }
0x59: {  	[sflag:s4] =	ssyncset.done $0x0  }
0x5a: {  	[sflag:s4] =	ssyncadd.s32 $0xFFFFC000  }
0x5b: {  	_ =	swait.ge [sflag:s9], $0x4000  }
.Ltmp1:
0x5c: {  	[sflag:s9] =	ssyncset.done $0x0;
	(pc) =	sbr.rel @p0 .LBB2_1-.Ltmp1, $4  }
0x5d: {  	[sflag:s9] =	ssyncadd.s32 $0xFFFFC000  }
0x5e: {  	[hbm4b:s18+s3] =	stream.linear.scatter [tilespmem:s7], [sflag:$0x3], $0x4000, $0x38;
	[tilespmem:$0x8280] =	vst v63  }
0x5f: {  	_ =	swait.ge [sflag:s4], $0x4000  }
0x60: {  	[sflag:s4] =	ssyncset.done $0x0  }
.LBB2_2:
0x61: {  	[sflag:s4] =	ssyncadd.s32 $0xFFFFC000  }
0x62: {  	_ =	sfence.sel $0x180000  }
0x63: {  	[bflag:$0x0] =	sbarrier.arrive $0xFFFF  }
0x64: {  	p0 =	sne.s32 s0, $0x0;
	_ =	strace $0x90000047  }
0x65: {  	s0 =	sadd.s32 @!p0 $0x100000, s1;
	[bflag:$0x2] =	sbarrier.arrive $0xFFFF  }
0x66: {  	[sflag:s0] =	ssyncadd.tile.s32 @!p0 $0x1;
	_ =	shalt  }
.Lfunc_end2:
_tile_overlayer_lowered:
.L_overlay_start_2:
0x67: {  	(tag) =	ssettag $0x2  }
0x68: {  	s0 =	rddreg [dreg:$0x0];
	s2 =	stileid.u32  }
0x69: {  	s1 =	rddreg [dreg:$0x1];
	p0 =	sne.s32 s2, $0x0  }
0x6a: {  	s3 =	rddreg [dreg:$0x2];
	[bflag:$0x3] =	sbarrier.arrive $0xFFFF;
	s2 =	simm.s32 @!p0 $0x1C03  }
0x6b: {  	[timem:s3], [sflag:s2] =	dma.local @!p0 [hbm:s0], s1  }
0x6c: {  	s0 =	simm.s32 @!p0 $0x3  }
0x6d: {  	_ =	swait.ge @!p0 [sflag:s0], s1  }
0x6e: {  	s1 =	ssub.s32 @!p0 $0x0, s1;
	[sflag:s0] =	ssyncset.done @!p0 $0x0  }
0x6f: {  	[sflag:s0] =	ssyncadd.s32 @!p0 s1  }
0x70: {  	[bflag:$0x3] =	sbarrier.arrive $0xFFFF  }
0x71: {  	_ =	shalt  }

// kernel: kernel.14.cloned.1.call-start
scs
__scs_entry_jumppad:
0x0: {  	(pc) =	sbr.rel $0x88, $3  }
0x1: {  	(tag) =	ssettag $0x0;
	lr =	simm.s32 $0x1  }
0x2: {  	[smem:$0x3F94] =	sst lr;
	_ =	strace $0xD0000000  }
0x3: {  	_ = 	snop  }
0x4: {  	_ = 	snop  }
0x5: {  	_ = 	snop  }
0x6: {  	_ = 	snop  }
0x7: {  	_ = 	snop  }
__scs_overlays_trampoline_lowered:
0x8: {  	[smem:$0x3FA3] =	sst s0  }
0x9: {  	[smem:$0x3FA4] =	sst s1  }
0xa: {  	[smem:$0x3FA5] =	sst s2  }
0xb: {  	[smem:$0x3FA6] =	sst s3  }
0xc: {  	[smem:$0x3FA7] =	sst s4  }
0xd: {  	[smem:$0x3FA8] =	sst s5  }
0xe: {  	[smem:$0x3FA9] =	sst s6  }
0xf: {  	[smem:$0x3FAA] =	sst s7  }
0x10: {  	[smem:$0x3FAB] =	sst s8  }
0x11: {  	[smem:$0x3FAC] =	sst s9;
	s0 =	simm.s32 @!p0 $0x0  }
0x12: {  	s1 =	sld [smem:$0x3F92];
	s0 =	simm.s32 @p0 $0x1  }
0x13: {  	[smem:$0x3FAD] =	sst s0;
	s0 =	simm.s32 @!p1 $0x0  }
0x14: {  	s2 =	sld [smem:$0x3F91];
	s0 =	simm.s32 @p1 $0x1  }
0x15: {  	[smem:$0x3FAE] =	sst s0;
	s0 =	simm.s32 @!p2 $0x0  }
0x16: {  	s3 =	sld [smem:$0x3FDB];
	s0 =	simm.s32 @p2 $0x1  }
0x17: {  	s4 =	simm.s32 $0x1BF5;
	[smem:$0x3FB0] =	sst s0  }
0x18: {  	s0 =	sld [smem:$0x3F93];
	_ =	swait.ge [sflag:s4], $0x0  }
0x19: {  	s7 =	sld [smem:$0x3F94]  }
0x1a: {  	s8 =	sadd.s32 $0xFFFFE003, lr  }
0x1b: {  	s9 =	sadd.s32 $0xFFFFFEF7, lr;
	s5 =	simm.s32 $0xFFFFFFFF;
	p2 =	slt.u32 s8, $0xFFFFF086  }
0x1c: {  	p1 =	slt.u32 s9, $0xF7A;
	s5 =	simm.s32 @!p2 $0x0  }
0x1d: {  	s5 =	simm.s32 @p1 $0x1;
	p0 =	seq.s32 s7, s2  }
0x1e: {  	s7 =	smul.u32 @!p0 $0xF7A, s2;
	p2 =	seq.s32 @!p0 s5, $0x0  }
0x1f: {  	s9 =	smul.u32 $0xF7A, s1;
	s8 =	simm.s32 @!p0 $0x1BF5;
	p2 =	por !p2, p0  }
0x20: {  	[sflag:s8] =	ssyncset.s32 @!p0 $0xFFFFF086;
	s6 =	sadd.s32 @!p0 s3, s7;
	s7 =	simm.s32 @!p0 $0x108  }
0x21: {  	s3 =	sadd.s32 s3, s9;
	s6 =	sadd.s32 @!p0 $0x88, s6;
	s7 =	simm.s32 @p2 $0x1082  }
0x22: {  	[simem:s7], [sflag:s8] =	dma.local @!p0 [hbm:s6], $0xF7A  }
0x23: {  	s9 =	sor.u32 $0xD0000000, s2;
	s6 =	simm.s32 $0x108;
	_ =	swait.ge @!p0 [sflag:s8], $0x0  }
0x24: {  	s3 =	sadd.s32 $0x88, s3;
	s6 =	simm.s32 @!p1 $0x1082;
	[sflag:s4] =	ssyncset.s32 $0xFFFFF086  }
0x25: {  	[simem:s6], [sflag:s4] =	dma.local [hbm:s3], $0xF7A  }
0x26: {  	[smem:$0x3F94] =	sst s1;
	(tag) =	ssettag s2;
	_ =	strace s9  }
0x27: {  	s1 =	sld [smem:$0x3FA4]  }
0x28: {  	s2 =	sld [smem:$0x3FA5]  }
0x29: {  	s4 =	sld [smem:$0x3FA7]  }
0x2a: {  	p0 =	seq.s32 s5, $0x0;
	s5 =	sld [smem:$0x3FA8]  }
0x2b: {  	s6 =	sld [smem:$0x3FA9]  }
0x2c: {  	s7 =	sld [smem:$0x3FAA]  }
0x2d: {  	s3 =	simm.s32 $0x108;
	s8 =	sld [smem:$0x3FAB]  }
0x2e: {  	s3 =	simm.s32 @!p0 $0x1082;
	s9 =	sld [smem:$0x3FAC]  }
0x2f: {  	lr =	sadd.s32 s0, s3;
	s0 =	sld [smem:$0x3FA3]  }
0x30: {  	s3 =	sld [smem:$0x3FA6]  }
0x31: {  	[smem:$0x3FAF] =	sst s10  }
0x32: {  	s10 =	sld [smem:$0x3FAD];
	_ =	sdelay $0x3  }
0x33: {  	p0 =	seq.s32 s10, $0x1;
	s10 =	sld [smem:$0x3FAF];
	_ =	sdelay $0x3  }
0x34: {  	[smem:$0x3FAF] =	sst s10  }
0x35: {  	s10 =	sld [smem:$0x3FAE];
	_ =	sdelay $0x3  }
0x36: {  	p1 =	seq.s32 s10, $0x1;
	s10 =	sld [smem:$0x3FAF];
	_ =	sdelay $0x3  }
0x37: {  	[smem:$0x3FAF] =	sst s10  }
0x38: {  	s10 =	sld [smem:$0x3FB0]  }
0x39: {  	_ = 	snop;
	(pc) =	sbr.ind lr, $3  }
0x3a: {  	_ = 	snop  }
0x3b: {  	_ = 	snop  }
0x3c: {  	p2 =	seq.s32 s10, $0x1;
	s10 =	sld [smem:$0x3FAF]  }
0x3d: {  	_ =	shalt  }
0x3e: {  	_ =	shalt  }
0x3f: {  	_ =	shalt  }
0x40: {  	_ =	shalt  }
0x41: {  	_ =	shalt  }
0x42: {  	_ =	shalt  }
0x43: {  	_ =	shalt  }
0x44: {  	_ =	shalt  }
0x45: {  	_ =	shalt  }
0x46: {  	_ =	shalt  }
0x47: {  	_ =	shalt  }
0x48: {  	_ =	shalt  }
0x49: {  	_ =	shalt  }
0x4a: {  	_ =	shalt  }
0x4b: {  	_ =	shalt  }
0x4c: {  	_ =	shalt  }
0x4d: {  	_ =	shalt  }
0x4e: {  	_ =	shalt  }
0x4f: {  	_ =	shalt  }
0x50: {  	_ =	shalt  }
0x51: {  	_ =	shalt  }
0x52: {  	_ =	shalt  }
0x53: {  	_ =	shalt  }
0x54: {  	_ =	shalt  }
0x55: {  	_ =	shalt  }
0x56: {  	_ =	shalt  }
0x57: {  	_ =	shalt  }
0x58: {  	_ =	shalt  }
0x59: {  	_ =	shalt  }
0x5a: {  	_ =	shalt  }
0x5b: {  	_ =	shalt  }
0x5c: {  	_ =	shalt  }
0x5d: {  	_ =	shalt  }
0x5e: {  	_ =	shalt  }
0x5f: {  	_ =	shalt  }
0x60: {  	_ =	shalt  }
0x61: {  	_ =	shalt  }
0x62: {  	_ =	shalt  }
0x63: {  	_ =	shalt  }
0x64: {  	_ =	shalt  }
0x65: {  	_ =	shalt  }
0x66: {  	_ =	shalt  }
0x67: {  	_ =	shalt  }
0x68: {  	_ =	shalt  }
0x69: {  	_ =	shalt  }
0x6a: {  	_ =	shalt  }
0x6b: {  	_ =	shalt  }
0x6c: {  	_ =	shalt  }
0x6d: {  	_ =	shalt  }
0x6e: {  	_ =	shalt  }
0x6f: {  	_ =	shalt  }
0x70: {  	_ =	shalt  }
0x71: {  	_ =	shalt  }
0x72: {  	_ =	shalt  }
0x73: {  	_ =	shalt  }
0x74: {  	_ =	shalt  }
0x75: {  	_ =	shalt  }
0x76: {  	_ =	shalt  }
0x77: {  	_ =	shalt  }
0x78: {  	_ =	shalt  }
0x79: {  	_ =	shalt  }
0x7a: {  	_ =	shalt  }
0x7b: {  	_ =	shalt  }
0x7c: {  	_ =	shalt  }
0x7d: {  	_ =	shalt  }
0x7e: {  	_ =	shalt  }
0x7f: {  	_ =	shalt  }
0x80: {  	_ =	shalt  }
0x81: {  	_ =	shalt  }
0x82: {  	_ =	shalt  }
0x83: {  	_ =	shalt  }
0x84: {  	_ =	shalt  }
0x85: {  	_ =	shalt  }
0x86: {  	_ =	shalt  }
0x87: {  	_ =	shalt  }
.Lfunc_end0:
.L_simem_size_0:
called_computation.2_lowered:
.L_overlay_start_0:
0x88: {  	s2 =	sld [smem:$0x3FD9]  }
0x89: {  	s3 =	sld [smem:$0x3FFE];
	_ =	sdelay $0x1  }
0x8a: {  	s1 =	srdreg.scid  }
0x8b: {  	s0 =	sand.u32 $0x1, s1  }
0x8c: {  	s17 =	sshll.u32 s0, $0xA;
	s2 =	sadd.s32 s3, s2  }
0x8d: {  	s2 =	sadd.s32 s2, s17  }
0x8e: {  	[smem:$0x3FBB] =	sst s2  }
0x8f: {  	_ = 	snop  }
0x90: {  	s2 =	sld [smem:$0x3FD0];
	(tm) =	ssettm $0x1  }
0x91: {  	s18 =	sld [smem:$0x3FFB];
	_ =	sdelay $0x3  }
0x92: {  	_ =	strace s18  }
0x93: {  	s3 =	sld [smem:$0x3FFC];
	_ =	sdelay $0x3  }
0x94: {  	_ =	strace s3  }
0x95: {  	s3 =	sld [smem:$0x3FFD];
	_ =	sdelay $0x3  }
0x96: {  	_ =	strace s3  }
0x97: {  	_ =	strace $0x8FFFFFFF  }
0x98: {  	s19 =	sld [smem:$0x3FDB];
	_ =	sdelay $0x1  }
0x99: {  	s4 =	simm.s32 $_scs_section_size  }
0x9a: {  	s5 =	simm.s32 $_size__tile_overlayer_lowered;
	s6 =	simm.s32 $_tile_overlayer_lowered  }
0x9b: {  	s22 =	simm.s32 $0x1BFF;
	s21 =	sshll.u32 s6, $0x1;
	s3 =	sadd.s32 s4, s19  }
0x9c: {  	s7 =	simm.s32 $0x0;
	s20 =	sshll.u32 s5, $0x1;
	s5 =	sadd.s32 s21, s3  }
0x9d: {  	[timem:s7], [sflag:s22] =	dma.local [hbm:s5], s20  }
0x9e: {  	_ =	swait.ge [sflag:s22], s20  }
0x9f: {  	s4 =	ssub.s32 $0x0, s20;
	[sflag:s22] =	ssyncset.done $0x0  }
0xa0: {  	[sflag:s22] =	ssyncadd.s32 s4;
	_ =	sdelay $0x1  }
0xa1: {  	s23 =	simm.s32 $0x1B8B  }
0xa2: {  	_ =	swait.ge [sflag:s23], $0x1  }
0xa3: {  	[sflag:s23] =	ssyncset.done $0x0  }
0xa4: {  	s25 =	simm.s32 $0x1B8E;
	s24 =	sld [smem:$0x3FFE];
	[sflag:s23] =	ssyncadd.s32 $0xFFFFFFFF  }
0xa5: {  	s26 =	simm.s32 $execute0_lowered;
	[smem:$0x3FD2] =	sst s25  }
0xa6: {  	s5 =	sshll.u32 s26, $0x1;
	_ =	strace $0x8000004C;
	[dreg:$0x1] =	wrdreg $0xFFFFFFFF  }
0xa7: {  	s28 =	simm.s32 $_size_execute0_lowered;
	s3 =	sadd.s32 s3, s5;
	[dreg:$0x0] =	wrdreg $0x0  }
0xa8: {  	s5 =	sshll.u32 s28, $0x1;
	[dreg:$0x2] =	wrdreg s3  }
0xa9: {  	[dreg:$0x3] =	wrdreg s5  }
0xaa: {  	[dreg:$0x4] =	wrdreg $0xC0  }
0xab: {  	_ =	task [dreg:s7], $0x5FFFF  }
0xac: {  	[dreg:$0x1] =	wrdreg $0xFFFFFFFF  }
0xad: {  	[dreg:$0x0] =	wrdreg $0x60  }
0xae: {  	[dreg:$0x2] =	wrdreg s2  }
0xaf: {  	[dreg:$0x3] =	wrdreg s24  }
0xb0: {  	[dreg:$0x4] =	wrdreg $0x15000  }
0xb1: {  	[dreg:$0x5] =	wrdreg $0x9  }
0xb2: {  	_ =	task.clear_ibuf [dreg:s7], $0x6FFFF;
	_ =	strace $0x9000004C  }
0xb3: {  	s29 =	simm.s32 $0x9;
	_ =	strace $0x8000004E  }
0xb4: {  	_ =	swait.ge [sflag:s29], $0x1  }
0xb5: {  	[sflag:s29] =	ssyncadd.s32 $0xFFFFFFFF  }
0xb6: {  	_ =	strace $0x9000004E  }
0xb7: {  	_ =	sfence  }
0xb8: {  	s30 =	sld [smem:$0x0];
	_ =	sdelay $0x2  }
0xb9: {  	s31 =	sshll.u32 s1, $0xD;
	s1 =	sshrl.u32 s1, $0x2  }
0xba: {  	s3 =	sand.u32 $0x4000, s31;
	s1 =	sadd.s32 s1, s30  }
0xbb: {  	s0 =	sor.u32 s3, s0;
	s1 =	sshll.u32 s1, $0x11  }
0xbc: {  	s0 =	sor.u32 s1, s0  }
0xbd: {  	s0 =	sadd.s32 $0x8F2B, s0  }
0xbe: {  	[sflag:s0] =	ssyncadd.remote.s32 $0x1  }
0xbf: {  	_ =	sfence.sel $0xFFFF  }
0xc0: {  	[dreg:$0x0] =	wrdreg $0xFFFFFFFF;
	(pc) =	sbr.abs _section_cstart, $3  }
0xc1: {  	[dreg:$0x1] =	wrdreg $0xFFFFFFFF  }
0xc2: {  	_ =	task.clear_ibuf [dreg:s7], $0x2FFFF;
	_ =	strace $0x9FFFFFFF  }
0xc3: {  	(tm) =	ssettm $0x7FFFFFFF  }
tec
execute0_lowered:
.L_overlay_start_1:
0x0: {  	(tag) =	ssettag $0x1  }
0x1: {  	s16 =	rddreg [dreg:$0x0]  }
0x2: {  	s0 =	stileid.u32;
	s29 =	rddreg [dreg:$0x1]  }
0x3: {  	s2 =	rddreg [dreg:$0x2];
	s3 =	simm.s32 $0x0;
	s4 =	smul.u32 $0x5000, s0  }
0x4: {  	s6 =	srdreg.scid;
	[smem:$0x7FF] =	sst s3  }
0x5: {  	s28 =	sand.u32 $0x1, s6;
	s24 =	sshll.u32 s0, $0x1;
	s5 =	sshrl.u32 s4, $0x3  }
0x6: {  	s25 =	sshll.u32 s0, $0x6;
	_ =	strace $0x8000004D;
	s5 =	sadd.s32 s5, s29  }
0x7: {  	s10 =	sor.u32 s28, s24;
	s4 =	sadd.s32 s4, s2;
	s5 =	sadd.s32 $0x16000, s5  }
0x8: {  	s8 =	smul.u32 $0xA0, s10;
	s6 =	sshrl.u32 s4, $0x3;
	[dreg:$0x4] =	wrdreg s5  }
0x9: {  	s4 =	simm.s32 $0x1;
	s5 =	sor.u32 $0x1C01, s25;
	s7 =	rddreg [dreg:$0x4]  }
0xa: {  	[spmem:s6], [sflag:s5] =	dma.local [hbm:s7], $0xA00  }
0xb: {  	_ =	swait.ge [sflag:s4], $0xA00  }
0xc: {  	s26 =	sadd.s32 s8, s29;
	[sflag:s4] =	ssyncset.done $0x0  }
0xd: {  	s7 =	sadd.s32 $0x13EE00, s26;
	[sflag:s4] =	ssyncadd.s32 $0xFFFFF600  }
0xe: {  	[tilespmem:s3], [sflag:$0x1] =	stream.linear.gather [hbm4b:s7+s3], $0x500, $0x38;
	[tilespmem:$0x6500] =	vst v63  }
0xf: {  	_ =	swait.ge [sflag:s4], $0x500  }
0x10: {  	s18 =	smul.u32 $0xA00, s10;
	[sflag:s4] =	ssyncset.done $0x0  }
0x11: {  	[sflag:s4] =	ssyncadd.s32 $0xFFFFFB00  }
0x12: {  	s9 =	simm.s32 $0x500;
	s8 =	sadd.s32 s16, s18;
	[bflag:$0x0] =	sbarrier.arrive $0xFFFF  }
0x13: {  	[tilespmem:s9], [sflag:$0x1] =	stream.linear.gather [hbm4b:s8+s3], $0x1000, $0x38;
	[tilespmem:$0x6500] =	vst v63  }
0x14: {  	_ =	swait.ge [sflag:s4], $0x1000  }
0x15: {  	[sflag:s4] =	ssyncset.done $0x0  }
0x16: {  	s11 =	smul.u32 $0x5000, s10;
	s10 =	simm.s32 $0x80;
	[sflag:s4] =	ssyncadd.s32 $0xFFFFF000  }
0x17: {  	[spmem:s2] =	stream.indirect.scatter.add.f32 [tilespmem:s9], [sflag:$0x1], $0x20, s3, s10, $0xb8;
	[tilespmem:$0x6500] =	vst v63  }
0x18: {  	s17 =	sshrl.u32 s11, $0x3;
	_ =	swait.ge [sflag:s4], $0x1000  }
0x19: {  	s20 =	sadd.s32 $0x200, s17;
	[sflag:s4] =	ssyncset.done $0x0  }
0x1a: {  	s11 =	sadd.s32 s16, s20;
	[sflag:s4] =	ssyncadd.s32 $0xFFFFF000  }
0x1b: {  	[tilespmem:s9], [sflag:$0x1] =	stream.linear.gather [hbm4b:s11+s3], $0x1000, $0x38;
	[tilespmem:$0x6500] =	vst v63  }
0x1c: {  	_ =	swait.ge [sflag:s4], $0x1000  }
0x1d: {  	[sflag:s4] =	ssyncset.done $0x0  }
0x1e: {  	[sflag:s4] =	ssyncadd.s32 $0xFFFFF000  }
0x1f: {  	[spmem:s2] =	stream.indirect.scatter.add.f32 [tilespmem:s9], [sflag:$0x1], $0x20, s10, s10, $0xb8;
	[tilespmem:$0x6500] =	vst v63  }
0x20: {  	_ =	swait.ge [sflag:s4], $0x1000  }
0x21: {  	s22 =	sadd.s32 $0x400, s17;
	[sflag:s4] =	ssyncset.done $0x0  }
0x22: {  	s12 =	sadd.s32 s16, s22;
	[sflag:s4] =	ssyncadd.s32 $0xFFFFF000  }
0x23: {  	[tilespmem:s9], [sflag:$0x1] =	stream.linear.gather [hbm4b:s12+s3], $0x1000, $0x38;
	[tilespmem:$0x6500] =	vst v63  }
0x24: {  	_ =	swait.ge [sflag:s4], $0x1000  }
0x25: {  	[sflag:s4] =	ssyncset.done $0x0  }
0x26: {  	s13 =	simm.s32 $0x100;
	[sflag:s4] =	ssyncadd.s32 $0xFFFFF000  }
0x27: {  	[spmem:s2] =	stream.indirect.scatter.add.f32 [tilespmem:s9], [sflag:$0x1], $0x20, s13, s10, $0xb8;
	[tilespmem:$0x6500] =	vst v63  }
0x28: {  	_ =	swait.ge [sflag:s4], $0x1000  }
0x29: {  	s24 =	sadd.s32 $0x600, s17;
	[sflag:s4] =	ssyncset.done $0x0  }
0x2a: {  	s14 =	sadd.s32 s16, s24;
	[sflag:s4] =	ssyncadd.s32 $0xFFFFF000  }
0x2b: {  	[tilespmem:s9], [sflag:$0x1] =	stream.linear.gather [hbm4b:s14+s3], $0x1000, $0x38;
	[tilespmem:$0x6500] =	vst v63  }
0x2c: {  	_ =	swait.ge [sflag:s4], $0x1000  }
0x2d: {  	[sflag:s4] =	ssyncset.done $0x0  }
0x2e: {  	s15 =	simm.s32 $0x180;
	[sflag:s4] =	ssyncadd.s32 $0xFFFFF000  }
0x2f: {  	[spmem:s2] =	stream.indirect.scatter.add.f32 [tilespmem:s9], [sflag:$0x1], $0x20, s15, s10, $0xb8;
	[tilespmem:$0x6500] =	vst v63  }
0x30: {  	_ =	swait.ge [sflag:s4], $0x1000  }
0x31: {  	s26 =	sadd.s32 $0x800, s17;
	[sflag:s4] =	ssyncset.done $0x0  }
0x32: {  	s16 =	sadd.s32 s16, s26;
	[sflag:s4] =	ssyncadd.s32 $0xFFFFF000  }
0x33: {  	[tilespmem:s9], [sflag:$0x1] =	stream.linear.gather [hbm4b:s16+s3], $0x1000, $0x38;
	[tilespmem:$0x6500] =	vst v63  }
0x34: {  	_ =	swait.ge [sflag:s4], $0x1000  }
0x35: {  	[sflag:s4] =	ssyncset.done $0x0  }
0x36: {  	s17 =	simm.s32 $0x200;
	[sflag:s4] =	ssyncadd.s32 $0xFFFFF000  }
0x37: {  	[spmem:s2] =	stream.indirect.scatter.add.f32 [tilespmem:s9], [sflag:$0x1], $0x20, s17, s10, $0xb8;
	[tilespmem:$0x6500] =	vst v63  }
0x38: {  	_ =	swait.ge [sflag:s4], $0x1000  }
0x39: {  	s30 =	sadd.s32 $0x2000, s29;
	[sflag:s4] =	ssyncset.done $0x0  }
0x3a: {  	s18 =	sadd.s32 s30, s18;
	[sflag:s4] =	ssyncadd.s32 $0xFFFFF000  }
0x3b: {  	[tilespmem:s9], [sflag:$0x1] =	stream.linear.gather [hbm4b:s18+s3], $0x1000, $0x38;
	[tilespmem:$0x6500] =	vst v63  }
0x3c: {  	_ =	swait.ge [sflag:s4], $0x1000  }
0x3d: {  	[sflag:s4] =	ssyncset.done $0x0  }
0x3e: {  	s19 =	simm.s32 $0x280;
	[sflag:s4] =	ssyncadd.s32 $0xFFFFF000  }
0x3f: {  	[spmem:s2] =	stream.indirect.scatter.add.f32 [tilespmem:s9], [sflag:$0x1], $0x20, s19, s10, $0xb8;
	[tilespmem:$0x6500] =	vst v63  }
0x40: {  	_ =	swait.ge [sflag:s4], $0x1000  }
0x41: {  	[sflag:s4] =	ssyncset.done $0x0  }
0x42: {  	s20 =	sadd.s32 s30, s20;
	[sflag:s4] =	ssyncadd.s32 $0xFFFFF000  }
0x43: {  	[tilespmem:s9], [sflag:$0x1] =	stream.linear.gather [hbm4b:s20+s3], $0x1000, $0x38;
	[tilespmem:$0x6500] =	vst v63  }
0x44: {  	_ =	swait.ge [sflag:s4], $0x1000  }
0x45: {  	[sflag:s4] =	ssyncset.done $0x0  }
0x46: {  	s21 =	simm.s32 $0x300;
	[sflag:s4] =	ssyncadd.s32 $0xFFFFF000  }
0x47: {  	[spmem:s2] =	stream.indirect.scatter.add.f32 [tilespmem:s9], [sflag:$0x1], $0x20, s21, s10, $0xb8;
	[tilespmem:$0x6500] =	vst v63  }
0x48: {  	_ =	swait.ge [sflag:s4], $0x1000  }
0x49: {  	[sflag:s4] =	ssyncset.done $0x0  }
0x4a: {  	s22 =	sadd.s32 s30, s22;
	[sflag:s4] =	ssyncadd.s32 $0xFFFFF000  }
0x4b: {  	[tilespmem:s9], [sflag:$0x1] =	stream.linear.gather [hbm4b:s22+s3], $0x1000, $0x38;
	[tilespmem:$0x6500] =	vst v63  }
0x4c: {  	_ =	swait.ge [sflag:s4], $0x1000  }
0x4d: {  	[sflag:s4] =	ssyncset.done $0x0  }
0x4e: {  	s23 =	simm.s32 $0x380;
	[sflag:s4] =	ssyncadd.s32 $0xFFFFF000  }
0x4f: {  	[spmem:s2] =	stream.indirect.scatter.add.f32 [tilespmem:s9], [sflag:$0x1], $0x20, s23, s10, $0xb8;
	[tilespmem:$0x6500] =	vst v63  }
0x50: {  	_ =	swait.ge [sflag:s4], $0x1000  }
0x51: {  	[sflag:s4] =	ssyncset.done $0x0  }
0x52: {  	s24 =	sadd.s32 s30, s24;
	[sflag:s4] =	ssyncadd.s32 $0xFFFFF000  }
0x53: {  	[tilespmem:s9], [sflag:$0x1] =	stream.linear.gather [hbm4b:s24+s3], $0x1000, $0x38;
	[tilespmem:$0x6500] =	vst v63  }
0x54: {  	_ =	swait.ge [sflag:s4], $0x1000  }
0x55: {  	[sflag:s4] =	ssyncset.done $0x0  }
0x56: {  	s25 =	simm.s32 $0x400;
	[sflag:s4] =	ssyncadd.s32 $0xFFFFF000  }
0x57: {  	[spmem:s2] =	stream.indirect.scatter.add.f32 [tilespmem:s9], [sflag:$0x1], $0x20, s25, s10, $0xb8;
	[tilespmem:$0x6500] =	vst v63  }
0x58: {  	_ =	swait.ge [sflag:s4], $0x1000  }
0x59: {  	s31 =	smul.u32 $0x4E20, s0;
	s1 =	ssub.s32 $0x2, s28;
	[sflag:s4] =	ssyncset.done $0x0  }
0x5a: {  	s0 =	sshrl.u32 s1, $0x1;
	s26 =	sadd.s32 s30, s26;
	[sflag:s4] =	ssyncadd.s32 $0xFFFFF000  }
0x5b: {  	[tilespmem:s9], [sflag:$0x1] =	stream.linear.gather [hbm4b:s26+s3], $0x1000, $0x38;
	[tilespmem:$0x6500] =	vst v63  }
0x5c: {  	s0 =	ssub.s32 s1, s0;
	_ =	swait.ge [sflag:s4], $0x1000  }
0x5d: {  	s0 =	smax.u32 s0, $0x1;
	[sflag:s4] =	ssyncset.done $0x0  }
0x5e: {  	s30 =	smul.u32 $0x4E200, s28;
	s28 =	simm.s32 $0x480;
	[sflag:s4] =	ssyncadd.s32 $0xFFFFF000  }
0x5f: {  	[spmem:s2] =	stream.indirect.scatter.add.f32 [tilespmem:s9], [sflag:$0x1], $0x20, s28, s10, $0xb8;
	[tilespmem:$0x6500] =	vst v63  }
0x60: {  	p0 =	sne.s32 s0, $0x1;
	s30 =	sadd.s32 s31, s30;
	_ =	swait.ge [sflag:s4], $0x1000  }
.Ltmp0:
0x61: {  	s30 =	sshrl.u32 s30, $0x3;
	[sflag:s4] =	ssyncset.done $0x0;
	(pc) =	sbr.rel @!p0 .LBB2_2-.Ltmp0, $4  }
0x62: {  	s1 =	sadd.s32 s31, s2;
	s29 =	sadd.s32 s30, s29;
	[sflag:s4] =	ssyncadd.s32 $0xFFFFF000  }
0x63: {  	s30 =	sshrl.u32 s1, $0x3;
	s29 =	sadd.s32 $0x20000, s29;
	[bflag:$0x0] =	sbarrier.arrive $0xFFFF  }
0x64: {  	[hbm:s29], [sflag:s5] =	dma.local [spmem:s30], $0x9C4  }
0x65: {  	s31 =	sadd.s32 $0xFFFFFFFF, s0;
	_ =	swait.ge [sflag:s4], $0x9C4  }
.LBB2_1:
0x66: {  	[sflag:s4] =	ssyncset.done $0x0  }
0x67: {  	s0 =	rddreg [dreg:$0x4];
	[sflag:s4] =	ssyncadd.s32 $0xFFFFF63C  }
0x68: {  	[spmem:s6], [sflag:s5] =	dma.local [hbm:s0], $0xA00  }
0x69: {  	_ =	swait.ge [sflag:s4], $0xA00  }
0x6a: {  	[sflag:s4] =	ssyncset.done $0x0  }
0x6b: {  	[sflag:s4] =	ssyncadd.s32 $0xFFFFF600  }
0x6c: {  	[tilespmem:s3], [sflag:$0x1] =	stream.linear.gather [hbm4b:s7+s3], $0x500, $0x38;
	[tilespmem:$0x6500] =	vst v63  }
0x6d: {  	_ =	swait.ge [sflag:s4], $0x500  }
0x6e: {  	[sflag:s4] =	ssyncset.done $0x0  }
0x6f: {  	[sflag:s4] =	ssyncadd.s32 $0xFFFFFB00  }
0x70: {  	[bflag:$0x0] =	sbarrier.arrive $0xFFFF  }
0x71: {  	[tilespmem:s9], [sflag:$0x1] =	stream.linear.gather [hbm4b:s8+s3], $0x1000, $0x38;
	[tilespmem:$0x6500] =	vst v63  }
0x72: {  	_ =	swait.ge [sflag:s4], $0x1000  }
0x73: {  	[sflag:s4] =	ssyncset.done $0x0  }
0x74: {  	[sflag:s4] =	ssyncadd.s32 $0xFFFFF000  }
0x75: {  	[spmem:s2] =	stream.indirect.scatter.add.f32 [tilespmem:s9], [sflag:$0x1], $0x20, s3, s10, $0xb8;
	[tilespmem:$0x6500] =	vst v63  }
0x76: {  	_ =	swait.ge [sflag:s4], $0x1000  }
0x77: {  	[sflag:s4] =	ssyncset.done $0x0  }
0x78: {  	[sflag:s4] =	ssyncadd.s32 $0xFFFFF000  }
0x79: {  	[tilespmem:s9], [sflag:$0x1] =	stream.linear.gather [hbm4b:s11+s3], $0x1000, $0x38;
	[tilespmem:$0x6500] =	vst v63  }
0x7a: {  	_ =	swait.ge [sflag:s4], $0x1000  }
0x7b: {  	[sflag:s4] =	ssyncset.done $0x0  }
0x7c: {  	[sflag:s4] =	ssyncadd.s32 $0xFFFFF000  }
0x7d: {  	[spmem:s2] =	stream.indirect.scatter.add.f32 [tilespmem:s9], [sflag:$0x1], $0x20, s10, s10, $0xb8;
	[tilespmem:$0x6500] =	vst v63  }
0x7e: {  	_ =	swait.ge [sflag:s4], $0x1000  }
0x7f: {  	[sflag:s4] =	ssyncset.done $0x0  }
0x80: {  	[sflag:s4] =	ssyncadd.s32 $0xFFFFF000  }
0x81: {  	[tilespmem:s9], [sflag:$0x1] =	stream.linear.gather [hbm4b:s12+s3], $0x1000, $0x38;
	[tilespmem:$0x6500] =	vst v63  }
0x82: {  	_ =	swait.ge [sflag:s4], $0x1000  }
0x83: {  	[sflag:s4] =	ssyncset.done $0x0  }
0x84: {  	[sflag:s4] =	ssyncadd.s32 $0xFFFFF000  }
0x85: {  	[spmem:s2] =	stream.indirect.scatter.add.f32 [tilespmem:s9], [sflag:$0x1], $0x20, s13, s10, $0xb8;
	[tilespmem:$0x6500] =	vst v63  }
0x86: {  	_ =	swait.ge [sflag:s4], $0x1000  }
0x87: {  	[sflag:s4] =	ssyncset.done $0x0  }
0x88: {  	[sflag:s4] =	ssyncadd.s32 $0xFFFFF000  }
0x89: {  	[tilespmem:s9], [sflag:$0x1] =	stream.linear.gather [hbm4b:s14+s3], $0x1000, $0x38;
	[tilespmem:$0x6500] =	vst v63  }
0x8a: {  	_ =	swait.ge [sflag:s4], $0x1000  }
0x8b: {  	[sflag:s4] =	ssyncset.done $0x0  }
0x8c: {  	[sflag:s4] =	ssyncadd.s32 $0xFFFFF000  }
0x8d: {  	[spmem:s2] =	stream.indirect.scatter.add.f32 [tilespmem:s9], [sflag:$0x1], $0x20, s15, s10, $0xb8;
	[tilespmem:$0x6500] =	vst v63  }
0x8e: {  	_ =	swait.ge [sflag:s4], $0x1000  }
0x8f: {  	[sflag:s4] =	ssyncset.done $0x0  }
0x90: {  	[sflag:s4] =	ssyncadd.s32 $0xFFFFF000  }
0x91: {  	[tilespmem:s9], [sflag:$0x1] =	stream.linear.gather [hbm4b:s16+s3], $0x1000, $0x38;
	[tilespmem:$0x6500] =	vst v63  }
0x92: {  	_ =	swait.ge [sflag:s4], $0x1000  }
0x93: {  	[sflag:s4] =	ssyncset.done $0x0  }
0x94: {  	[sflag:s4] =	ssyncadd.s32 $0xFFFFF000  }
0x95: {  	[spmem:s2] =	stream.indirect.scatter.add.f32 [tilespmem:s9], [sflag:$0x1], $0x20, s17, s10, $0xb8;
	[tilespmem:$0x6500] =	vst v63  }
0x96: {  	_ =	swait.ge [sflag:s4], $0x1000  }
0x97: {  	[sflag:s4] =	ssyncset.done $0x0  }
0x98: {  	[sflag:s4] =	ssyncadd.s32 $0xFFFFF000  }
0x99: {  	[tilespmem:s9], [sflag:$0x1] =	stream.linear.gather [hbm4b:s18+s3], $0x1000, $0x38;
	[tilespmem:$0x6500] =	vst v63  }
0x9a: {  	_ =	swait.ge [sflag:s4], $0x1000  }
0x9b: {  	[sflag:s4] =	ssyncset.done $0x0  }
0x9c: {  	[sflag:s4] =	ssyncadd.s32 $0xFFFFF000  }
0x9d: {  	[spmem:s2] =	stream.indirect.scatter.add.f32 [tilespmem:s9], [sflag:$0x1], $0x20, s19, s10, $0xb8;
	[tilespmem:$0x6500] =	vst v63  }
0x9e: {  	_ =	swait.ge [sflag:s4], $0x1000  }
0x9f: {  	[sflag:s4] =	ssyncset.done $0x0  }
0xa0: {  	[sflag:s4] =	ssyncadd.s32 $0xFFFFF000  }
0xa1: {  	[tilespmem:s9], [sflag:$0x1] =	stream.linear.gather [hbm4b:s20+s3], $0x1000, $0x38;
	[tilespmem:$0x6500] =	vst v63  }
0xa2: {  	_ =	swait.ge [sflag:s4], $0x1000  }
0xa3: {  	[sflag:s4] =	ssyncset.done $0x0  }
0xa4: {  	[sflag:s4] =	ssyncadd.s32 $0xFFFFF000  }
0xa5: {  	[spmem:s2] =	stream.indirect.scatter.add.f32 [tilespmem:s9], [sflag:$0x1], $0x20, s21, s10, $0xb8;
	[tilespmem:$0x6500] =	vst v63  }
0xa6: {  	_ =	swait.ge [sflag:s4], $0x1000  }
0xa7: {  	[sflag:s4] =	ssyncset.done $0x0  }
0xa8: {  	[sflag:s4] =	ssyncadd.s32 $0xFFFFF000  }
0xa9: {  	[tilespmem:s9], [sflag:$0x1] =	stream.linear.gather [hbm4b:s22+s3], $0x1000, $0x38;
	[tilespmem:$0x6500] =	vst v63  }
0xaa: {  	_ =	swait.ge [sflag:s4], $0x1000  }
0xab: {  	[sflag:s4] =	ssyncset.done $0x0  }
0xac: {  	[sflag:s4] =	ssyncadd.s32 $0xFFFFF000  }
0xad: {  	[spmem:s2] =	stream.indirect.scatter.add.f32 [tilespmem:s9], [sflag:$0x1], $0x20, s23, s10, $0xb8;
	[tilespmem:$0x6500] =	vst v63  }
0xae: {  	_ =	swait.ge [sflag:s4], $0x1000  }
0xaf: {  	[sflag:s4] =	ssyncset.done $0x0  }
0xb0: {  	[sflag:s4] =	ssyncadd.s32 $0xFFFFF000  }
0xb1: {  	[tilespmem:s9], [sflag:$0x1] =	stream.linear.gather [hbm4b:s24+s3], $0x1000, $0x38;
	[tilespmem:$0x6500] =	vst v63  }
0xb2: {  	_ =	swait.ge [sflag:s4], $0x1000  }
0xb3: {  	[sflag:s4] =	ssyncset.done $0x0  }
0xb4: {  	[sflag:s4] =	ssyncadd.s32 $0xFFFFF000  }
0xb5: {  	[spmem:s2] =	stream.indirect.scatter.add.f32 [tilespmem:s9], [sflag:$0x1], $0x20, s25, s10, $0xb8;
	[tilespmem:$0x6500] =	vst v63  }
0xb6: {  	_ =	swait.ge [sflag:s4], $0x1000  }
0xb7: {  	[sflag:s4] =	ssyncset.done $0x0  }
0xb8: {  	[sflag:s4] =	ssyncadd.s32 $0xFFFFF000  }
0xb9: {  	[tilespmem:s9], [sflag:$0x1] =	stream.linear.gather [hbm4b:s26+s3], $0x1000, $0x38;
	[tilespmem:$0x6500] =	vst v63  }
0xba: {  	_ =	swait.ge [sflag:s4], $0x1000  }
0xbb: {  	[sflag:s4] =	ssyncset.done $0x0  }
0xbc: {  	[sflag:s4] =	ssyncadd.s32 $0xFFFFF000  }
0xbd: {  	[spmem:s2] =	stream.indirect.scatter.add.f32 [tilespmem:s9], [sflag:$0x1], $0x20, s28, s10, $0xb8;
	[tilespmem:$0x6500] =	vst v63  }
0xbe: {  	p0 =	sne.s32 s31, $0x1;
	_ =	swait.ge [sflag:s4], $0x1000  }
.Ltmp1:
0xbf: {  	[sflag:s4] =	ssyncset.done $0x0;
	(pc) =	sbr.rel @p0 .LBB2_1-.Ltmp1, $4  }
0xc0: {  	[sflag:s4] =	ssyncadd.s32 $0xFFFFF000  }
0xc1: {  	[bflag:$0x0] =	sbarrier.arrive $0xFFFF  }
0xc2: {  	[hbm:s29], [sflag:s5] =	dma.local [spmem:s30], $0x9C4  }
0xc3: {  	s31 =	sadd.s32 $0xFFFFFFFF, s31;
	_ =	swait.ge [sflag:s4], $0x9C4  }
.LBB2_2:
0xc4: {  	[sflag:s4] =	ssyncset.done $0x0  }
0xc5: {  	[sflag:s4] =	ssyncadd.s32 $0xFFFFF63C  }
0xc6: {  	_ =	sfence.sel $0x180000  }
0xc7: {  	[bflag:$0x0] =	sbarrier.arrive $0xFFFF  }
0xc8: {  	_ =	strace $0x9000004D  }
0xc9: {  	s0 =	stileid.u32;
	[bflag:$0x2] =	sbarrier.arrive $0xFFFF  }
0xca: {  	p0 =	sne.s32 s0, $0x0;
	s0 =	rddreg [dreg:$0x3]  }
0xcb: {  	s0 =	sadd.s32 @!p0 $0x100000, s0  }
0xcc: {  	[sflag:s0] =	ssyncadd.tile.s32 @!p0 $0x1;
	_ =	shalt  }
.Lfunc_end2:
_tile_overlayer_lowered:
.L_overlay_start_2:
0xcd: {  	(tag) =	ssettag $0x2  }
0xce: {  	s0 =	rddreg [dreg:$0x0];
	s2 =	stileid.u32  }
0xcf: {  	s1 =	rddreg [dreg:$0x1];
	p0 =	sne.s32 s2, $0x0  }
0xd0: {  	s3 =	rddreg [dreg:$0x2];
	[bflag:$0x3] =	sbarrier.arrive $0xFFFF;
	s2 =	simm.s32 @!p0 $0x1C01  }
0xd1: {  	[timem:s3], [sflag:s2] =	dma.local @!p0 [hbm:s0], s1  }
0xd2: {  	s0 =	simm.s32 @!p0 $0x1  }
0xd3: {  	_ =	swait.ge @!p0 [sflag:s0], s1  }
0xd4: {  	s1 =	ssub.s32 @!p0 $0x0, s1;
	[sflag:s0] =	ssyncset.done @!p0 $0x0  }
0xd5: {  	[sflag:s0] =	ssyncadd.s32 @!p0 s1  }
0xd6: {  	[bflag:$0x3] =	sbarrier.arrive $0xFFFF  }
0xd7: {  	_ =	shalt  }

// kernel: kernel.8.cloned.1.call-start
scs
__scs_entry_jumppad:
0x0: {  	(pc) =	sbr.rel $0x88, $3  }
0x1: {  	(tag) =	ssettag $0x0;
	lr =	simm.s32 $0x1  }
0x2: {  	[smem:$0x3F94] =	sst lr;
	_ =	strace $0xD0000000  }
0x3: {  	_ = 	snop  }
0x4: {  	_ = 	snop  }
0x5: {  	_ = 	snop  }
0x6: {  	_ = 	snop  }
0x7: {  	_ = 	snop  }
__scs_overlays_trampoline_lowered:
0x8: {  	[smem:$0x3FA3] =	sst s0  }
0x9: {  	[smem:$0x3FA4] =	sst s1  }
0xa: {  	[smem:$0x3FA5] =	sst s2  }
0xb: {  	[smem:$0x3FA6] =	sst s3  }
0xc: {  	[smem:$0x3FA7] =	sst s4  }
0xd: {  	[smem:$0x3FA8] =	sst s5  }
0xe: {  	[smem:$0x3FA9] =	sst s6  }
0xf: {  	[smem:$0x3FAA] =	sst s7  }
0x10: {  	[smem:$0x3FAB] =	sst s8  }
0x11: {  	[smem:$0x3FAC] =	sst s9;
	s0 =	simm.s32 @!p0 $0x0  }
0x12: {  	s1 =	sld [smem:$0x3F92];
	s0 =	simm.s32 @p0 $0x1  }
0x13: {  	[smem:$0x3FAD] =	sst s0;
	s0 =	simm.s32 @!p1 $0x0  }
0x14: {  	s2 =	sld [smem:$0x3F91];
	s0 =	simm.s32 @p1 $0x1  }
0x15: {  	[smem:$0x3FAE] =	sst s0;
	s0 =	simm.s32 @!p2 $0x0  }
0x16: {  	s3 =	sld [smem:$0x3FDB];
	s0 =	simm.s32 @p2 $0x1  }
0x17: {  	s4 =	simm.s32 $0x1BF5;
	[smem:$0x3FB0] =	sst s0  }
0x18: {  	s0 =	sld [smem:$0x3F93];
	_ =	swait.ge [sflag:s4], $0x0  }
0x19: {  	s7 =	sld [smem:$0x3F94]  }
0x1a: {  	s8 =	sadd.s32 $0xFFFFE003, lr  }
0x1b: {  	s9 =	sadd.s32 $0xFFFFFEF7, lr;
	s5 =	simm.s32 $0xFFFFFFFF;
	p2 =	slt.u32 s8, $0xFFFFF086  }
0x1c: {  	p1 =	slt.u32 s9, $0xF7A;
	s5 =	simm.s32 @!p2 $0x0  }
0x1d: {  	s5 =	simm.s32 @p1 $0x1;
	p0 =	seq.s32 s7, s2  }
0x1e: {  	s7 =	smul.u32 @!p0 $0xF7A, s2;
	p2 =	seq.s32 @!p0 s5, $0x0  }
0x1f: {  	s9 =	smul.u32 $0xF7A, s1;
	s8 =	simm.s32 @!p0 $0x1BF5;
	p2 =	por !p2, p0  }
0x20: {  	[sflag:s8] =	ssyncset.s32 @!p0 $0xFFFFF086;
	s6 =	sadd.s32 @!p0 s3, s7;
	s7 =	simm.s32 @!p0 $0x108  }
0x21: {  	s3 =	sadd.s32 s3, s9;
	s6 =	sadd.s32 @!p0 $0x88, s6;
	s7 =	simm.s32 @p2 $0x1082  }
0x22: {  	[simem:s7], [sflag:s8] =	dma.local @!p0 [hbm:s6], $0xF7A  }
0x23: {  	s9 =	sor.u32 $0xD0000000, s2;
	s6 =	simm.s32 $0x108;
	_ =	swait.ge @!p0 [sflag:s8], $0x0  }
0x24: {  	s3 =	sadd.s32 $0x88, s3;
	s6 =	simm.s32 @!p1 $0x1082;
	[sflag:s4] =	ssyncset.s32 $0xFFFFF086  }
0x25: {  	[simem:s6], [sflag:s4] =	dma.local [hbm:s3], $0xF7A  }
0x26: {  	[smem:$0x3F94] =	sst s1;
	(tag) =	ssettag s2;
	_ =	strace s9  }
0x27: {  	s1 =	sld [smem:$0x3FA4]  }
0x28: {  	s2 =	sld [smem:$0x3FA5]  }
0x29: {  	s4 =	sld [smem:$0x3FA7]  }
0x2a: {  	p0 =	seq.s32 s5, $0x0;
	s5 =	sld [smem:$0x3FA8]  }
0x2b: {  	s6 =	sld [smem:$0x3FA9]  }
0x2c: {  	s7 =	sld [smem:$0x3FAA]  }
0x2d: {  	s3 =	simm.s32 $0x108;
	s8 =	sld [smem:$0x3FAB]  }
0x2e: {  	s3 =	simm.s32 @!p0 $0x1082;
	s9 =	sld [smem:$0x3FAC]  }
0x2f: {  	lr =	sadd.s32 s0, s3;
	s0 =	sld [smem:$0x3FA3]  }
0x30: {  	s3 =	sld [smem:$0x3FA6]  }
0x31: {  	[smem:$0x3FAF] =	sst s10  }
0x32: {  	s10 =	sld [smem:$0x3FAD];
	_ =	sdelay $0x3  }
0x33: {  	p0 =	seq.s32 s10, $0x1;
	s10 =	sld [smem:$0x3FAF];
	_ =	sdelay $0x3  }
0x34: {  	[smem:$0x3FAF] =	sst s10  }
0x35: {  	s10 =	sld [smem:$0x3FAE];
	_ =	sdelay $0x3  }
0x36: {  	p1 =	seq.s32 s10, $0x1;
	s10 =	sld [smem:$0x3FAF];
	_ =	sdelay $0x3  }
0x37: {  	[smem:$0x3FAF] =	sst s10  }
0x38: {  	s10 =	sld [smem:$0x3FB0]  }
0x39: {  	_ = 	snop;
	(pc) =	sbr.ind lr, $3  }
0x3a: {  	_ = 	snop  }
0x3b: {  	_ = 	snop  }
0x3c: {  	p2 =	seq.s32 s10, $0x1;
	s10 =	sld [smem:$0x3FAF]  }
0x3d: {  	_ =	shalt  }
0x3e: {  	_ =	shalt  }
0x3f: {  	_ =	shalt  }
0x40: {  	_ =	shalt  }
0x41: {  	_ =	shalt  }
0x42: {  	_ =	shalt  }
0x43: {  	_ =	shalt  }
0x44: {  	_ =	shalt  }
0x45: {  	_ =	shalt  }
0x46: {  	_ =	shalt  }
0x47: {  	_ =	shalt  }
0x48: {  	_ =	shalt  }
0x49: {  	_ =	shalt  }
0x4a: {  	_ =	shalt  }
0x4b: {  	_ =	shalt  }
0x4c: {  	_ =	shalt  }
0x4d: {  	_ =	shalt  }
0x4e: {  	_ =	shalt  }
0x4f: {  	_ =	shalt  }
0x50: {  	_ =	shalt  }
0x51: {  	_ =	shalt  }
0x52: {  	_ =	shalt  }
0x53: {  	_ =	shalt  }
0x54: {  	_ =	shalt  }
0x55: {  	_ =	shalt  }
0x56: {  	_ =	shalt  }
0x57: {  	_ =	shalt  }
0x58: {  	_ =	shalt  }
0x59: {  	_ =	shalt  }
0x5a: {  	_ =	shalt  }
0x5b: {  	_ =	shalt  }
0x5c: {  	_ =	shalt  }
0x5d: {  	_ =	shalt  }
0x5e: {  	_ =	shalt  }
0x5f: {  	_ =	shalt  }
0x60: {  	_ =	shalt  }
0x61: {  	_ =	shalt  }
0x62: {  	_ =	shalt  }
0x63: {  	_ =	shalt  }
0x64: {  	_ =	shalt  }
0x65: {  	_ =	shalt  }
0x66: {  	_ =	shalt  }
0x67: {  	_ =	shalt  }
0x68: {  	_ =	shalt  }
0x69: {  	_ =	shalt  }
0x6a: {  	_ =	shalt  }
0x6b: {  	_ =	shalt  }
0x6c: {  	_ =	shalt  }
0x6d: {  	_ =	shalt  }
0x6e: {  	_ =	shalt  }
0x6f: {  	_ =	shalt  }
0x70: {  	_ =	shalt  }
0x71: {  	_ =	shalt  }
0x72: {  	_ =	shalt  }
0x73: {  	_ =	shalt  }
0x74: {  	_ =	shalt  }
0x75: {  	_ =	shalt  }
0x76: {  	_ =	shalt  }
0x77: {  	_ =	shalt  }
0x78: {  	_ =	shalt  }
0x79: {  	_ =	shalt  }
0x7a: {  	_ =	shalt  }
0x7b: {  	_ =	shalt  }
0x7c: {  	_ =	shalt  }
0x7d: {  	_ =	shalt  }
0x7e: {  	_ =	shalt  }
0x7f: {  	_ =	shalt  }
0x80: {  	_ =	shalt  }
0x81: {  	_ =	shalt  }
0x82: {  	_ =	shalt  }
0x83: {  	_ =	shalt  }
0x84: {  	_ =	shalt  }
0x85: {  	_ =	shalt  }
0x86: {  	_ =	shalt  }
0x87: {  	_ =	shalt  }
.Lfunc_end0:
.L_simem_size_0:
called_computation_lowered:
.L_overlay_start_0:
0x88: {  	s2 =	sld [smem:$0x3FD9]  }
0x89: {  	s3 =	sld [smem:$0x3FFE];
	_ =	sdelay $0x1  }
0x8a: {  	s1 =	srdreg.scid  }
0x8b: {  	s0 =	sand.u32 $0x1, s1  }
0x8c: {  	s17 =	sshll.u32 s0, $0xA;
	s2 =	sadd.s32 s3, s2  }
0x8d: {  	s2 =	sadd.s32 s2, s17  }
0x8e: {  	[smem:$0x3FBB] =	sst s2  }
0x8f: {  	_ = 	snop  }
0x90: {  	s18 =	sld [smem:$0x3FC9]  }
0x91: {  	s4 =	sld [smem:$0x3FD0];
	(tm) =	ssettm $0x1  }
0x92: {  	s19 =	sld [smem:$0x3FFB];
	_ =	sdelay $0x3  }
0x93: {  	_ =	strace s19  }
0x94: {  	s2 =	sld [smem:$0x3FFC];
	_ =	sdelay $0x3  }
0x95: {  	_ =	strace s2  }
0x96: {  	s2 =	sld [smem:$0x3FFD];
	_ =	sdelay $0x3  }
0x97: {  	_ =	strace s2  }
0x98: {  	_ =	strace $0x8FFFFFFF  }
0x99: {  	s20 =	sld [smem:$0x3FDB];
	_ =	sdelay $0x1  }
0x9a: {  	s5 =	simm.s32 $_scs_section_size  }
0x9b: {  	s6 =	simm.s32 $_size__tile_overlayer_lowered;
	s7 =	simm.s32 $_tile_overlayer_lowered  }
0x9c: {  	s8 =	simm.s32 $0x1BFF;
	s21 =	sshll.u32 s7, $0x1;
	s5 =	sadd.s32 s5, s20  }
0x9d: {  	s22 =	simm.s32 $0x0;
	s6 =	sshll.u32 s6, $0x1;
	s7 =	sadd.s32 s21, s5  }
0x9e: {  	[timem:s22], [sflag:s8] =	dma.local [hbm:s7], s6  }
0x9f: {  	_ =	swait.ge [sflag:s8], s6  }
0xa0: {  	s6 =	ssub.s32 $0x0, s6;
	[sflag:s8] =	ssyncset.done $0x0  }
0xa1: {  	[sflag:s8] =	ssyncadd.s32 s6;
	_ =	sdelay $0x1  }
0xa2: {  	s23 =	simm.s32 $0x1B8B  }
0xa3: {  	_ =	swait.ge [sflag:s23], $0x1  }
0xa4: {  	[sflag:s23] =	ssyncset.done $0x0  }
0xa5: {  	[sflag:s23] =	ssyncadd.s32 $0xFFFFFFFF  }
0xa6: {  	s6 =	sld [smem:$0x0]  }
0xa7: {  	s7 =	sand.u32 $0xFFFFFFFE, s1  }
0xa8: {  	p0 =	sne.s32 s1, s7  }
0xa9: {  	s7 =	sshll.u32 @p0 s7, $0xE  }
0xaa: {  	s7 =	sadd.s32 @p0 $0x11B8D, s7;
	s8 =	sshll.u32 @p0 s6, $0x11  }
0xab: {  	s7 =	sor.u32 @p0 s8, s7  }
0xac: {  	[sflag:s7] =	ssyncadd.remote.s32 @p0 $0x1;
	_ =	sdelay $0x1  }
0xad: {  	s7 =	simm.s32 @p0 $0x1B8D  }
0xae: {  	_ =	swait.eq @p0 [sflag:s7], $0x1  }
0xaf: {  	[sflag:s7] =	ssyncadd.s32 @p0 $0xFFFFFFFF  }
0xb0: {  	s8 =	sshll.u32 @!p0 s1, $0xE  }
0xb1: {  	s8 =	sor.u32 @!p0 $0x4000, s8;
	s7 =	simm.s32 @!p0 $0x1B8D  }
0xb2: {  	s6 =	sshll.u32 @!p0 s6, $0x11;
	s8 =	sadd.s32 @!p0 $0x11B8D, s8;
	_ =	swait.eq @!p0 [sflag:s7], $0x1  }
0xb3: {  	s6 =	sor.u32 @!p0 s6, s8;
	[sflag:s7] =	ssyncadd.s32 @!p0 $0xFFFFFFFF  }
0xb4: {  	s25 =	simm.s32 $0x1B8E;
	s24 =	sld [smem:$0x3FFE];
	[sflag:s6] =	ssyncadd.remote.s32 @!p0 $0x1  }
0xb5: {  	s26 =	simm.s32 $execute0_lowered;
	[smem:$0x3FD2] =	sst s25  }
0xb6: {  	s7 =	sshll.u32 s26, $0x1;
	_ =	strace $0x80000049;
	[dreg:$0x1] =	wrdreg $0xFFFFFFFF  }
0xb7: {  	s28 =	simm.s32 $_size_execute0_lowered;
	s5 =	sadd.s32 s5, s7;
	[dreg:$0x0] =	wrdreg $0x0  }
0xb8: {  	s7 =	sshll.u32 s28, $0x1;
	[dreg:$0x2] =	wrdreg s5  }
0xb9: {  	[dreg:$0x3] =	wrdreg s7  }
0xba: {  	[dreg:$0x4] =	wrdreg $0xC0  }
0xbb: {  	_ =	task [dreg:s22], $0x5FFFF  }
0xbc: {  	[dreg:$0x1] =	wrdreg $0xFFFFFFFF  }
0xbd: {  	[dreg:$0x0] =	wrdreg $0x60  }
0xbe: {  	[dreg:$0x2] =	wrdreg s18  }
0xbf: {  	[dreg:$0x3] =	wrdreg s4  }
0xc0: {  	[dreg:$0x4] =	wrdreg s24  }
0xc1: {  	[dreg:$0x5] =	wrdreg $0x9  }
0xc2: {  	_ =	task.clear_ibuf [dreg:s22], $0x6FFFF;
	_ =	strace $0x90000049  }
0xc3: {  	s29 =	simm.s32 $0x9;
	_ =	strace $0x8000004B  }
0xc4: {  	_ =	swait.ge [sflag:s29], $0x1  }
0xc5: {  	[sflag:s29] =	ssyncadd.s32 $0xFFFFFFFF  }
0xc6: {  	_ =	strace $0x9000004B  }
0xc7: {  	_ =	sfence  }
0xc8: {  	s30 =	sld [smem:$0x0];
	_ =	sdelay $0x2  }
0xc9: {  	s31 =	sshll.u32 s1, $0xD;
	s1 =	sshrl.u32 s1, $0x2  }
0xca: {  	s4 =	sand.u32 $0x4000, s31;
	s1 =	sadd.s32 s1, s30  }
0xcb: {  	s0 =	sor.u32 s4, s0;
	s1 =	sshll.u32 s1, $0x11  }
0xcc: {  	s0 =	sor.u32 s1, s0  }
0xcd: {  	s0 =	sadd.s32 $0x8F2B, s0  }
0xce: {  	[sflag:s0] =	ssyncadd.remote.s32 $0x1  }
0xcf: {  	_ =	sfence.sel $0xFFFF  }
0xd0: {  	[dreg:$0x0] =	wrdreg $0xFFFFFFFF;
	(pc) =	sbr.abs _section_cstart, $3  }
0xd1: {  	[dreg:$0x1] =	wrdreg $0xFFFFFFFF  }
0xd2: {  	_ =	task.clear_ibuf [dreg:s22], $0x2FFFF;
	_ =	strace $0x9FFFFFFF  }
0xd3: {  	(tm) =	ssettm $0x7FFFFFFF  }
tec
execute0_lowered:
.L_overlay_start_1:
0x0: {  	(tag) =	ssettag $0x1  }
0x1: {  	s1 =	rddreg [dreg:$0x0]  }
0x2: {  	s2 =	srdreg.scid;
	s0 =	stileid.u32  }
0x3: {  	s4 =	rddreg [dreg:$0x1];
	s18 =	sand.u32 $0x1, s2;
	s30 =	sshll.u32 s0, $0x1  }
0x4: {  	s10 =	rddreg [dreg:$0x2];
	s11 =	sor.u32 s18, s30  }
0x5: {  	s3 =	simm.s32 $0x0;
	s2 =	rddreg [dreg:$0x3];
	s5 =	smul.u32 $0x50, s11  }
0x6: {  	[smem:$0x7FF] =	sst s3  }
0x7: {  	_ =	strace $0x8000004A;
	s5 =	sadd.s32 s4, s5;
	s4 =	simm.s32 $0x3  }
0x8: {  	[tilespmem:s3], [sflag:$0x3] =	stream.linear.gather [hbm4b:s5+s3], $0x280, $0x38;
	[tilespmem:$0x8280] =	vst v63  }
0x9: {  	_ =	swait.ge [sflag:s4], $0x280  }
0xa: {  	[sflag:s4] =	ssyncset.done $0x0  }
0xb: {  	s6 =	simm.s32 $0x80;
	s7 =	simm.s32 $0x280;
	[sflag:s4] =	ssyncadd.s32 $0xFFFFFD80  }
0xc: {  	[tilespmem:s7], [sflag:$0x1] =	stream.indirect.gather [hbm4b:s1+s6], $0x80, s3, s6, $0xb8;
	[tilespmem:$0x8280] =	vst v63  }
0xd: {  	s8 =	simm.s32 $0x4280;
	s9 =	simm.s32 $0x1  }
0xe: {  	[tilespmem:s8], [sflag:$0x2] =	stream.indirect.gather [hbm4b:s1+s6], $0x80, s6, s6, $0xb8;
	[tilespmem:$0x8280] =	vst v63  }
0xf: {  	s12 =	smul.u32 $0x2800, s11;
	_ =	swait.ge [sflag:s9], $0x4000  }
0x10: {  	s13 =	sadd.s32 $0x52A00, s10;
	[sflag:s9] =	ssyncset.done $0x0  }
0x11: {  	s10 =	sadd.s32 s13, s12;
	[sflag:s9] =	ssyncadd.s32 $0xFFFFC000  }
0x12: {  	[hbm4b:s10+s3] =	stream.linear.scatter [tilespmem:s7], [sflag:$0x3], $0x4000, $0x38;
	[tilespmem:$0x8280] =	vst v63  }
0x13: {  	_ =	swait.ge [sflag:s4], $0x4000  }
0x14: {  	s14 =	smul.u32 $0x14000, s11;
	[sflag:s4] =	ssyncset.done $0x0  }
0x15: {  	s11 =	simm.s32 $0x100;
	s12 =	simm.s32 $0x2;
	[sflag:s4] =	ssyncadd.s32 $0xFFFFC000  }
0x16: {  	[tilespmem:s7], [sflag:$0x1] =	stream.indirect.gather [hbm4b:s1+s6], $0x80, s11, s6, $0xb8;
	[tilespmem:$0x8280] =	vst v63  }
0x17: {  	s14 =	sshrl.u32 s14, $0x3;
	_ =	swait.ge [sflag:s12], $0x4000  }
0x18: {  	s19 =	sadd.s32 s13, s14;
	[sflag:s12] =	ssyncset.done $0x0  }
0x19: {  	s13 =	sadd.s32 $0x800, s19;
	[sflag:s12] =	ssyncadd.s32 $0xFFFFC000  }
0x1a: {  	[hbm4b:s13+s3] =	stream.linear.scatter [tilespmem:s8], [sflag:$0x3], $0x4000, $0x38;
	[tilespmem:$0x8280] =	vst v63  }
0x1b: {  	_ =	swait.ge [sflag:s4], $0x4000  }
0x1c: {  	[sflag:s4] =	ssyncset.done $0x0  }
0x1d: {  	s14 =	simm.s32 $0x180;
	[sflag:s4] =	ssyncadd.s32 $0xFFFFC000  }
0x1e: {  	[tilespmem:s8], [sflag:$0x2] =	stream.indirect.gather [hbm4b:s1+s6], $0x80, s14, s6, $0xb8;
	[tilespmem:$0x8280] =	vst v63  }
0x1f: {  	_ =	swait.ge [sflag:s9], $0x4000  }
0x20: {  	[sflag:s9] =	ssyncset.done $0x0  }
0x21: {  	s15 =	sadd.s32 $0x1000, s19;
	[sflag:s9] =	ssyncadd.s32 $0xFFFFC000  }
0x22: {  	[hbm4b:s15+s3] =	stream.linear.scatter [tilespmem:s7], [sflag:$0x3], $0x4000, $0x38;
	[tilespmem:$0x8280] =	vst v63  }
0x23: {  	_ =	swait.ge [sflag:s4], $0x4000  }
0x24: {  	[sflag:s4] =	ssyncset.done $0x0  }
0x25: {  	s16 =	simm.s32 $0x200;
	[sflag:s4] =	ssyncadd.s32 $0xFFFFC000  }
0x26: {  	[tilespmem:s7], [sflag:$0x1] =	stream.indirect.gather [hbm4b:s1+s6], $0x80, s16, s6, $0xb8;
	[tilespmem:$0x8280] =	vst v63  }
0x27: {  	_ =	swait.ge [sflag:s12], $0x4000  }
0x28: {  	[sflag:s12] =	ssyncset.done $0x0  }
0x29: {  	s18 =	ssub.s32 $0x2, s18;
	s17 =	sadd.s32 $0x1800, s19;
	[sflag:s12] =	ssyncadd.s32 $0xFFFFC000  }
0x2a: {  	[hbm4b:s17+s3] =	stream.linear.scatter [tilespmem:s8], [sflag:$0x3], $0x4000, $0x38;
	[tilespmem:$0x8280] =	vst v63  }
0x2b: {  	s20 =	sshrl.u32 s18, $0x1;
	_ =	swait.ge [sflag:s4], $0x4000  }
0x2c: {  	s20 =	ssub.s32 s18, s20;
	[sflag:s4] =	ssyncset.done $0x0  }
0x2d: {  	s31 =	smax.u32 s20, $0x1;
	[sflag:s4] =	ssyncadd.s32 $0xFFFFC000  }
0x2e: {  	p0 =	sne.s32 s31, $0x1;
	_ =	swait.ge [sflag:s9], $0x4000  }
.Ltmp0:
0x2f: {  	[sflag:s9] =	ssyncset.done $0x0;
	(pc) =	sbr.rel @!p0 .LBB2_2-.Ltmp0, $4  }
0x30: {  	s18 =	sadd.s32 $0x2000, s19;
	[sflag:s9] =	ssyncadd.s32 $0xFFFFC000  }
0x31: {  	[hbm4b:s18+s3] =	stream.linear.scatter [tilespmem:s7], [sflag:$0x3], $0x4000, $0x38;
	[tilespmem:$0x8280] =	vst v63  }
0x32: {  	_ =	swait.ge [sflag:s4], $0x4000  }
0x33: {  	s19 =	sadd.s32 $0xFFFFFFFF, s31;
	[sflag:s4] =	ssyncset.done $0x0  }
.LBB2_1:
0x34: {  	p0 =	sne.s32 s19, $0x1;
	s19 =	sadd.s32 $0xFFFFFFFF, s19;
	[sflag:s4] =	ssyncadd.s32 $0xFFFFC000  }
0x35: {  	[tilespmem:s3], [sflag:$0x3] =	stream.linear.gather [hbm4b:s5+s3], $0x280, $0x38;
	[tilespmem:$0x8280] =	vst v63  }
0x36: {  	_ =	swait.ge [sflag:s4], $0x280  }
0x37: {  	[sflag:s4] =	ssyncset.done $0x0  }
0x38: {  	[sflag:s4] =	ssyncadd.s32 $0xFFFFFD80  }
0x39: {  	[tilespmem:s7], [sflag:$0x1] =	stream.indirect.gather [hbm4b:s1+s6], $0x80, s3, s6, $0xb8;
	[tilespmem:$0x8280] =	vst v63  }
0x3a: {  	_ = 	snop  }
0x3b: {  	[tilespmem:s8], [sflag:$0x2] =	stream.indirect.gather [hbm4b:s1+s6], $0x80, s6, s6, $0xb8;
	[tilespmem:$0x8280] =	vst v63  }
0x3c: {  	_ =	swait.ge [sflag:s9], $0x4000  }
0x3d: {  	[sflag:s9] =	ssyncset.done $0x0  }
0x3e: {  	[sflag:s9] =	ssyncadd.s32 $0xFFFFC000  }
0x3f: {  	[hbm4b:s10+s3] =	stream.linear.scatter [tilespmem:s7], [sflag:$0x3], $0x4000, $0x38;
	[tilespmem:$0x8280] =	vst v63  }
0x40: {  	_ =	swait.ge [sflag:s4], $0x4000  }
0x41: {  	[sflag:s4] =	ssyncset.done $0x0  }
0x42: {  	[sflag:s4] =	ssyncadd.s32 $0xFFFFC000  }
0x43: {  	[tilespmem:s7], [sflag:$0x1] =	stream.indirect.gather [hbm4b:s1+s6], $0x80, s11, s6, $0xb8;
	[tilespmem:$0x8280] =	vst v63  }
0x44: {  	_ =	swait.ge [sflag:s12], $0x4000  }
0x45: {  	[sflag:s12] =	ssyncset.done $0x0  }
0x46: {  	[sflag:s12] =	ssyncadd.s32 $0xFFFFC000  }
0x47: {  	[hbm4b:s13+s3] =	stream.linear.scatter [tilespmem:s8], [sflag:$0x3], $0x4000, $0x38;
	[tilespmem:$0x8280] =	vst v63  }
0x48: {  	_ =	swait.ge [sflag:s4], $0x4000  }
0x49: {  	[sflag:s4] =	ssyncset.done $0x0  }
0x4a: {  	[sflag:s4] =	ssyncadd.s32 $0xFFFFC000  }
0x4b: {  	[tilespmem:s8], [sflag:$0x2] =	stream.indirect.gather [hbm4b:s1+s6], $0x80, s14, s6, $0xb8;
	[tilespmem:$0x8280] =	vst v63  }
0x4c: {  	_ =	swait.ge [sflag:s9], $0x4000  }
0x4d: {  	[sflag:s9] =	ssyncset.done $0x0  }
0x4e: {  	[sflag:s9] =	ssyncadd.s32 $0xFFFFC000  }
0x4f: {  	[hbm4b:s15+s3] =	stream.linear.scatter [tilespmem:s7], [sflag:$0x3], $0x4000, $0x38;
	[tilespmem:$0x8280] =	vst v63  }
0x50: {  	_ =	swait.ge [sflag:s4], $0x4000  }
0x51: {  	[sflag:s4] =	ssyncset.done $0x0  }
0x52: {  	[sflag:s4] =	ssyncadd.s32 $0xFFFFC000  }
0x53: {  	[tilespmem:s7], [sflag:$0x1] =	stream.indirect.gather [hbm4b:s1+s6], $0x80, s16, s6, $0xb8;
	[tilespmem:$0x8280] =	vst v63  }
0x54: {  	_ =	swait.ge [sflag:s12], $0x4000  }
0x55: {  	[sflag:s12] =	ssyncset.done $0x0  }
0x56: {  	[sflag:s12] =	ssyncadd.s32 $0xFFFFC000  }
0x57: {  	[hbm4b:s17+s3] =	stream.linear.scatter [tilespmem:s8], [sflag:$0x3], $0x4000, $0x38;
	[tilespmem:$0x8280] =	vst v63  }
0x58: {  	_ =	swait.ge [sflag:s4], $0x4000  }
0x59: {  	[sflag:s4] =	ssyncset.done $0x0  }
0x5a: {  	[sflag:s4] =	ssyncadd.s32 $0xFFFFC000  }
0x5b: {  	_ =	swait.ge [sflag:s9], $0x4000  }
.Ltmp1:
0x5c: {  	[sflag:s9] =	ssyncset.done $0x0;
	(pc) =	sbr.rel @p0 .LBB2_1-.Ltmp1, $4  }
0x5d: {  	[sflag:s9] =	ssyncadd.s32 $0xFFFFC000  }
0x5e: {  	[hbm4b:s18+s3] =	stream.linear.scatter [tilespmem:s7], [sflag:$0x3], $0x4000, $0x38;
	[tilespmem:$0x8280] =	vst v63  }
0x5f: {  	_ =	swait.ge [sflag:s4], $0x4000  }
0x60: {  	[sflag:s4] =	ssyncset.done $0x0  }
.LBB2_2:
0x61: {  	[sflag:s4] =	ssyncadd.s32 $0xFFFFC000  }
0x62: {  	_ =	sfence.sel $0x180000  }
0x63: {  	[bflag:$0x0] =	sbarrier.arrive $0xFFFF  }
0x64: {  	p0 =	sne.s32 s0, $0x0;
	_ =	strace $0x9000004A  }
0x65: {  	s0 =	sadd.s32 @!p0 $0x100000, s2;
	[bflag:$0x2] =	sbarrier.arrive $0xFFFF  }
0x66: {  	[sflag:s0] =	ssyncadd.tile.s32 @!p0 $0x1;
	_ =	shalt  }
.Lfunc_end2:
_tile_overlayer_lowered:
.L_overlay_start_2:
0x67: {  	(tag) =	ssettag $0x2  }
0x68: {  	s0 =	rddreg [dreg:$0x0];
	s2 =	stileid.u32  }
0x69: {  	s1 =	rddreg [dreg:$0x1];
	p0 =	sne.s32 s2, $0x0  }
0x6a: {  	s3 =	rddreg [dreg:$0x2];
	[bflag:$0x3] =	sbarrier.arrive $0xFFFF;
	s2 =	simm.s32 @!p0 $0x1C03  }
0x6b: {  	[timem:s3], [sflag:s2] =	dma.local @!p0 [hbm:s0], s1  }
0x6c: {  	s0 =	simm.s32 @!p0 $0x3  }
0x6d: {  	_ =	swait.ge @!p0 [sflag:s0], s1  }
0x6e: {  	s1 =	ssub.s32 @!p0 $0x0, s1;
	[sflag:s0] =	ssyncset.done @!p0 $0x0  }
0x6f: {  	[sflag:s0] =	ssyncadd.s32 @!p0 s1  }
0x70: {  	[bflag:$0x3] =	sbarrier.arrive $0xFFFF  }
0x71: {  	_ =	shalt  }

</sc_bundles>
